<compile_context>
chip_gen: v7x
topology: tpu7x:2x2x1
jax: 0.10.2.dev20260603
libtpu: 0.0.44.dev20260713+nightly
codegen_flags: <defaults>
</compile_context>

<pallas_src>
import jax
import jax.numpy as jnp
from jax import lax
from jax.experimental import pallas as pl
from jax.experimental.pallas import tpu as pltpu
from jax.experimental.pallas import tpu_sc as plsc

NC = 2
NS = 16
NW = NC * NS
CHUNK = 128
ZR = 8


def _zero_fill(ref, nrows, d):
    zero16 = jnp.zeros((16,), jnp.float32)

    @pl.loop(0, nrows)
    def _(i):
        @pl.loop(0, d // 16)
        def _(c):
            ref[i, pl.ds(c * 16, 16)] = zero16


def _sc_segment_sum(hm, edge_index):
    n, d = hm.shape
    e = edge_index.shape[1]
    nchunks = e // CHUNK
    iters = (nchunks + NW - 1) // NW
    nblk = n // ZR
    blk_iters = (nblk + NS - 1) // NS
    mesh = plsc.VectorSubcoreMesh(core_axis_name="c", subcore_axis_name="s")

    def body(hm_hbm, ei_hbm, out_hbm, srcv0, dstv0, rows0, srcv1, dstv1,
             rows1, zbuf, acc, sem0, sem1):
        cid = lax.axis_index("c")
        sid = lax.axis_index("s")
        wid = sid * NC + cid
        bufs = ((srcv0, dstv0, rows0, sem0), (srcv1, dstv1, rows1, sem1))

        _zero_fill(zbuf, ZR, d)

        @pl.loop(0, blk_iters)
        def _(t):
            b = t * NS + sid

            @pl.when(b < nblk)
            def _():
                pltpu.sync_copy(zbuf, acc.at[pl.ds(b * ZR, ZR)])

        plsc.subcore_barrier()

        def issue(slot, j):
            srcv, dstv, rows, sem = bufs[slot]
            g = j * NW + wid

            @pl.when(g < nchunks)
            def _():
                base = g * CHUNK
                pltpu.sync_copy(ei_hbm.at[0, pl.ds(base, CHUNK)], srcv)
                pltpu.sync_copy(ei_hbm.at[1, pl.ds(base, CHUNK)], dstv)
                pltpu.async_copy(hm_hbm.at[srcv], rows, sem)

        def drain(slot, j):
            srcv, dstv, rows, sem = bufs[slot]
            g = j * NW + wid

            @pl.when(g < nchunks)
            def _():
                pltpu.make_async_copy(hm_hbm.at[srcv], rows, sem).wait()
                pltpu.sync_copy(rows, acc.at[dstv], add=True)

        issue(0, 0)

        @pl.loop(0, (iters + 1) // 2)
        def _(t):
            for b in range(2):
                j = t * 2 + b
                issue((b + 1) % 2, j + 1)
                drain(b, j)

        plsc.subcore_barrier()

        @pl.loop(0, blk_iters)
        def _(t):
            b = t * NS + sid

            @pl.when(b < nblk)
            def _():
                r0 = b * ZR
                pltpu.sync_copy(acc.at[pl.ds(r0, ZR)],
                                out_hbm.at[cid, pl.ds(r0, ZR)])

    k = pl.kernel(
        body,
        out_type=jax.ShapeDtypeStruct((NC, n, d), jnp.float32),
        mesh=mesh,
        scratch_types=[
            pltpu.VMEM((CHUNK,), jnp.int32),
            pltpu.VMEM((CHUNK,), jnp.int32),
            pltpu.VMEM((CHUNK, d), jnp.float32),
            pltpu.VMEM((CHUNK,), jnp.int32),
            pltpu.VMEM((CHUNK,), jnp.int32),
            pltpu.VMEM((CHUNK, d), jnp.float32),
            pltpu.VMEM((ZR, d), jnp.float32),
            pltpu.VMEM_SHARED((n, d), jnp.float32),
            pltpu.SemaphoreType.DMA,
            pltpu.SemaphoreType.DMA,
        ],
    )
    return k(hm, edge_index)


def _sc_degree(edge_index, n, d):
    e = edge_index.shape[1]
    nchunks = e // CHUNK
    iters = (nchunks + NW - 1) // NW
    nblk = n // ZR
    blk_iters = (nblk + NS - 1) // NS
    mesh = plsc.VectorSubcoreMesh(core_axis_name="c", subcore_axis_name="s")

    def body(ei_hbm, out_hbm, dstv, onesv, zbuf, acc, sem):
        cid = lax.axis_index("c")
        sid = lax.axis_index("s")
        wid = sid * NC + cid

        _zero_fill(zbuf, ZR, d)
        one16 = jnp.ones((16,), jnp.float32)

        @pl.loop(0, CHUNK)
        def _(i):
            @pl.loop(0, d // 16)
            def _(c):
                onesv[i, pl.ds(c * 16, 16)] = one16

        @pl.loop(0, blk_iters)
        def _(t):
            b = t * NS + sid

            @pl.when(b < nblk)
            def _():
                pltpu.sync_copy(zbuf, acc.at[pl.ds(b * ZR, ZR)])

        plsc.subcore_barrier()

        @pl.loop(0, iters)
        def _(j):
            g = j * NW + wid

            @pl.when(g < nchunks)
            def _():
                pltpu.sync_copy(ei_hbm.at[1, pl.ds(g * CHUNK, CHUNK)], dstv)
                pltpu.sync_copy(onesv, acc.at[dstv], add=True)

        plsc.subcore_barrier()

        @pl.loop(0, blk_iters)
        def _(t):
            b = t * NS + sid

            @pl.when(b < nblk)
            def _():
                r0 = b * ZR
                pltpu.sync_copy(acc.at[pl.ds(r0, ZR)],
                                out_hbm.at[cid, pl.ds(r0, ZR)])

    k = pl.kernel(
        body,
        out_type=jax.ShapeDtypeStruct((NC, n, d), jnp.float32),
        mesh=mesh,
        scratch_types=[
            pltpu.VMEM((CHUNK,), jnp.int32),
            pltpu.VMEM((CHUNK, d), jnp.float32),
            pltpu.VMEM((ZR, d), jnp.float32),
            pltpu.VMEM_SHARED((n, d), jnp.float32),
            pltpu.SemaphoreType.DMA,
        ],
    )
    return k(edge_index)


def _sc_decode_gather(z, eli):
    n, d = z.shape
    el = eli.shape[1]
    per_w = el // NW
    mesh = plsc.VectorSubcoreMesh(core_axis_name="c", subcore_axis_name="s")

    def body(z_hbm, eli_hbm, za_hbm, zb_hbm, idxv, rows, sem):
        cid = lax.axis_index("c")
        sid = lax.axis_index("s")
        wid = sid * NC + cid
        base = wid * per_w
        pltpu.sync_copy(eli_hbm.at[0, pl.ds(base, per_w)], idxv)
        pltpu.async_copy(z_hbm.at[idxv], rows, sem).wait()
        pltpu.sync_copy(rows, za_hbm.at[pl.ds(base, per_w)])
        pltpu.sync_copy(eli_hbm.at[1, pl.ds(base, per_w)], idxv)
        pltpu.async_copy(z_hbm.at[idxv], rows, sem).wait()
        pltpu.sync_copy(rows, zb_hbm.at[pl.ds(base, per_w)])

    k = pl.kernel(
        body,
        out_type=[jax.ShapeDtypeStruct((el, d), jnp.float32)] * 2,
        mesh=mesh,
        scratch_types=[
            pltpu.VMEM((per_w,), jnp.int32),
            pltpu.VMEM((per_w, d), jnp.float32),
            pltpu.SemaphoreType.DMA,
        ],
    )
    return k(z, eli)


_BLK = 1000


def _tc_embed(x, w_hl, b_hl, w_msg0):
    n, d = x.shape

    def body(x_ref, whl_ref, b_ref, wm_ref, h_ref, hm_ref):
        h = jnp.tanh(jnp.dot(x_ref[...], whl_ref[...],
                             preferred_element_type=jnp.float32) + b_ref[...])
        h_ref[...] = h
        hm_ref[...] = jnp.dot(h, wm_ref[...], preferred_element_type=jnp.float32)

    return pl.pallas_call(
        body,
        grid=(n // _BLK,),
        in_specs=[
            pl.BlockSpec((_BLK, d), lambda i: (i, 0)),
            pl.BlockSpec((d, d), lambda i: (0, 0)),
            pl.BlockSpec((1, d), lambda i: (0, 0)),
            pl.BlockSpec((d, d), lambda i: (0, 0)),
        ],
        out_specs=[
            pl.BlockSpec((_BLK, d), lambda i: (i, 0)),
            pl.BlockSpec((_BLK, d), lambda i: (i, 0)),
        ],
        out_shape=[jax.ShapeDtypeStruct((n, d), jnp.float32)] * 2,
    )(x, w_hl, b_hl.reshape(1, d), w_msg0)


def _tc_update(partials, degp, h, w_upd, w_msg):
    n, d = h.shape
    n_out = 1 if w_msg is None else 2

    def body(p_ref, dg_ref, h_ref, wu_ref, *rest):
        if w_msg is None:
            (h1_ref,) = rest
        else:
            wm_ref, h1_ref, hm1_ref = rest
        deg = dg_ref[0, :, 0:1] + dg_ref[1, :, 0:1]
        deg = jnp.maximum(deg, 1.0)
        agg = (p_ref[0] + p_ref[1]) / deg
        h1 = jnp.dot(agg, wu_ref[...], preferred_element_type=jnp.float32) + h_ref[...]
        if w_msg is None:
            h1_ref[...] = h1
        else:
            h1 = jnp.maximum(h1, 0.0)
            h1_ref[...] = h1
            hm1_ref[...] = jnp.dot(h1, wm_ref[...], preferred_element_type=jnp.float32)

    in_specs = [
        pl.BlockSpec((NC, _BLK, d), lambda i: (0, i, 0)),
        pl.BlockSpec((NC, _BLK, d), lambda i: (0, i, 0)),
        pl.BlockSpec((_BLK, d), lambda i: (i, 0)),
        pl.BlockSpec((d, d), lambda i: (0, 0)),
    ]
    args = [partials, degp, h, w_upd]
    if w_msg is not None:
        in_specs.append(pl.BlockSpec((d, d), lambda i: (0, 0)))
        args.append(w_msg)

    return pl.pallas_call(
        body,
        grid=(n // _BLK,),
        in_specs=in_specs,
        out_specs=[pl.BlockSpec((_BLK, d), lambda i: (i, 0))] * n_out,
        out_shape=[jax.ShapeDtypeStruct((n, d), jnp.float32)] * n_out,
    )(*args)


def _tc_dot(za, zb):
    el, d = za.shape

    def body(a_ref, b_ref, s_ref):
        s_ref[...] = jnp.sum(a_ref[...] * b_ref[...], axis=1)

    return pl.pallas_call(
        body,
        out_shape=jax.ShapeDtypeStruct((el,), jnp.float32),
    )(za, zb)


def kernel(x, edge_index, edge_label_index, W_hl, b_hl, W_msg0, W_upd0,
           W_msg1, W_upd1):
    n, d = x.shape
    degp = _sc_degree(edge_index, n, d)
    h, hm0 = _tc_embed(x, W_hl, b_hl, W_msg0)
    p0 = _sc_segment_sum(hm0, edge_index)
    h1, hm1 = _tc_update(p0, degp, h, W_upd0, W_msg1)
    p1 = _sc_segment_sum(hm1, edge_index)
    (z,) = _tc_update(p1, degp, h1, W_upd1, None)
    za, zb = _sc_decode_gather(z, edge_label_index)
    return _tc_dot(za, zb)

# --- scband reference (transcript-rebuilt; emitter-appended) ---
"""Pipeline reference for scband-dhnet-22247930593797 (READ-ONLY COPY).

The authoritative reference and input builder live on the scoring server;
editing this copy changes nothing except your own understanding.
"""

import jax, jax.numpy as jnp
import numpy as np

N = 10000
E = 320000
D = 128
EL = 4096


def setup_inputs(seed: int = 0) -> dict:
    key = jax.random.key(seed)
    ks = jax.random.split(key, 10)
    x = jax.random.normal(ks[0], (N, D), dtype=jnp.float32)
    edge_index = jax.random.randint(ks[1], (2, E), 0, N).astype(jnp.int32)
    edge_label_index = jax.random.randint(ks[2], (2, EL), 0, N).astype(jnp.int32)
    scale = 1.0 / np.sqrt(D)
    W_hl = jax.random.normal(ks[3], (D, D), dtype=jnp.float32) * scale
    b_hl = jnp.zeros((D,), dtype=jnp.float32)
    W_msg0 = jax.random.normal(ks[4], (D, D), dtype=jnp.float32) * scale
    W_upd0 = jax.random.normal(ks[5], (D, D), dtype=jnp.float32) * scale
    W_msg1 = jax.random.normal(ks[6], (D, D), dtype=jnp.float32) * scale
    W_upd1 = jax.random.normal(ks[7], (D, D), dtype=jnp.float32) * scale
    return {
        'x': x,
        'edge_index': edge_index,
        'edge_label_index': edge_label_index,
        'W_hl': W_hl,
        'b_hl': b_hl,
        'W_msg0': W_msg0,
        'W_upd0': W_upd0,
        'W_msg1': W_msg1,
        'W_upd1': W_upd1,
    }


def reference(x, edge_index, edge_label_index, W_hl, b_hl, W_msg0, W_upd0, W_msg1, W_upd1):
    # featemb = identity; hlinear: per-ntype linear + tanh (single node type)
    h = jnp.tanh(x @ W_hl + b_hl)
    src = edge_index[0]
    dst = edge_index[1]
    # degree for mean aggregation (HGT-style normalized message passing)
    deg = jax.ops.segment_sum(jnp.ones((E,), dtype=jnp.float32), dst, num_segments=N)
    deg = jnp.maximum(deg, 1.0)
    # space/conv layer 0: gather src features, transform, scatter-mean to dst, residual update
    m = h[src] @ W_msg0
    agg = jax.ops.segment_sum(m, dst, num_segments=N) / deg[:, None]
    h = agg @ W_upd0 + h
    # HAct(relu) between conv layers (not after last)
    h = jax.nn.relu(h)
    # space/conv layer 1
    m = h[src] @ W_msg1
    agg = jax.ops.segment_sum(m, dst, num_segments=N) / deg[:, None]
    h = agg @ W_upd1 + h
    # agg='last', predict_type='node' -> take final embedding of that ntype
    z = h
    # decode: dot-product link prediction on edge_label_index
    scores = (z[edge_label_index[0]] * z[edge_label_index[1]]).sum(axis=-1)
    return scores

if __name__ == "__main__":
    import jax
    _d = setup_inputs()
    print(jax.jit(kernel)(*tuple(_d.values())))

</pallas_src>

<mosaic_0001>
#map = affine_map<(d0, d1) -> (0, 0)>
#map1 = affine_map<(d0, d1) -> (0, 0, 0)>
module attributes {stable_mosaic.version = 14 : i64} {
  func.func @body(%arg0: i32, %arg1: i32, %arg2: memref<2x320000xi32, #tpu.memory_space<hbm>>, %arg3: memref<2x10000x128xf32, #tpu.memory_space<hbm>>, %arg4: memref<128xi32, #tpu.memory_space<vmem>>, %arg5: memref<128x128xf32, #tpu.memory_space<vmem>>, %arg6: memref<8x128xf32, #tpu.memory_space<vmem>>, %arg7: memref<10000x128xf32, #tpu.memory_space<vmem_shared>>, %arg8: memref<!tpu.dma_semaphore, #tpu.memory_space<semaphore_mem>>) attributes {dimension_semantics = [#tpu.dimension_semantics<core_parallel>, #tpu.dimension_semantics<subcore_parallel>], iteration_bounds = array<i64: 2, 16>, scalar_prefetch = 0 : i64, scratch_operands = 5 : i64, tpu.core_type = #tpu.core_type<sc_vector_subcore>, window_params = [{transform_indices = #map}, {transform_indices = #map1}]} {
    %mul3A = arith.constant 2 : i32
    %mul3A_0 = arith.muli %arg1, %mul3A : i32
    %add3A = arith.addi %mul3A_0, %arg0 : i32
    %broadcast_in_dim3A = arith.constant 0.000000e+00 : f32
    %broadcast_in_dim3A_1 = vector.broadcast %broadcast_in_dim3A : f32 to vector<16xf32>
    %scan3A = arith.constant 0 : i32
    %scan3A_2 = arith.constant 8 : i32
    %scan3A_3 = arith.addi %scan3A, %scan3A_2 : i32
    %scan3A_4 = arith.constant 1 : i32
    scf.for %scan3A_29 = %scan3A to %scan3A_3 step %scan3A_4  : i32 {
      %mul3A_30 = arith.constant 1 : i32
      %mul3A_31 = arith.muli %scan3A_29, %mul3A_30 : i32
      %add3A_32 = arith.constant 0 : i32
      %add3A_33 = arith.addi %add3A_32, %mul3A_31 : i32
      %scan3A_34 = arith.constant 0 : i32
      %scan3A_35 = arith.constant 8 : i32
      %scan3A_36 = arith.addi %scan3A_34, %scan3A_35 : i32
      %scan3A_37 = arith.constant 1 : i32
      scf.for %scan3A_39 = %scan3A_34 to %scan3A_36 step %scan3A_37  : i32 {
        %mul3A_40 = arith.constant 1 : i32
        %mul3A_41 = arith.muli %scan3A_39, %mul3A_40 : i32
        %add3A_42 = arith.constant 0 : i32
        %add3A_43 = arith.addi %add3A_42, %mul3A_41 : i32
        %mul3A_44 = arith.constant 16 : i32
        %mul3A_45 = arith.muli %add3A_43, %mul3A_44 : i32
        %swap3A = arith.index_cast %add3A_33 : i32 to index
        %swap3A_46 = arith.index_cast %mul3A_45 : i32 to index
        %swap3A_47 = tpu.vector_load %arg6[%swap3A, %swap3A_46] {strides = array<i32>} : memref<8x128xf32, #tpu.memory_space<vmem>>, vector<1x16xf32>,
        %swap3A_48 = vector.shape_cast %swap3A_47 : vector<1x16xf32> to vector<16xf32>
        %swap3A_49 = vector.shape_cast %broadcast_in_dim3A_1 : vector<16xf32> to vector<1x16xf32>
        tpu.vector_store %arg6[%swap3A, %swap3A_46], %swap3A_49 {strides = array<i32>} : memref<8x128xf32, #tpu.memory_space<vmem>>, vector<1x16xf32>,
      }
      %scan3A_38 = arith.constant 8 : i32
    }
    %scan3A_5 = arith.constant 8 : i32
    %broadcast_in_dim3A_6 = arith.constant 1.000000e+00 : f32
    %broadcast_in_dim3A_7 = vector.broadcast %broadcast_in_dim3A_6 : f32 to vector<16xf32>
    %scan3A_8 = arith.constant 0 : i32
    %scan3A_9 = arith.constant 128 : i32
    %scan3A_10 = arith.addi %scan3A_8, %scan3A_9 : i32
    %scan3A_11 = arith.constant 1 : i32
    scf.for %scan3A_29 = %scan3A_8 to %scan3A_10 step %scan3A_11  : i32 {
      %mul3A_30 = arith.constant 1 : i32
      %mul3A_31 = arith.muli %scan3A_29, %mul3A_30 : i32
      %add3A_32 = arith.constant 0 : i32
      %add3A_33 = arith.addi %add3A_32, %mul3A_31 : i32
      %scan3A_34 = arith.constant 0 : i32
      %scan3A_35 = arith.constant 8 : i32
      %scan3A_36 = arith.addi %scan3A_34, %scan3A_35 : i32
      %scan3A_37 = arith.constant 1 : i32
      scf.for %scan3A_39 = %scan3A_34 to %scan3A_36 step %scan3A_37  : i32 {
        %mul3A_40 = arith.constant 1 : i32
        %mul3A_41 = arith.muli %scan3A_39, %mul3A_40 : i32
        %add3A_42 = arith.constant 0 : i32
        %add3A_43 = arith.addi %add3A_42, %mul3A_41 : i32
        %mul3A_44 = arith.constant 16 : i32
        %mul3A_45 = arith.muli %add3A_43, %mul3A_44 : i32
        %swap3A = arith.index_cast %add3A_33 : i32 to index
        %swap3A_46 = arith.index_cast %mul3A_45 : i32 to index
        %swap3A_47 = tpu.vector_load %arg5[%swap3A, %swap3A_46] {strides = array<i32>} : memref<128x128xf32, #tpu.memory_space<vmem>>, vector<1x16xf32>,
        %swap3A_48 = vector.shape_cast %swap3A_47 : vector<1x16xf32> to vector<16xf32>
        %swap3A_49 = vector.shape_cast %broadcast_in_dim3A_7 : vector<16xf32> to vector<1x16xf32>
        tpu.vector_store %arg5[%swap3A, %swap3A_46], %swap3A_49 {strides = array<i32>} : memref<128x128xf32, #tpu.memory_space<vmem>>, vector<1x16xf32>,
      }
      %scan3A_38 = arith.constant 8 : i32
    }
    %scan3A_12 = arith.constant 128 : i32
    %scan3A_13 = arith.constant 0 : i32
    %scan3A_14 = arith.constant 79 : i32
    %scan3A_15 = arith.addi %scan3A_13, %scan3A_14 : i32
    %scan3A_16 = arith.constant 1 : i32
    scf.for %scan3A_29 = %scan3A_13 to %scan3A_15 step %scan3A_16  : i32 {
      %mul3A_30 = arith.constant 1 : i32
      %mul3A_31 = arith.muli %scan3A_29, %mul3A_30 : i32
      %add3A_32 = arith.constant 0 : i32
      %add3A_33 = arith.addi %add3A_32, %mul3A_31 : i32
      %mul3A_34 = arith.constant 16 : i32
      %mul3A_35 = arith.muli %add3A_33, %mul3A_34 : i32
      %add3A_36 = arith.addi %mul3A_35, %arg1 : i32
      %lt3A = arith.constant 1250 : i32
      %lt3A_37 = arith.cmpi slt, %add3A_36, %lt3A : i32
      %convert_element_type3A = arith.extui %lt3A_37 : i1 to i32
      %cond3A = arith.constant 0 : i32
      %cond3A_38 = arith.cmpi ne, %convert_element_type3A, %cond3A : i32
      scf.if %cond3A_38 {
        %mul3A_39 = arith.constant 8 : i32
        %mul3A_40 = arith.muli %add3A_36, %mul3A_39 : i32
        "tpu.region"() ({
          %run_scoped3A = tpu.sem_alloc : memref<!tpu.dma_semaphore, #tpu.memory_space<semaphore_mem>>
          %dma_start3A = arith.constant 0 : i32
          %dma_start3A_41 = tpu.memref_slice %arg7[%mul3A_40, %dma_start3A] : memref<10000x128xf32, #tpu.memory_space<vmem_shared>> -> memref<8x128xf32, #tpu.memory_space<vmem_shared>>
          %dma_start3A_42 = arith.constant 0 : i32
          %dma_start3A_43 = tpu.memref_slice %arg7[%mul3A_40, %dma_start3A_42] : memref<10000x128xf32, #tpu.memory_space<vmem_shared>> -> memref<8x128xf32, #tpu.memory_space<vmem_shared>>
          tpu.enqueue_dma source(%arg6 : memref<8x128xf32, #tpu.memory_space<vmem>>) target(%dma_start3A_43 : memref<8x128xf32, #tpu.memory_space<vmem_shared>>) target_semaphore(%run_scoped3A : memref<!tpu.dma_semaphore, #tpu.memory_space<semaphore_mem>>)
          %dma_wait3A = arith.constant 0 : i32
          %dma_wait3A_44 = tpu.memref_slice %arg7[%mul3A_40, %dma_wait3A] : memref<10000x128xf32, #tpu.memory_space<vmem_shared>> -> memref<8x128xf32, #tpu.memory_space<vmem_shared>>
          %dma_wait3A_45 = arith.constant 0 : i32
          %dma_wait3A_46 = tpu.memref_slice %arg7[%mul3A_40, %dma_wait3A_45] : memref<10000x128xf32, #tpu.memory_space<vmem_shared>> -> memref<8x128xf32, #tpu.memory_space<vmem_shared>>
          tpu.wait_dma2 semaphore(%run_scoped3A : memref<!tpu.dma_semaphore, #tpu.memory_space<semaphore_mem>>) src(%arg6 : memref<8x128xf32, #tpu.memory_space<vmem>>) dst(%dma_wait3A_46 : memref<8x128xf32, #tpu.memory_space<vmem_shared>>)
          tpu.yield
        }) : () -> ()
      } else {
      }
    }
    %scan3A_17 = arith.constant 79 : i32
    %barrier3A = arith.constant 0 : index
    tpu.barrier barrier_id(%barrier3A)
    %scan3A_18 = arith.constant 0 : i32
    %scan3A_19 = arith.constant 79 : i32
    %scan3A_20 = arith.addi %scan3A_18, %scan3A_19 : i32
    %scan3A_21 = arith.constant 1 : i32
    scf.for %scan3A_29 = %scan3A_18 to %scan3A_20 step %scan3A_21  : i32 {
      %mul3A_30 = arith.constant 1 : i32
      %mul3A_31 = arith.muli %scan3A_29, %mul3A_30 : i32
      %add3A_32 = arith.constant 0 : i32
      %add3A_33 = arith.addi %add3A_32, %mul3A_31 : i32
      %mul3A_34 = arith.constant 32 : i32
      %mul3A_35 = arith.muli %add3A_33, %mul3A_34 : i32
      %add3A_36 = arith.addi %mul3A_35, %add3A : i32
      %lt3A = arith.constant 2500 : i32
      %lt3A_37 = arith.cmpi slt, %add3A_36, %lt3A : i32
      %convert_element_type3A = arith.extui %lt3A_37 : i1 to i32
      %cond3A = arith.constant 0 : i32
      %cond3A_38 = arith.cmpi ne, %convert_element_type3A, %cond3A : i32
      scf.if %cond3A_38 {
        %mul3A_39 = arith.constant 128 : i32
        %mul3A_40 = arith.muli %add3A_36, %mul3A_39 : i32
        %run_scoped3A = arith.constant 1 : i32
        "tpu.region"() ({
          %run_scoped3A_41 = tpu.sem_alloc : memref<!tpu.dma_semaphore, #tpu.memory_space<semaphore_mem>>
          %dma_start3A = tpu.memref_slice %arg2[%run_scoped3A, %mul3A_40] : memref<2x320000xi32, #tpu.memory_space<hbm>> -> memref<1x128xi32, #tpu.memory_space<hbm>>
          %dma_start3A_42 = tpu.memref_squeeze %dma_start3A : memref<1x128xi32, #tpu.memory_space<hbm>> -> memref<128xi32, #tpu.memory_space<hbm>>
          %dma_start3A_43 = tpu.memref_slice %arg2[%run_scoped3A, %mul3A_40] : memref<2x320000xi32, #tpu.memory_space<hbm>> -> memref<1x128xi32, #tpu.memory_space<hbm>>
          %dma_start3A_44 = tpu.memref_squeeze %dma_start3A_43 : memref<1x128xi32, #tpu.memory_space<hbm>> -> memref<128xi32, #tpu.memory_space<hbm>>
          tpu.enqueue_dma source(%dma_start3A_44 : memref<128xi32, #tpu.memory_space<hbm>>) target(%arg4 : memref<128xi32, #tpu.memory_space<vmem>>) target_semaphore(%run_scoped3A_41 : memref<!tpu.dma_semaphore, #tpu.memory_space<semaphore_mem>>)
          %dma_wait3A = tpu.memref_slice %arg2[%run_scoped3A, %mul3A_40] : memref<2x320000xi32, #tpu.memory_space<hbm>> -> memref<1x128xi32, #tpu.memory_space<hbm>>
          %dma_wait3A_45 = tpu.memref_squeeze %dma_wait3A : memref<1x128xi32, #tpu.memory_space<hbm>> -> memref<128xi32, #tpu.memory_space<hbm>>
          %dma_wait3A_46 = tpu.memref_slice %arg2[%run_scoped3A, %mul3A_40] : memref<2x320000xi32, #tpu.memory_space<hbm>> -> memref<1x128xi32, #tpu.memory_space<hbm>>
          %dma_wait3A_47 = tpu.memref_squeeze %dma_wait3A_46 : memref<1x128xi32, #tpu.memory_space<hbm>> -> memref<128xi32, #tpu.memory_space<hbm>>
          tpu.wait_dma2 semaphore(%run_scoped3A_41 : memref<!tpu.dma_semaphore, #tpu.memory_space<semaphore_mem>>) src(%dma_wait3A_47 : memref<128xi32, #tpu.memory_space<hbm>>) dst(%arg4 : memref<128xi32, #tpu.memory_space<vmem>>)
          tpu.yield
        }) : () -> ()
        "tpu.region"() ({
          %run_scoped3A_41 = tpu.sem_alloc : memref<!tpu.dma_semaphore, #tpu.memory_space<semaphore_mem>>
          %dma_start3A = arith.constant 0 : i32
          %dma_start3A_42 = arith.constant 0 : i32
          %dma_start3A_43 = tpu.memref_slice %arg7[%dma_start3A, %dma_start3A_42] : memref<10000x128xf32, #tpu.memory_space<vmem_shared>> -> memref<10000x128xf32, #tpu.memory_space<vmem_shared>>
          tpu.enqueue_indirect_dma source(%arg5 : memref<128x128xf32, #tpu.memory_space<vmem>>) target(%dma_start3A_43 : memref<10000x128xf32, #tpu.memory_space<vmem_shared>>) offsets(%arg4 : memref<128xi32, #tpu.memory_space<vmem>>) semaphore(%run_scoped3A_41 : memref<!tpu.dma_semaphore, #tpu.memory_space<semaphore_mem>>) {add = true}
          %dma_wait3A = arith.constant 0 : i32
          %dma_wait3A_44 = arith.constant 0 : i32
          %dma_wait3A_45 = tpu.memref_slice %arg7[%dma_wait3A, %dma_wait3A_44] : memref<10000x128xf32, #tpu.memory_space<vmem_shared>> -> memref<10000x128xf32, #tpu.memory_space<vmem_shared>>
          tpu.wait_indirect_dma semaphore(%run_scoped3A_41 : memref<!tpu.dma_semaphore, #tpu.memory_space<semaphore_mem>>) src(%arg5 : memref<128x128xf32, #tpu.memory_space<vmem>>) dst(%dma_wait3A_45 : memref<10000x128xf32, #tpu.memory_space<vmem_shared>>)
          tpu.yield
        }) : () -> ()
      } else {
      }
    }
    %scan3A_22 = arith.constant 79 : i32
    %barrier3A_23 = arith.constant 0 : index
    tpu.barrier barrier_id(%barrier3A_23)
    %scan3A_24 = arith.constant 0 : i32
    %scan3A_25 = arith.constant 79 : i32
    %scan3A_26 = arith.addi %scan3A_24, %scan3A_25 : i32
    %scan3A_27 = arith.constant 1 : i32
    scf.for %scan3A_29 = %scan3A_24 to %scan3A_26 step %scan3A_27  : i32 {
      %mul3A_30 = arith.constant 1 : i32
      %mul3A_31 = arith.muli %scan3A_29, %mul3A_30 : i32
      %add3A_32 = arith.constant 0 : i32
      %add3A_33 = arith.addi %add3A_32, %mul3A_31 : i32
      %mul3A_34 = arith.constant 16 : i32
      %mul3A_35 = arith.muli %add3A_33, %mul3A_34 : i32
      %add3A_36 = arith.addi %mul3A_35, %arg1 : i32
      %lt3A = arith.constant 1250 : i32
      %lt3A_37 = arith.cmpi slt, %add3A_36, %lt3A : i32
      %convert_element_type3A = arith.extui %lt3A_37 : i1 to i32
      %cond3A = arith.constant 0 : i32
      %cond3A_38 = arith.cmpi ne, %convert_element_type3A, %cond3A : i32
      scf.if %cond3A_38 {
        %mul3A_39 = arith.constant 8 : i32
        %mul3A_40 = arith.muli %add3A_36, %mul3A_39 : i32
        "tpu.region"() ({
          %run_scoped3A = tpu.sem_alloc : memref<!tpu.dma_semaphore, #tpu.memory_space<semaphore_mem>>
          %dma_start3A = arith.constant 0 : i32
          %dma_start3A_41 = tpu.memref_slice %arg3[%arg0, %mul3A_40, %dma_start3A] : memref<2x10000x128xf32, #tpu.memory_space<hbm>> -> memref<1x8x128xf32, #tpu.memory_space<hbm>>
          %dma_start3A_42 = tpu.memref_squeeze %dma_start3A_41 : memref<1x8x128xf32, #tpu.memory_space<hbm>> -> memref<8x128xf32, #tpu.memory_space<hbm>>
          %dma_start3A_43 = arith.constant 0 : i32
          %dma_start3A_44 = tpu.memref_slice %arg7[%mul3A_40, %dma_start3A_43] : memref<10000x128xf32, #tpu.memory_space<vmem_shared>> -> memref<8x128xf32, #tpu.memory_space<vmem_shared>>
          tpu.enqueue_dma source(%dma_start3A_44 : memref<8x128xf32, #tpu.memory_space<vmem_shared>>) target(%dma_start3A_42 : memref<8x128xf32, #tpu.memory_space<hbm>>) target_semaphore(%run_scoped3A : memref<!tpu.dma_semaphore, #tpu.memory_space<semaphore_mem>>)
          %dma_wait3A = arith.constant 0 : i32
          %dma_wait3A_45 = tpu.memref_slice %arg3[%arg0, %mul3A_40, %dma_wait3A] : memref<2x10000x128xf32, #tpu.memory_space<hbm>> -> memref<1x8x128xf32, #tpu.memory_space<hbm>>
          %dma_wait3A_46 = tpu.memref_squeeze %dma_wait3A_45 : memref<1x8x128xf32, #tpu.memory_space<hbm>> -> memref<8x128xf32, #tpu.memory_space<hbm>>
          %dma_wait3A_47 = arith.constant 0 : i32
          %dma_wait3A_48 = tpu.memref_slice %arg7[%mul3A_40, %dma_wait3A_47] : memref<10000x128xf32, #tpu.memory_space<vmem_shared>> -> memref<8x128xf32, #tpu.memory_space<vmem_shared>>
          tpu.wait_dma2 semaphore(%run_scoped3A : memref<!tpu.dma_semaphore, #tpu.memory_space<semaphore_mem>>) src(%dma_wait3A_48 : memref<8x128xf32, #tpu.memory_space<vmem_shared>>) dst(%dma_wait3A_46 : memref<8x128xf32, #tpu.memory_space<hbm>>)
          tpu.yield
        }) : () -> ()
      } else {
      }
    }
    %scan3A_28 = arith.constant 79 : i32
    return
  }
}

#map = affine_map<(d0, d1) -> (0, 0)>
#map1 = affine_map<(d0, d1) -> (0, 0, 0)>
module attributes {stable_mosaic.version = 14 : i64} {
  func.func @body(%arg0: i32, %arg1: i32, %arg2: memref<10000x128xf32, #tpu.memory_space<hbm>>, %arg3: memref<2x320000xi32, #tpu.memory_space<hbm>>, %arg4: memref<2x10000x128xf32, #tpu.memory_space<hbm>>, %arg5: memref<128xi32, #tpu.memory_space<vmem>>, %arg6: memref<128xi32, #tpu.memory_space<vmem>>, %arg7: memref<128x128xf32, #tpu.memory_space<vmem>>, %arg8: memref<128xi32, #tpu.memory_space<vmem>>, %arg9: memref<128xi32, #tpu.memory_space<vmem>>, %arg10: memref<128x128xf32, #tpu.memory_space<vmem>>, %arg11: memref<8x128xf32, #tpu.memory_space<vmem>>, %arg12: memref<10000x128xf32, #tpu.memory_space<vmem_shared>>, %arg13: memref<!tpu.dma_semaphore, #tpu.memory_space<semaphore_mem>>, %arg14: memref<!tpu.dma_semaphore, #tpu.memory_space<semaphore_mem>>) attributes {dimension_semantics = [#tpu.dimension_semantics<core_parallel>, #tpu.dimension_semantics<subcore_parallel>], iteration_bounds = array<i64: 2, 16>, scalar_prefetch = 0 : i64, scratch_operands = 10 : i64, tpu.core_type = #tpu.core_type<sc_vector_subcore>, window_params = [{transform_indices = #map}, {transform_indices = #map}, {transform_indices = #map1}]} {
    %mul3A = arith.constant 2 : i32
    %mul3A_0 = arith.muli %arg1, %mul3A : i32
    %add3A = arith.addi %mul3A_0, %arg0 : i32
    %broadcast_in_dim3A = arith.constant 0.000000e+00 : f32
    %broadcast_in_dim3A_1 = vector.broadcast %broadcast_in_dim3A : f32 to vector<16xf32>
    %scan3A = arith.constant 0 : i32
    %scan3A_2 = arith.constant 8 : i32
    %scan3A_3 = arith.addi %scan3A, %scan3A_2 : i32
    %scan3A_4 = arith.constant 1 : i32
    scf.for %scan3A_26 = %scan3A to %scan3A_3 step %scan3A_4  : i32 {
      %mul3A_27 = arith.constant 1 : i32
      %mul3A_28 = arith.muli %scan3A_26, %mul3A_27 : i32
      %add3A_29 = arith.constant 0 : i32
      %add3A_30 = arith.addi %add3A_29, %mul3A_28 : i32
      %scan3A_31 = arith.constant 0 : i32
      %scan3A_32 = arith.constant 8 : i32
      %scan3A_33 = arith.addi %scan3A_31, %scan3A_32 : i32
      %scan3A_34 = arith.constant 1 : i32
      scf.for %scan3A_36 = %scan3A_31 to %scan3A_33 step %scan3A_34  : i32 {
        %mul3A_37 = arith.constant 1 : i32
        %mul3A_38 = arith.muli %scan3A_36, %mul3A_37 : i32
        %add3A_39 = arith.constant 0 : i32
        %add3A_40 = arith.addi %add3A_39, %mul3A_38 : i32
        %mul3A_41 = arith.constant 16 : i32
        %mul3A_42 = arith.muli %add3A_40, %mul3A_41 : i32
        %swap3A = arith.index_cast %add3A_30 : i32 to index
        %swap3A_43 = arith.index_cast %mul3A_42 : i32 to index
        %swap3A_44 = tpu.vector_load %arg11[%swap3A, %swap3A_43] {strides = array<i32>} : memref<8x128xf32, #tpu.memory_space<vmem>>, vector<1x16xf32>,
        %swap3A_45 = vector.shape_cast %swap3A_44 : vector<1x16xf32> to vector<16xf32>
        %swap3A_46 = vector.shape_cast %broadcast_in_dim3A_1 : vector<16xf32> to vector<1x16xf32>
        tpu.vector_store %arg11[%swap3A, %swap3A_43], %swap3A_46 {strides = array<i32>} : memref<8x128xf32, #tpu.memory_space<vmem>>, vector<1x16xf32>,
      }
      %scan3A_35 = arith.constant 8 : i32
    }
    %scan3A_5 = arith.constant 8 : i32
    %scan3A_6 = arith.constant 0 : i32
    %scan3A_7 = arith.constant 79 : i32
    %scan3A_8 = arith.addi %scan3A_6, %scan3A_7 : i32
    %scan3A_9 = arith.constant 1 : i32
    scf.for %scan3A_26 = %scan3A_6 to %scan3A_8 step %scan3A_9  : i32 {
      %mul3A_27 = arith.constant 1 : i32
      %mul3A_28 = arith.muli %scan3A_26, %mul3A_27 : i32
      %add3A_29 = arith.constant 0 : i32
      %add3A_30 = arith.addi %add3A_29, %mul3A_28 : i32
      %mul3A_31 = arith.constant 16 : i32
      %mul3A_32 = arith.muli %add3A_30, %mul3A_31 : i32
      %add3A_33 = arith.addi %mul3A_32, %arg1 : i32
      %lt3A_34 = arith.constant 1250 : i32
      %lt3A_35 = arith.cmpi slt, %add3A_33, %lt3A_34 : i32
      %convert_element_type3A_36 = arith.extui %lt3A_35 : i1 to i32
      %cond3A_37 = arith.constant 0 : i32
      %cond3A_38 = arith.cmpi ne, %convert_element_type3A_36, %cond3A_37 : i32
      scf.if %cond3A_38 {
        %mul3A_39 = arith.constant 8 : i32
        %mul3A_40 = arith.muli %add3A_33, %mul3A_39 : i32
        "tpu.region"() ({
          %run_scoped3A = tpu.sem_alloc : memref<!tpu.dma_semaphore, #tpu.memory_space<semaphore_mem>>
          %dma_start3A = arith.constant 0 : i32
          %dma_start3A_41 = tpu.memref_slice %arg12[%mul3A_40, %dma_start3A] : memref<10000x128xf32, #tpu.memory_space<vmem_shared>> -> memref<8x128xf32, #tpu.memory_space<vmem_shared>>
          %dma_start3A_42 = arith.constant 0 : i32
          %dma_start3A_43 = tpu.memref_slice %arg12[%mul3A_40, %dma_start3A_42] : memref<10000x128xf32, #tpu.memory_space<vmem_shared>> -> memref<8x128xf32, #tpu.memory_space<vmem_shared>>
          tpu.enqueue_dma source(%arg11 : memref<8x128xf32, #tpu.memory_space<vmem>>) target(%dma_start3A_43 : memref<8x128xf32, #tpu.memory_space<vmem_shared>>) target_semaphore(%run_scoped3A : memref<!tpu.dma_semaphore, #tpu.memory_space<semaphore_mem>>)
          %dma_wait3A = arith.constant 0 : i32
          %dma_wait3A_44 = tpu.memref_slice %arg12[%mul3A_40, %dma_wait3A] : memref<10000x128xf32, #tpu.memory_space<vmem_shared>> -> memref<8x128xf32, #tpu.memory_space<vmem_shared>>
          %dma_wait3A_45 = arith.constant 0 : i32
          %dma_wait3A_46 = tpu.memref_slice %arg12[%mul3A_40, %dma_wait3A_45] : memref<10000x128xf32, #tpu.memory_space<vmem_shared>> -> memref<8x128xf32, #tpu.memory_space<vmem_shared>>
          tpu.wait_dma2 semaphore(%run_scoped3A : memref<!tpu.dma_semaphore, #tpu.memory_space<semaphore_mem>>) src(%arg11 : memref<8x128xf32, #tpu.memory_space<vmem>>) dst(%dma_wait3A_46 : memref<8x128xf32, #tpu.memory_space<vmem_shared>>)
          tpu.yield
        }) : () -> ()
      } else {
      }
    }
    %scan3A_10 = arith.constant 79 : i32
    %barrier3A = arith.constant 0 : index
    tpu.barrier barrier_id(%barrier3A)
    %add3A_11 = arith.constant 0 : i32
    %add3A_12 = arith.addi %add3A_11, %add3A : i32
    %lt3A = arith.constant 2500 : i32
    %lt3A_13 = arith.cmpi slt, %add3A_12, %lt3A : i32
    %convert_element_type3A = arith.extui %lt3A_13 : i1 to i32
    %cond3A = arith.constant 0 : i32
    %cond3A_14 = arith.cmpi ne, %convert_element_type3A, %cond3A : i32
    scf.if %cond3A_14 {
      %mul3A_26 = arith.constant 128 : i32
      %mul3A_27 = arith.muli %add3A_12, %mul3A_26 : i32
      %run_scoped3A = arith.constant 0 : i32
      "tpu.region"() ({
        %run_scoped3A_31 = tpu.sem_alloc : memref<!tpu.dma_semaphore, #tpu.memory_space<semaphore_mem>>
        %dma_start3A_32 = tpu.memref_slice %arg3[%run_scoped3A, %mul3A_27] : memref<2x320000xi32, #tpu.memory_space<hbm>> -> memref<1x128xi32, #tpu.memory_space<hbm>>
        %dma_start3A_33 = tpu.memref_squeeze %dma_start3A_32 : memref<1x128xi32, #tpu.memory_space<hbm>> -> memref<128xi32, #tpu.memory_space<hbm>>
        %dma_start3A_34 = tpu.memref_slice %arg3[%run_scoped3A, %mul3A_27] : memref<2x320000xi32, #tpu.memory_space<hbm>> -> memref<1x128xi32, #tpu.memory_space<hbm>>
        %dma_start3A_35 = tpu.memref_squeeze %dma_start3A_34 : memref<1x128xi32, #tpu.memory_space<hbm>> -> memref<128xi32, #tpu.memory_space<hbm>>
        tpu.enqueue_dma source(%dma_start3A_35 : memref<128xi32, #tpu.memory_space<hbm>>) target(%arg5 : memref<128xi32, #tpu.memory_space<vmem>>) target_semaphore(%run_scoped3A_31 : memref<!tpu.dma_semaphore, #tpu.memory_space<semaphore_mem>>)
        %dma_wait3A = tpu.memref_slice %arg3[%run_scoped3A, %mul3A_27] : memref<2x320000xi32, #tpu.memory_space<hbm>> -> memref<1x128xi32, #tpu.memory_space<hbm>>
        %dma_wait3A_36 = tpu.memref_squeeze %dma_wait3A : memref<1x128xi32, #tpu.memory_space<hbm>> -> memref<128xi32, #tpu.memory_space<hbm>>
        %dma_wait3A_37 = tpu.memref_slice %arg3[%run_scoped3A, %mul3A_27] : memref<2x320000xi32, #tpu.memory_space<hbm>> -> memref<1x128xi32, #tpu.memory_space<hbm>>
        %dma_wait3A_38 = tpu.memref_squeeze %dma_wait3A_37 : memref<1x128xi32, #tpu.memory_space<hbm>> -> memref<128xi32, #tpu.memory_space<hbm>>
        tpu.wait_dma2 semaphore(%run_scoped3A_31 : memref<!tpu.dma_semaphore, #tpu.memory_space<semaphore_mem>>) src(%dma_wait3A_38 : memref<128xi32, #tpu.memory_space<hbm>>) dst(%arg5 : memref<128xi32, #tpu.memory_space<vmem>>)
        tpu.yield
      }) : () -> ()
      %run_scoped3A_28 = arith.constant 1 : i32
      "tpu.region"() ({
        %run_scoped3A_31 = tpu.sem_alloc : memref<!tpu.dma_semaphore, #tpu.memory_space<semaphore_mem>>
        %dma_start3A_32 = tpu.memref_slice %arg3[%run_scoped3A_28, %mul3A_27] : memref<2x320000xi32, #tpu.memory_space<hbm>> -> memref<1x128xi32, #tpu.memory_space<hbm>>
        %dma_start3A_33 = tpu.memref_squeeze %dma_start3A_32 : memref<1x128xi32, #tpu.memory_space<hbm>> -> memref<128xi32, #tpu.memory_space<hbm>>
        %dma_start3A_34 = tpu.memref_slice %arg3[%run_scoped3A_28, %mul3A_27] : memref<2x320000xi32, #tpu.memory_space<hbm>> -> memref<1x128xi32, #tpu.memory_space<hbm>>
        %dma_start3A_35 = tpu.memref_squeeze %dma_start3A_34 : memref<1x128xi32, #tpu.memory_space<hbm>> -> memref<128xi32, #tpu.memory_space<hbm>>
        tpu.enqueue_dma source(%dma_start3A_35 : memref<128xi32, #tpu.memory_space<hbm>>) target(%arg6 : memref<128xi32, #tpu.memory_space<vmem>>) target_semaphore(%run_scoped3A_31 : memref<!tpu.dma_semaphore, #tpu.memory_space<semaphore_mem>>)
        %dma_wait3A = tpu.memref_slice %arg3[%run_scoped3A_28, %mul3A_27] : memref<2x320000xi32, #tpu.memory_space<hbm>> -> memref<1x128xi32, #tpu.memory_space<hbm>>
        %dma_wait3A_36 = tpu.memref_squeeze %dma_wait3A : memref<1x128xi32, #tpu.memory_space<hbm>> -> memref<128xi32, #tpu.memory_space<hbm>>
        %dma_wait3A_37 = tpu.memref_slice %arg3[%run_scoped3A_28, %mul3A_27] : memref<2x320000xi32, #tpu.memory_space<hbm>> -> memref<1x128xi32, #tpu.memory_space<hbm>>
        %dma_wait3A_38 = tpu.memref_squeeze %dma_wait3A_37 : memref<1x128xi32, #tpu.memory_space<hbm>> -> memref<128xi32, #tpu.memory_space<hbm>>
        tpu.wait_dma2 semaphore(%run_scoped3A_31 : memref<!tpu.dma_semaphore, #tpu.memory_space<semaphore_mem>>) src(%dma_wait3A_38 : memref<128xi32, #tpu.memory_space<hbm>>) dst(%arg6 : memref<128xi32, #tpu.memory_space<vmem>>)
        tpu.yield
      }) : () -> ()
      %dma_start3A = arith.constant 0 : i32
      %dma_start3A_29 = arith.constant 0 : i32
      %dma_start3A_30 = tpu.memref_slice %arg2[%dma_start3A, %dma_start3A_29] : memref<10000x128xf32, #tpu.memory_space<hbm>> -> memref<10000x128xf32, #tpu.memory_space<hbm>>
      tpu.enqueue_indirect_dma source(%dma_start3A_30 : memref<10000x128xf32, #tpu.memory_space<hbm>>) target(%arg7 : memref<128x128xf32, #tpu.memory_space<vmem>>) offsets(%arg5 : memref<128xi32, #tpu.memory_space<vmem>>) semaphore(%arg13 : memref<!tpu.dma_semaphore, #tpu.memory_space<semaphore_mem>>)
    } else {
    }
    %scan3A_15 = arith.constant 0 : i32
    %scan3A_16 = arith.constant 40 : i32
    %scan3A_17 = arith.addi %scan3A_15, %scan3A_16 : i32
    %scan3A_18 = arith.constant 1 : i32
    scf.for %scan3A_26 = %scan3A_15 to %scan3A_17 step %scan3A_18  : i32 {
      %mul3A_27 = arith.constant 1 : i32
      %mul3A_28 = arith.muli %scan3A_26, %mul3A_27 : i32
      %add3A_29 = arith.constant 0 : i32
      %add3A_30 = arith.addi %add3A_29, %mul3A_28 : i32
      %mul3A_31 = arith.constant 2 : i32
      %mul3A_32 = arith.muli %add3A_30, %mul3A_31 : i32
      %add3A_33 = arith.constant 0 : i32
      %add3A_34 = arith.addi %mul3A_32, %add3A_33 : i32
      %add3A_35 = arith.constant 1 : i32
      %add3A_36 = arith.addi %add3A_34, %add3A_35 : i32
      %mul3A_37 = arith.constant 32 : i32
      %mul3A_38 = arith.muli %add3A_36, %mul3A_37 : i32
      %add3A_39 = arith.addi %mul3A_38, %add3A : i32
      %lt3A_40 = arith.constant 2500 : i32
      %lt3A_41 = arith.cmpi slt, %add3A_39, %lt3A_40 : i32
      %convert_element_type3A_42 = arith.extui %lt3A_41 : i1 to i32
      %cond3A_43 = arith.constant 0 : i32
      %cond3A_44 = arith.cmpi ne, %convert_element_type3A_42, %cond3A_43 : i32
      scf.if %cond3A_44 {
        %mul3A_75 = arith.constant 128 : i32
        %mul3A_76 = arith.muli %add3A_39, %mul3A_75 : i32
        %run_scoped3A = arith.constant 0 : i32
        "tpu.region"() ({
          %run_scoped3A_80 = tpu.sem_alloc : memref<!tpu.dma_semaphore, #tpu.memory_space<semaphore_mem>>
          %dma_start3A_81 = tpu.memref_slice %arg3[%run_scoped3A, %mul3A_76] : memref<2x320000xi32, #tpu.memory_space<hbm>> -> memref<1x128xi32, #tpu.memory_space<hbm>>
          %dma_start3A_82 = tpu.memref_squeeze %dma_start3A_81 : memref<1x128xi32, #tpu.memory_space<hbm>> -> memref<128xi32, #tpu.memory_space<hbm>>
          %dma_start3A_83 = tpu.memref_slice %arg3[%run_scoped3A, %mul3A_76] : memref<2x320000xi32, #tpu.memory_space<hbm>> -> memref<1x128xi32, #tpu.memory_space<hbm>>
          %dma_start3A_84 = tpu.memref_squeeze %dma_start3A_83 : memref<1x128xi32, #tpu.memory_space<hbm>> -> memref<128xi32, #tpu.memory_space<hbm>>
          tpu.enqueue_dma source(%dma_start3A_84 : memref<128xi32, #tpu.memory_space<hbm>>) target(%arg8 : memref<128xi32, #tpu.memory_space<vmem>>) target_semaphore(%run_scoped3A_80 : memref<!tpu.dma_semaphore, #tpu.memory_space<semaphore_mem>>)
          %dma_wait3A = tpu.memref_slice %arg3[%run_scoped3A, %mul3A_76] : memref<2x320000xi32, #tpu.memory_space<hbm>> -> memref<1x128xi32, #tpu.memory_space<hbm>>
          %dma_wait3A_85 = tpu.memref_squeeze %dma_wait3A : memref<1x128xi32, #tpu.memory_space<hbm>> -> memref<128xi32, #tpu.memory_space<hbm>>
          %dma_wait3A_86 = tpu.memref_slice %arg3[%run_scoped3A, %mul3A_76] : memref<2x320000xi32, #tpu.memory_space<hbm>> -> memref<1x128xi32, #tpu.memory_space<hbm>>
          %dma_wait3A_87 = tpu.memref_squeeze %dma_wait3A_86 : memref<1x128xi32, #tpu.memory_space<hbm>> -> memref<128xi32, #tpu.memory_space<hbm>>
          tpu.wait_dma2 semaphore(%run_scoped3A_80 : memref<!tpu.dma_semaphore, #tpu.memory_space<semaphore_mem>>) src(%dma_wait3A_87 : memref<128xi32, #tpu.memory_space<hbm>>) dst(%arg8 : memref<128xi32, #tpu.memory_space<vmem>>)
          tpu.yield
        }) : () -> ()
        %run_scoped3A_77 = arith.constant 1 : i32
        "tpu.region"() ({
          %run_scoped3A_80 = tpu.sem_alloc : memref<!tpu.dma_semaphore, #tpu.memory_space<semaphore_mem>>
          %dma_start3A_81 = tpu.memref_slice %arg3[%run_scoped3A_77, %mul3A_76] : memref<2x320000xi32, #tpu.memory_space<hbm>> -> memref<1x128xi32, #tpu.memory_space<hbm>>
          %dma_start3A_82 = tpu.memref_squeeze %dma_start3A_81 : memref<1x128xi32, #tpu.memory_space<hbm>> -> memref<128xi32, #tpu.memory_space<hbm>>
          %dma_start3A_83 = tpu.memref_slice %arg3[%run_scoped3A_77, %mul3A_76] : memref<2x320000xi32, #tpu.memory_space<hbm>> -> memref<1x128xi32, #tpu.memory_space<hbm>>
          %dma_start3A_84 = tpu.memref_squeeze %dma_start3A_83 : memref<1x128xi32, #tpu.memory_space<hbm>> -> memref<128xi32, #tpu.memory_space<hbm>>
          tpu.enqueue_dma source(%dma_start3A_84 : memref<128xi32, #tpu.memory_space<hbm>>) target(%arg9 : memref<128xi32, #tpu.memory_space<vmem>>) target_semaphore(%run_scoped3A_80 : memref<!tpu.dma_semaphore, #tpu.memory_space<semaphore_mem>>)
          %dma_wait3A = tpu.memref_slice %arg3[%run_scoped3A_77, %mul3A_76] : memref<2x320000xi32, #tpu.memory_space<hbm>> -> memref<1x128xi32, #tpu.memory_space<hbm>>
          %dma_wait3A_85 = tpu.memref_squeeze %dma_wait3A : memref<1x128xi32, #tpu.memory_space<hbm>> -> memref<128xi32, #tpu.memory_space<hbm>>
          %dma_wait3A_86 = tpu.memref_slice %arg3[%run_scoped3A_77, %mul3A_76] : memref<2x320000xi32, #tpu.memory_space<hbm>> -> memref<1x128xi32, #tpu.memory_space<hbm>>
          %dma_wait3A_87 = tpu.memref_squeeze %dma_wait3A_86 : memref<1x128xi32, #tpu.memory_space<hbm>> -> memref<128xi32, #tpu.memory_space<hbm>>
          tpu.wait_dma2 semaphore(%run_scoped3A_80 : memref<!tpu.dma_semaphore, #tpu.memory_space<semaphore_mem>>) src(%dma_wait3A_87 : memref<128xi32, #tpu.memory_space<hbm>>) dst(%arg9 : memref<128xi32, #tpu.memory_space<vmem>>)
          tpu.yield
        }) : () -> ()
        %dma_start3A = arith.constant 0 : i32
        %dma_start3A_78 = arith.constant 0 : i32
        %dma_start3A_79 = tpu.memref_slice %arg2[%dma_start3A, %dma_start3A_78] : memref<10000x128xf32, #tpu.memory_space<hbm>> -> memref<10000x128xf32, #tpu.memory_space<hbm>>
        tpu.enqueue_indirect_dma source(%dma_start3A_79 : memref<10000x128xf32, #tpu.memory_space<hbm>>) target(%arg10 : memref<128x128xf32, #tpu.memory_space<vmem>>) offsets(%arg8 : memref<128xi32, #tpu.memory_space<vmem>>) semaphore(%arg14 : memref<!tpu.dma_semaphore, #tpu.memory_space<semaphore_mem>>)
      } else {
      }
      %mul3A_45 = arith.constant 32 : i32
      %mul3A_46 = arith.muli %add3A_34, %mul3A_45 : i32
      %add3A_47 = arith.addi %mul3A_46, %add3A : i32
      %lt3A_48 = arith.constant 2500 : i32
      %lt3A_49 = arith.cmpi slt, %add3A_47, %lt3A_48 : i32
      %convert_element_type3A_50 = arith.extui %lt3A_49 : i1 to i32
      %cond3A_51 = arith.constant 0 : i32
      %cond3A_52 = arith.cmpi ne, %convert_element_type3A_50, %cond3A_51 : i32
      scf.if %cond3A_52 {
        %dma_wait3A = arith.constant 0 : i32
        %dma_wait3A_75 = arith.constant 0 : i32
        %dma_wait3A_76 = tpu.memref_slice %arg2[%dma_wait3A, %dma_wait3A_75] : memref<10000x128xf32, #tpu.memory_space<hbm>> -> memref<10000x128xf32, #tpu.memory_space<hbm>>
        tpu.wait_indirect_dma semaphore(%arg13 : memref<!tpu.dma_semaphore, #tpu.memory_space<semaphore_mem>>) src(%dma_wait3A_76 : memref<10000x128xf32, #tpu.memory_space<hbm>>) dst(%arg7 : memref<128x128xf32, #tpu.memory_space<vmem>>)
        "tpu.region"() ({
          %run_scoped3A = tpu.sem_alloc : memref<!tpu.dma_semaphore, #tpu.memory_space<semaphore_mem>>
          %dma_start3A = arith.constant 0 : i32
          %dma_start3A_77 = arith.constant 0 : i32
          %dma_start3A_78 = tpu.memref_slice %arg12[%dma_start3A, %dma_start3A_77] : memref<10000x128xf32, #tpu.memory_space<vmem_shared>> -> memref<10000x128xf32, #tpu.memory_space<vmem_shared>>
          tpu.enqueue_indirect_dma source(%arg7 : memref<128x128xf32, #tpu.memory_space<vmem>>) target(%dma_start3A_78 : memref<10000x128xf32, #tpu.memory_space<vmem_shared>>) offsets(%arg6 : memref<128xi32, #tpu.memory_space<vmem>>) semaphore(%run_scoped3A : memref<!tpu.dma_semaphore, #tpu.memory_space<semaphore_mem>>) {add = true}
          %dma_wait3A_79 = arith.constant 0 : i32
          %dma_wait3A_80 = arith.constant 0 : i32
          %dma_wait3A_81 = tpu.memref_slice %arg12[%dma_wait3A_79, %dma_wait3A_80] : memref<10000x128xf32, #tpu.memory_space<vmem_shared>> -> memref<10000x128xf32, #tpu.memory_space<vmem_shared>>
          tpu.wait_indirect_dma semaphore(%run_scoped3A : memref<!tpu.dma_semaphore, #tpu.memory_space<semaphore_mem>>) src(%arg7 : memref<128x128xf32, #tpu.memory_space<vmem>>) dst(%dma_wait3A_81 : memref<10000x128xf32, #tpu.memory_space<vmem_shared>>)
          tpu.yield
        }) : () -> ()
      } else {
      }
      %mul3A_53 = arith.constant 2 : i32
      %mul3A_54 = arith.muli %add3A_30, %mul3A_53 : i32
      %add3A_55 = arith.constant 1 : i32
      %add3A_56 = arith.addi %mul3A_54, %add3A_55 : i32
      %add3A_57 = arith.constant 1 : i32
      %add3A_58 = arith.addi %add3A_56, %add3A_57 : i32
      %mul3A_59 = arith.constant 32 : i32
      %mul3A_60 = arith.muli %add3A_58, %mul3A_59 : i32
      %add3A_61 = arith.addi %mul3A_60, %add3A : i32
      %lt3A_62 = arith.constant 2500 : i32
      %lt3A_63 = arith.cmpi slt, %add3A_61, %lt3A_62 : i32
      %convert_element_type3A_64 = arith.extui %lt3A_63 : i1 to i32
      %cond3A_65 = arith.constant 0 : i32
      %cond3A_66 = arith.cmpi ne, %convert_element_type3A_64, %cond3A_65 : i32
      scf.if %cond3A_66 {
        %mul3A_75 = arith.constant 128 : i32
        %mul3A_76 = arith.muli %add3A_61, %mul3A_75 : i32
        %run_scoped3A = arith.constant 0 : i32
        "tpu.region"() ({
          %run_scoped3A_80 = tpu.sem_alloc : memref<!tpu.dma_semaphore, #tpu.memory_space<semaphore_mem>>
          %dma_start3A_81 = tpu.memref_slice %arg3[%run_scoped3A, %mul3A_76] : memref<2x320000xi32, #tpu.memory_space<hbm>> -> memref<1x128xi32, #tpu.memory_space<hbm>>
          %dma_start3A_82 = tpu.memref_squeeze %dma_start3A_81 : memref<1x128xi32, #tpu.memory_space<hbm>> -> memref<128xi32, #tpu.memory_space<hbm>>
          %dma_start3A_83 = tpu.memref_slice %arg3[%run_scoped3A, %mul3A_76] : memref<2x320000xi32, #tpu.memory_space<hbm>> -> memref<1x128xi32, #tpu.memory_space<hbm>>
          %dma_start3A_84 = tpu.memref_squeeze %dma_start3A_83 : memref<1x128xi32, #tpu.memory_space<hbm>> -> memref<128xi32, #tpu.memory_space<hbm>>
          tpu.enqueue_dma source(%dma_start3A_84 : memref<128xi32, #tpu.memory_space<hbm>>) target(%arg5 : memref<128xi32, #tpu.memory_space<vmem>>) target_semaphore(%run_scoped3A_80 : memref<!tpu.dma_semaphore, #tpu.memory_space<semaphore_mem>>)
          %dma_wait3A = tpu.memref_slice %arg3[%run_scoped3A, %mul3A_76] : memref<2x320000xi32, #tpu.memory_space<hbm>> -> memref<1x128xi32, #tpu.memory_space<hbm>>
          %dma_wait3A_85 = tpu.memref_squeeze %dma_wait3A : memref<1x128xi32, #tpu.memory_space<hbm>> -> memref<128xi32, #tpu.memory_space<hbm>>
          %dma_wait3A_86 = tpu.memref_slice %arg3[%run_scoped3A, %mul3A_76] : memref<2x320000xi32, #tpu.memory_space<hbm>> -> memref<1x128xi32, #tpu.memory_space<hbm>>
          %dma_wait3A_87 = tpu.memref_squeeze %dma_wait3A_86 : memref<1x128xi32, #tpu.memory_space<hbm>> -> memref<128xi32, #tpu.memory_space<hbm>>
          tpu.wait_dma2 semaphore(%run_scoped3A_80 : memref<!tpu.dma_semaphore, #tpu.memory_space<semaphore_mem>>) src(%dma_wait3A_87 : memref<128xi32, #tpu.memory_space<hbm>>) dst(%arg5 : memref<128xi32, #tpu.memory_space<vmem>>)
          tpu.yield
        }) : () -> ()
        %run_scoped3A_77 = arith.constant 1 : i32
        "tpu.region"() ({
          %run_scoped3A_80 = tpu.sem_alloc : memref<!tpu.dma_semaphore, #tpu.memory_space<semaphore_mem>>
          %dma_start3A_81 = tpu.memref_slice %arg3[%run_scoped3A_77, %mul3A_76] : memref<2x320000xi32, #tpu.memory_space<hbm>> -> memref<1x128xi32, #tpu.memory_space<hbm>>
          %dma_start3A_82 = tpu.memref_squeeze %dma_start3A_81 : memref<1x128xi32, #tpu.memory_space<hbm>> -> memref<128xi32, #tpu.memory_space<hbm>>
          %dma_start3A_83 = tpu.memref_slice %arg3[%run_scoped3A_77, %mul3A_76] : memref<2x320000xi32, #tpu.memory_space<hbm>> -> memref<1x128xi32, #tpu.memory_space<hbm>>
          %dma_start3A_84 = tpu.memref_squeeze %dma_start3A_83 : memref<1x128xi32, #tpu.memory_space<hbm>> -> memref<128xi32, #tpu.memory_space<hbm>>
          tpu.enqueue_dma source(%dma_start3A_84 : memref<128xi32, #tpu.memory_space<hbm>>) target(%arg6 : memref<128xi32, #tpu.memory_space<vmem>>) target_semaphore(%run_scoped3A_80 : memref<!tpu.dma_semaphore, #tpu.memory_space<semaphore_mem>>)
          %dma_wait3A = tpu.memref_slice %arg3[%run_scoped3A_77, %mul3A_76] : memref<2x320000xi32, #tpu.memory_space<hbm>> -> memref<1x128xi32, #tpu.memory_space<hbm>>
          %dma_wait3A_85 = tpu.memref_squeeze %dma_wait3A : memref<1x128xi32, #tpu.memory_space<hbm>> -> memref<128xi32, #tpu.memory_space<hbm>>
          %dma_wait3A_86 = tpu.memref_slice %arg3[%run_scoped3A_77, %mul3A_76] : memref<2x320000xi32, #tpu.memory_space<hbm>> -> memref<1x128xi32, #tpu.memory_space<hbm>>
          %dma_wait3A_87 = tpu.memref_squeeze %dma_wait3A_86 : memref<1x128xi32, #tpu.memory_space<hbm>> -> memref<128xi32, #tpu.memory_space<hbm>>
          tpu.wait_dma2 semaphore(%run_scoped3A_80 : memref<!tpu.dma_semaphore, #tpu.memory_space<semaphore_mem>>) src(%dma_wait3A_87 : memref<128xi32, #tpu.memory_space<hbm>>) dst(%arg6 : memref<128xi32, #tpu.memory_space<vmem>>)
          tpu.yield
        }) : () -> ()
        %dma_start3A = arith.constant 0 : i32
        %dma_start3A_78 = arith.constant 0 : i32
        %dma_start3A_79 = tpu.memref_slice %arg2[%dma_start3A, %dma_start3A_78] : memref<10000x128xf32, #tpu.memory_space<hbm>> -> memref<10000x128xf32, #tpu.memory_space<hbm>>
        tpu.enqueue_indirect_dma source(%dma_start3A_79 : memref<10000x128xf32, #tpu.memory_space<hbm>>) target(%arg7 : memref<128x128xf32, #tpu.memory_space<vmem>>) offsets(%arg5 : memref<128xi32, #tpu.memory_space<vmem>>) semaphore(%arg13 : memref<!tpu.dma_semaphore, #tpu.memory_space<semaphore_mem>>)
      } else {
      }
      %mul3A_67 = arith.constant 32 : i32
      %mul3A_68 = arith.muli %add3A_56, %mul3A_67 : i32
      %add3A_69 = arith.addi %mul3A_68, %add3A : i32
      %lt3A_70 = arith.constant 2500 : i32
      %lt3A_71 = arith.cmpi slt, %add3A_69, %lt3A_70 : i32
      %convert_element_type3A_72 = arith.extui %lt3A_71 : i1 to i32
      %cond3A_73 = arith.constant 0 : i32
      %cond3A_74 = arith.cmpi ne, %convert_element_type3A_72, %cond3A_73 : i32
      scf.if %cond3A_74 {
        %dma_wait3A = arith.constant 0 : i32
        %dma_wait3A_75 = arith.constant 0 : i32
        %dma_wait3A_76 = tpu.memref_slice %arg2[%dma_wait3A, %dma_wait3A_75] : memref<10000x128xf32, #tpu.memory_space<hbm>> -> memref<10000x128xf32, #tpu.memory_space<hbm>>
        tpu.wait_indirect_dma semaphore(%arg14 : memref<!tpu.dma_semaphore, #tpu.memory_space<semaphore_mem>>) src(%dma_wait3A_76 : memref<10000x128xf32, #tpu.memory_space<hbm>>) dst(%arg10 : memref<128x128xf32, #tpu.memory_space<vmem>>)
        "tpu.region"() ({
          %run_scoped3A = tpu.sem_alloc : memref<!tpu.dma_semaphore, #tpu.memory_space<semaphore_mem>>
          %dma_start3A = arith.constant 0 : i32
          %dma_start3A_77 = arith.constant 0 : i32
          %dma_start3A_78 = tpu.memref_slice %arg12[%dma_start3A, %dma_start3A_77] : memref<10000x128xf32, #tpu.memory_space<vmem_shared>> -> memref<10000x128xf32, #tpu.memory_space<vmem_shared>>
          tpu.enqueue_indirect_dma source(%arg10 : memref<128x128xf32, #tpu.memory_space<vmem>>) target(%dma_start3A_78 : memref<10000x128xf32, #tpu.memory_space<vmem_shared>>) offsets(%arg9 : memref<128xi32, #tpu.memory_space<vmem>>) semaphore(%run_scoped3A : memref<!tpu.dma_semaphore, #tpu.memory_space<semaphore_mem>>) {add = true}
          %dma_wait3A_79 = arith.constant 0 : i32
          %dma_wait3A_80 = arith.constant 0 : i32
          %dma_wait3A_81 = tpu.memref_slice %arg12[%dma_wait3A_79, %dma_wait3A_80] : memref<10000x128xf32, #tpu.memory_space<vmem_shared>> -> memref<10000x128xf32, #tpu.memory_space<vmem_shared>>
          tpu.wait_indirect_dma semaphore(%run_scoped3A : memref<!tpu.dma_semaphore, #tpu.memory_space<semaphore_mem>>) src(%arg10 : memref<128x128xf32, #tpu.memory_space<vmem>>) dst(%dma_wait3A_81 : memref<10000x128xf32, #tpu.memory_space<vmem_shared>>)
          tpu.yield
        }) : () -> ()
      } else {
      }
    }
    %scan3A_19 = arith.constant 40 : i32
    %barrier3A_20 = arith.constant 0 : index
    tpu.barrier barrier_id(%barrier3A_20)
    %scan3A_21 = arith.constant 0 : i32
    %scan3A_22 = arith.constant 79 : i32
    %scan3A_23 = arith.addi %scan3A_21, %scan3A_22 : i32
    %scan3A_24 = arith.constant 1 : i32
    scf.for %scan3A_26 = %scan3A_21 to %scan3A_23 step %scan3A_24  : i32 {
      %mul3A_27 = arith.constant 1 : i32
      %mul3A_28 = arith.muli %scan3A_26, %mul3A_27 : i32
      %add3A_29 = arith.constant 0 : i32
      %add3A_30 = arith.addi %add3A_29, %mul3A_28 : i32
      %mul3A_31 = arith.constant 16 : i32
      %mul3A_32 = arith.muli %add3A_30, %mul3A_31 : i32
      %add3A_33 = arith.addi %mul3A_32, %arg1 : i32
      %lt3A_34 = arith.constant 1250 : i32
      %lt3A_35 = arith.cmpi slt, %add3A_33, %lt3A_34 : i32
      %convert_element_type3A_36 = arith.extui %lt3A_35 : i1 to i32
      %cond3A_37 = arith.constant 0 : i32
      %cond3A_38 = arith.cmpi ne, %convert_element_type3A_36, %cond3A_37 : i32
      scf.if %cond3A_38 {
        %mul3A_39 = arith.constant 8 : i32
        %mul3A_40 = arith.muli %add3A_33, %mul3A_39 : i32
        "tpu.region"() ({
          %run_scoped3A = tpu.sem_alloc : memref<!tpu.dma_semaphore, #tpu.memory_space<semaphore_mem>>
          %dma_start3A = arith.constant 0 : i32
          %dma_start3A_41 = tpu.memref_slice %arg4[%arg0, %mul3A_40, %dma_start3A] : memref<2x10000x128xf32, #tpu.memory_space<hbm>> -> memref<1x8x128xf32, #tpu.memory_space<hbm>>
          %dma_start3A_42 = tpu.memref_squeeze %dma_start3A_41 : memref<1x8x128xf32, #tpu.memory_space<hbm>> -> memref<8x128xf32, #tpu.memory_space<hbm>>
          %dma_start3A_43 = arith.constant 0 : i32
          %dma_start3A_44 = tpu.memref_slice %arg12[%mul3A_40, %dma_start3A_43] : memref<10000x128xf32, #tpu.memory_space<vmem_shared>> -> memref<8x128xf32, #tpu.memory_space<vmem_shared>>
          tpu.enqueue_dma source(%dma_start3A_44 : memref<8x128xf32, #tpu.memory_space<vmem_shared>>) target(%dma_start3A_42 : memref<8x128xf32, #tpu.memory_space<hbm>>) target_semaphore(%run_scoped3A : memref<!tpu.dma_semaphore, #tpu.memory_space<semaphore_mem>>)
          %dma_wait3A = arith.constant 0 : i32
          %dma_wait3A_45 = tpu.memref_slice %arg4[%arg0, %mul3A_40, %dma_wait3A] : memref<2x10000x128xf32, #tpu.memory_space<hbm>> -> memref<1x8x128xf32, #tpu.memory_space<hbm>>
          %dma_wait3A_46 = tpu.memref_squeeze %dma_wait3A_45 : memref<1x8x128xf32, #tpu.memory_space<hbm>> -> memref<8x128xf32, #tpu.memory_space<hbm>>
          %dma_wait3A_47 = arith.constant 0 : i32
          %dma_wait3A_48 = tpu.memref_slice %arg12[%mul3A_40, %dma_wait3A_47] : memref<10000x128xf32, #tpu.memory_space<vmem_shared>> -> memref<8x128xf32, #tpu.memory_space<vmem_shared>>
          tpu.wait_dma2 semaphore(%run_scoped3A : memref<!tpu.dma_semaphore, #tpu.memory_space<semaphore_mem>>) src(%dma_wait3A_48 : memref<8x128xf32, #tpu.memory_space<vmem_shared>>) dst(%dma_wait3A_46 : memref<8x128xf32, #tpu.memory_space<hbm>>)
          tpu.yield
        }) : () -> ()
      } else {
      }
    }
    %scan3A_25 = arith.constant 79 : i32
    return
  }
}

#map = affine_map<(d0, d1) -> (0, 0)>
#map1 = affine_map<(d0, d1) -> (0, 0, 0)>
module attributes {stable_mosaic.version = 14 : i64} {
  func.func @body(%arg0: i32, %arg1: i32, %arg2: memref<10000x128xf32, #tpu.memory_space<hbm>>, %arg3: memref<2x320000xi32, #tpu.memory_space<hbm>>, %arg4: memref<2x10000x128xf32, #tpu.memory_space<hbm>>, %arg5: memref<128xi32, #tpu.memory_space<vmem>>, %arg6: memref<128xi32, #tpu.memory_space<vmem>>, %arg7: memref<128x128xf32, #tpu.memory_space<vmem>>, %arg8: memref<128xi32, #tpu.memory_space<vmem>>, %arg9: memref<128xi32, #tpu.memory_space<vmem>>, %arg10: memref<128x128xf32, #tpu.memory_space<vmem>>, %arg11: memref<8x128xf32, #tpu.memory_space<vmem>>, %arg12: memref<10000x128xf32, #tpu.memory_space<vmem_shared>>, %arg13: memref<!tpu.dma_semaphore, #tpu.memory_space<semaphore_mem>>, %arg14: memref<!tpu.dma_semaphore, #tpu.memory_space<semaphore_mem>>) attributes {dimension_semantics = [#tpu.dimension_semantics<core_parallel>, #tpu.dimension_semantics<subcore_parallel>], iteration_bounds = array<i64: 2, 16>, scalar_prefetch = 0 : i64, scratch_operands = 10 : i64, tpu.core_type = #tpu.core_type<sc_vector_subcore>, window_params = [{transform_indices = #map}, {transform_indices = #map}, {transform_indices = #map1}]} {
    %mul3A = arith.constant 2 : i32
    %mul3A_0 = arith.muli %arg1, %mul3A : i32
    %add3A = arith.addi %mul3A_0, %arg0 : i32
    %broadcast_in_dim3A = arith.constant 0.000000e+00 : f32
    %broadcast_in_dim3A_1 = vector.broadcast %broadcast_in_dim3A : f32 to vector<16xf32>
    %scan3A = arith.constant 0 : i32
    %scan3A_2 = arith.constant 8 : i32
    %scan3A_3 = arith.addi %scan3A, %scan3A_2 : i32
    %scan3A_4 = arith.constant 1 : i32
    scf.for %scan3A_26 = %scan3A to %scan3A_3 step %scan3A_4  : i32 {
      %mul3A_27 = arith.constant 1 : i32
      %mul3A_28 = arith.muli %scan3A_26, %mul3A_27 : i32
      %add3A_29 = arith.constant 0 : i32
      %add3A_30 = arith.addi %add3A_29, %mul3A_28 : i32
      %scan3A_31 = arith.constant 0 : i32
      %scan3A_32 = arith.constant 8 : i32
      %scan3A_33 = arith.addi %scan3A_31, %scan3A_32 : i32
      %scan3A_34 = arith.constant 1 : i32
      scf.for %scan3A_36 = %scan3A_31 to %scan3A_33 step %scan3A_34  : i32 {
        %mul3A_37 = arith.constant 1 : i32
        %mul3A_38 = arith.muli %scan3A_36, %mul3A_37 : i32
        %add3A_39 = arith.constant 0 : i32
        %add3A_40 = arith.addi %add3A_39, %mul3A_38 : i32
        %mul3A_41 = arith.constant 16 : i32
        %mul3A_42 = arith.muli %add3A_40, %mul3A_41 : i32
        %swap3A = arith.index_cast %add3A_30 : i32 to index
        %swap3A_43 = arith.index_cast %mul3A_42 : i32 to index
        %swap3A_44 = tpu.vector_load %arg11[%swap3A, %swap3A_43] {strides = array<i32>} : memref<8x128xf32, #tpu.memory_space<vmem>>, vector<1x16xf32>,
        %swap3A_45 = vector.shape_cast %swap3A_44 : vector<1x16xf32> to vector<16xf32>
        %swap3A_46 = vector.shape_cast %broadcast_in_dim3A_1 : vector<16xf32> to vector<1x16xf32>
        tpu.vector_store %arg11[%swap3A, %swap3A_43], %swap3A_46 {strides = array<i32>} : memref<8x128xf32, #tpu.memory_space<vmem>>, vector<1x16xf32>,
      }
      %scan3A_35 = arith.constant 8 : i32
    }
    %scan3A_5 = arith.constant 8 : i32
    %scan3A_6 = arith.constant 0 : i32
    %scan3A_7 = arith.constant 79 : i32
    %scan3A_8 = arith.addi %scan3A_6, %scan3A_7 : i32
    %scan3A_9 = arith.constant 1 : i32
    scf.for %scan3A_26 = %scan3A_6 to %scan3A_8 step %scan3A_9  : i32 {
      %mul3A_27 = arith.constant 1 : i32
      %mul3A_28 = arith.muli %scan3A_26, %mul3A_27 : i32
      %add3A_29 = arith.constant 0 : i32
      %add3A_30 = arith.addi %add3A_29, %mul3A_28 : i32
      %mul3A_31 = arith.constant 16 : i32
      %mul3A_32 = arith.muli %add3A_30, %mul3A_31 : i32
      %add3A_33 = arith.addi %mul3A_32, %arg1 : i32
      %lt3A_34 = arith.constant 1250 : i32
      %lt3A_35 = arith.cmpi slt, %add3A_33, %lt3A_34 : i32
      %convert_element_type3A_36 = arith.extui %lt3A_35 : i1 to i32
      %cond3A_37 = arith.constant 0 : i32
      %cond3A_38 = arith.cmpi ne, %convert_element_type3A_36, %cond3A_37 : i32
      scf.if %cond3A_38 {
        %mul3A_39 = arith.constant 8 : i32
        %mul3A_40 = arith.muli %add3A_33, %mul3A_39 : i32
        "tpu.region"() ({
          %run_scoped3A = tpu.sem_alloc : memref<!tpu.dma_semaphore, #tpu.memory_space<semaphore_mem>>
          %dma_start3A = arith.constant 0 : i32
          %dma_start3A_41 = tpu.memref_slice %arg12[%mul3A_40, %dma_start3A] : memref<10000x128xf32, #tpu.memory_space<vmem_shared>> -> memref<8x128xf32, #tpu.memory_space<vmem_shared>>
          %dma_start3A_42 = arith.constant 0 : i32
          %dma_start3A_43 = tpu.memref_slice %arg12[%mul3A_40, %dma_start3A_42] : memref<10000x128xf32, #tpu.memory_space<vmem_shared>> -> memref<8x128xf32, #tpu.memory_space<vmem_shared>>
          tpu.enqueue_dma source(%arg11 : memref<8x128xf32, #tpu.memory_space<vmem>>) target(%dma_start3A_43 : memref<8x128xf32, #tpu.memory_space<vmem_shared>>) target_semaphore(%run_scoped3A : memref<!tpu.dma_semaphore, #tpu.memory_space<semaphore_mem>>)
          %dma_wait3A = arith.constant 0 : i32
          %dma_wait3A_44 = tpu.memref_slice %arg12[%mul3A_40, %dma_wait3A] : memref<10000x128xf32, #tpu.memory_space<vmem_shared>> -> memref<8x128xf32, #tpu.memory_space<vmem_shared>>
          %dma_wait3A_45 = arith.constant 0 : i32
          %dma_wait3A_46 = tpu.memref_slice %arg12[%mul3A_40, %dma_wait3A_45] : memref<10000x128xf32, #tpu.memory_space<vmem_shared>> -> memref<8x128xf32, #tpu.memory_space<vmem_shared>>
          tpu.wait_dma2 semaphore(%run_scoped3A : memref<!tpu.dma_semaphore, #tpu.memory_space<semaphore_mem>>) src(%arg11 : memref<8x128xf32, #tpu.memory_space<vmem>>) dst(%dma_wait3A_46 : memref<8x128xf32, #tpu.memory_space<vmem_shared>>)
          tpu.yield
        }) : () -> ()
      } else {
      }
    }
    %scan3A_10 = arith.constant 79 : i32
    %barrier3A = arith.constant 0 : index
    tpu.barrier barrier_id(%barrier3A)
    %add3A_11 = arith.constant 0 : i32
    %add3A_12 = arith.addi %add3A_11, %add3A : i32
    %lt3A = arith.constant 2500 : i32
    %lt3A_13 = arith.cmpi slt, %add3A_12, %lt3A : i32
    %convert_element_type3A = arith.extui %lt3A_13 : i1 to i32
    %cond3A = arith.constant 0 : i32
    %cond3A_14 = arith.cmpi ne, %convert_element_type3A, %cond3A : i32
    scf.if %cond3A_14 {
      %mul3A_26 = arith.constant 128 : i32
      %mul3A_27 = arith.muli %add3A_12, %mul3A_26 : i32
      %run_scoped3A = arith.constant 0 : i32
      "tpu.region"() ({
        %run_scoped3A_31 = tpu.sem_alloc : memref<!tpu.dma_semaphore, #tpu.memory_space<semaphore_mem>>
        %dma_start3A_32 = tpu.memref_slice %arg3[%run_scoped3A, %mul3A_27] : memref<2x320000xi32, #tpu.memory_space<hbm>> -> memref<1x128xi32, #tpu.memory_space<hbm>>
        %dma_start3A_33 = tpu.memref_squeeze %dma_start3A_32 : memref<1x128xi32, #tpu.memory_space<hbm>> -> memref<128xi32, #tpu.memory_space<hbm>>
        %dma_start3A_34 = tpu.memref_slice %arg3[%run_scoped3A, %mul3A_27] : memref<2x320000xi32, #tpu.memory_space<hbm>> -> memref<1x128xi32, #tpu.memory_space<hbm>>
        %dma_start3A_35 = tpu.memref_squeeze %dma_start3A_34 : memref<1x128xi32, #tpu.memory_space<hbm>> -> memref<128xi32, #tpu.memory_space<hbm>>
        tpu.enqueue_dma source(%dma_start3A_35 : memref<128xi32, #tpu.memory_space<hbm>>) target(%arg5 : memref<128xi32, #tpu.memory_space<vmem>>) target_semaphore(%run_scoped3A_31 : memref<!tpu.dma_semaphore, #tpu.memory_space<semaphore_mem>>)
        %dma_wait3A = tpu.memref_slice %arg3[%run_scoped3A, %mul3A_27] : memref<2x320000xi32, #tpu.memory_space<hbm>> -> memref<1x128xi32, #tpu.memory_space<hbm>>
        %dma_wait3A_36 = tpu.memref_squeeze %dma_wait3A : memref<1x128xi32, #tpu.memory_space<hbm>> -> memref<128xi32, #tpu.memory_space<hbm>>
        %dma_wait3A_37 = tpu.memref_slice %arg3[%run_scoped3A, %mul3A_27] : memref<2x320000xi32, #tpu.memory_space<hbm>> -> memref<1x128xi32, #tpu.memory_space<hbm>>
        %dma_wait3A_38 = tpu.memref_squeeze %dma_wait3A_37 : memref<1x128xi32, #tpu.memory_space<hbm>> -> memref<128xi32, #tpu.memory_space<hbm>>
        tpu.wait_dma2 semaphore(%run_scoped3A_31 : memref<!tpu.dma_semaphore, #tpu.memory_space<semaphore_mem>>) src(%dma_wait3A_38 : memref<128xi32, #tpu.memory_space<hbm>>) dst(%arg5 : memref<128xi32, #tpu.memory_space<vmem>>)
        tpu.yield
      }) : () -> ()
      %run_scoped3A_28 = arith.constant 1 : i32
      "tpu.region"() ({
        %run_scoped3A_31 = tpu.sem_alloc : memref<!tpu.dma_semaphore, #tpu.memory_space<semaphore_mem>>
        %dma_start3A_32 = tpu.memref_slice %arg3[%run_scoped3A_28, %mul3A_27] : memref<2x320000xi32, #tpu.memory_space<hbm>> -> memref<1x128xi32, #tpu.memory_space<hbm>>
        %dma_start3A_33 = tpu.memref_squeeze %dma_start3A_32 : memref<1x128xi32, #tpu.memory_space<hbm>> -> memref<128xi32, #tpu.memory_space<hbm>>
        %dma_start3A_34 = tpu.memref_slice %arg3[%run_scoped3A_28, %mul3A_27] : memref<2x320000xi32, #tpu.memory_space<hbm>> -> memref<1x128xi32, #tpu.memory_space<hbm>>
        %dma_start3A_35 = tpu.memref_squeeze %dma_start3A_34 : memref<1x128xi32, #tpu.memory_space<hbm>> -> memref<128xi32, #tpu.memory_space<hbm>>
        tpu.enqueue_dma source(%dma_start3A_35 : memref<128xi32, #tpu.memory_space<hbm>>) target(%arg6 : memref<128xi32, #tpu.memory_space<vmem>>) target_semaphore(%run_scoped3A_31 : memref<!tpu.dma_semaphore, #tpu.memory_space<semaphore_mem>>)
        %dma_wait3A = tpu.memref_slice %arg3[%run_scoped3A_28, %mul3A_27] : memref<2x320000xi32, #tpu.memory_space<hbm>> -> memref<1x128xi32, #tpu.memory_space<hbm>>
        %dma_wait3A_36 = tpu.memref_squeeze %dma_wait3A : memref<1x128xi32, #tpu.memory_space<hbm>> -> memref<128xi32, #tpu.memory_space<hbm>>
        %dma_wait3A_37 = tpu.memref_slice %arg3[%run_scoped3A_28, %mul3A_27] : memref<2x320000xi32, #tpu.memory_space<hbm>> -> memref<1x128xi32, #tpu.memory_space<hbm>>
        %dma_wait3A_38 = tpu.memref_squeeze %dma_wait3A_37 : memref<1x128xi32, #tpu.memory_space<hbm>> -> memref<128xi32, #tpu.memory_space<hbm>>
        tpu.wait_dma2 semaphore(%run_scoped3A_31 : memref<!tpu.dma_semaphore, #tpu.memory_space<semaphore_mem>>) src(%dma_wait3A_38 : memref<128xi32, #tpu.memory_space<hbm>>) dst(%arg6 : memref<128xi32, #tpu.memory_space<vmem>>)
        tpu.yield
      }) : () -> ()
      %dma_start3A = arith.constant 0 : i32
      %dma_start3A_29 = arith.constant 0 : i32
      %dma_start3A_30 = tpu.memref_slice %arg2[%dma_start3A, %dma_start3A_29] : memref<10000x128xf32, #tpu.memory_space<hbm>> -> memref<10000x128xf32, #tpu.memory_space<hbm>>
      tpu.enqueue_indirect_dma source(%dma_start3A_30 : memref<10000x128xf32, #tpu.memory_space<hbm>>) target(%arg7 : memref<128x128xf32, #tpu.memory_space<vmem>>) offsets(%arg5 : memref<128xi32, #tpu.memory_space<vmem>>) semaphore(%arg13 : memref<!tpu.dma_semaphore, #tpu.memory_space<semaphore_mem>>)
    } else {
    }
    %scan3A_15 = arith.constant 0 : i32
    %scan3A_16 = arith.constant 40 : i32
    %scan3A_17 = arith.addi %scan3A_15, %scan3A_16 : i32
    %scan3A_18 = arith.constant 1 : i32
    scf.for %scan3A_26 = %scan3A_15 to %scan3A_17 step %scan3A_18  : i32 {
      %mul3A_27 = arith.constant 1 : i32
      %mul3A_28 = arith.muli %scan3A_26, %mul3A_27 : i32
      %add3A_29 = arith.constant 0 : i32
      %add3A_30 = arith.addi %add3A_29, %mul3A_28 : i32
      %mul3A_31 = arith.constant 2 : i32
      %mul3A_32 = arith.muli %add3A_30, %mul3A_31 : i32
      %add3A_33 = arith.constant 0 : i32
      %add3A_34 = arith.addi %mul3A_32, %add3A_33 : i32
      %add3A_35 = arith.constant 1 : i32
      %add3A_36 = arith.addi %add3A_34, %add3A_35 : i32
      %mul3A_37 = arith.constant 32 : i32
      %mul3A_38 = arith.muli %add3A_36, %mul3A_37 : i32
      %add3A_39 = arith.addi %mul3A_38, %add3A : i32
      %lt3A_40 = arith.constant 2500 : i32
      %lt3A_41 = arith.cmpi slt, %add3A_39, %lt3A_40 : i32
      %convert_element_type3A_42 = arith.extui %lt3A_41 : i1 to i32
      %cond3A_43 = arith.constant 0 : i32
      %cond3A_44 = arith.cmpi ne, %convert_element_type3A_42, %cond3A_43 : i32
      scf.if %cond3A_44 {
        %mul3A_75 = arith.constant 128 : i32
        %mul3A_76 = arith.muli %add3A_39, %mul3A_75 : i32
        %run_scoped3A = arith.constant 0 : i32
        "tpu.region"() ({
          %run_scoped3A_80 = tpu.sem_alloc : memref<!tpu.dma_semaphore, #tpu.memory_space<semaphore_mem>>
          %dma_start3A_81 = tpu.memref_slice %arg3[%run_scoped3A, %mul3A_76] : memref<2x320000xi32, #tpu.memory_space<hbm>> -> memref<1x128xi32, #tpu.memory_space<hbm>>
          %dma_start3A_82 = tpu.memref_squeeze %dma_start3A_81 : memref<1x128xi32, #tpu.memory_space<hbm>> -> memref<128xi32, #tpu.memory_space<hbm>>
          %dma_start3A_83 = tpu.memref_slice %arg3[%run_scoped3A, %mul3A_76] : memref<2x320000xi32, #tpu.memory_space<hbm>> -> memref<1x128xi32, #tpu.memory_space<hbm>>
          %dma_start3A_84 = tpu.memref_squeeze %dma_start3A_83 : memref<1x128xi32, #tpu.memory_space<hbm>> -> memref<128xi32, #tpu.memory_space<hbm>>
          tpu.enqueue_dma source(%dma_start3A_84 : memref<128xi32, #tpu.memory_space<hbm>>) target(%arg8 : memref<128xi32, #tpu.memory_space<vmem>>) target_semaphore(%run_scoped3A_80 : memref<!tpu.dma_semaphore, #tpu.memory_space<semaphore_mem>>)
          %dma_wait3A = tpu.memref_slice %arg3[%run_scoped3A, %mul3A_76] : memref<2x320000xi32, #tpu.memory_space<hbm>> -> memref<1x128xi32, #tpu.memory_space<hbm>>
          %dma_wait3A_85 = tpu.memref_squeeze %dma_wait3A : memref<1x128xi32, #tpu.memory_space<hbm>> -> memref<128xi32, #tpu.memory_space<hbm>>
          %dma_wait3A_86 = tpu.memref_slice %arg3[%run_scoped3A, %mul3A_76] : memref<2x320000xi32, #tpu.memory_space<hbm>> -> memref<1x128xi32, #tpu.memory_space<hbm>>
          %dma_wait3A_87 = tpu.memref_squeeze %dma_wait3A_86 : memref<1x128xi32, #tpu.memory_space<hbm>> -> memref<128xi32, #tpu.memory_space<hbm>>
          tpu.wait_dma2 semaphore(%run_scoped3A_80 : memref<!tpu.dma_semaphore, #tpu.memory_space<semaphore_mem>>) src(%dma_wait3A_87 : memref<128xi32, #tpu.memory_space<hbm>>) dst(%arg8 : memref<128xi32, #tpu.memory_space<vmem>>)
          tpu.yield
        }) : () -> ()
        %run_scoped3A_77 = arith.constant 1 : i32
        "tpu.region"() ({
          %run_scoped3A_80 = tpu.sem_alloc : memref<!tpu.dma_semaphore, #tpu.memory_space<semaphore_mem>>
          %dma_start3A_81 = tpu.memref_slice %arg3[%run_scoped3A_77, %mul3A_76] : memref<2x320000xi32, #tpu.memory_space<hbm>> -> memref<1x128xi32, #tpu.memory_space<hbm>>
          %dma_start3A_82 = tpu.memref_squeeze %dma_start3A_81 : memref<1x128xi32, #tpu.memory_space<hbm>> -> memref<128xi32, #tpu.memory_space<hbm>>
          %dma_start3A_83 = tpu.memref_slice %arg3[%run_scoped3A_77, %mul3A_76] : memref<2x320000xi32, #tpu.memory_space<hbm>> -> memref<1x128xi32, #tpu.memory_space<hbm>>
          %dma_start3A_84 = tpu.memref_squeeze %dma_start3A_83 : memref<1x128xi32, #tpu.memory_space<hbm>> -> memref<128xi32, #tpu.memory_space<hbm>>
          tpu.enqueue_dma source(%dma_start3A_84 : memref<128xi32, #tpu.memory_space<hbm>>) target(%arg9 : memref<128xi32, #tpu.memory_space<vmem>>) target_semaphore(%run_scoped3A_80 : memref<!tpu.dma_semaphore, #tpu.memory_space<semaphore_mem>>)
          %dma_wait3A = tpu.memref_slice %arg3[%run_scoped3A_77, %mul3A_76] : memref<2x320000xi32, #tpu.memory_space<hbm>> -> memref<1x128xi32, #tpu.memory_space<hbm>>
          %dma_wait3A_85 = tpu.memref_squeeze %dma_wait3A : memref<1x128xi32, #tpu.memory_space<hbm>> -> memref<128xi32, #tpu.memory_space<hbm>>
          %dma_wait3A_86 = tpu.memref_slice %arg3[%run_scoped3A_77, %mul3A_76] : memref<2x320000xi32, #tpu.memory_space<hbm>> -> memref<1x128xi32, #tpu.memory_space<hbm>>
          %dma_wait3A_87 = tpu.memref_squeeze %dma_wait3A_86 : memref<1x128xi32, #tpu.memory_space<hbm>> -> memref<128xi32, #tpu.memory_space<hbm>>
          tpu.wait_dma2 semaphore(%run_scoped3A_80 : memref<!tpu.dma_semaphore, #tpu.memory_space<semaphore_mem>>) src(%dma_wait3A_87 : memref<128xi32, #tpu.memory_space<hbm>>) dst(%arg9 : memref<128xi32, #tpu.memory_space<vmem>>)
          tpu.yield
        }) : () -> ()
        %dma_start3A = arith.constant 0 : i32
        %dma_start3A_78 = arith.constant 0 : i32
        %dma_start3A_79 = tpu.memref_slice %arg2[%dma_start3A, %dma_start3A_78] : memref<10000x128xf32, #tpu.memory_space<hbm>> -> memref<10000x128xf32, #tpu.memory_space<hbm>>
        tpu.enqueue_indirect_dma source(%dma_start3A_79 : memref<10000x128xf32, #tpu.memory_space<hbm>>) target(%arg10 : memref<128x128xf32, #tpu.memory_space<vmem>>) offsets(%arg8 : memref<128xi32, #tpu.memory_space<vmem>>) semaphore(%arg14 : memref<!tpu.dma_semaphore, #tpu.memory_space<semaphore_mem>>)
      } else {
      }
      %mul3A_45 = arith.constant 32 : i32
      %mul3A_46 = arith.muli %add3A_34, %mul3A_45 : i32
      %add3A_47 = arith.addi %mul3A_46, %add3A : i32
      %lt3A_48 = arith.constant 2500 : i32
      %lt3A_49 = arith.cmpi slt, %add3A_47, %lt3A_48 : i32
      %convert_element_type3A_50 = arith.extui %lt3A_49 : i1 to i32
      %cond3A_51 = arith.constant 0 : i32
      %cond3A_52 = arith.cmpi ne, %convert_element_type3A_50, %cond3A_51 : i32
      scf.if %cond3A_52 {
        %dma_wait3A = arith.constant 0 : i32
        %dma_wait3A_75 = arith.constant 0 : i32
        %dma_wait3A_76 = tpu.memref_slice %arg2[%dma_wait3A, %dma_wait3A_75] : memref<10000x128xf32, #tpu.memory_space<hbm>> -> memref<10000x128xf32, #tpu.memory_space<hbm>>
        tpu.wait_indirect_dma semaphore(%arg13 : memref<!tpu.dma_semaphore, #tpu.memory_space<semaphore_mem>>) src(%dma_wait3A_76 : memref<10000x128xf32, #tpu.memory_space<hbm>>) dst(%arg7 : memref<128x128xf32, #tpu.memory_space<vmem>>)
        "tpu.region"() ({
          %run_scoped3A = tpu.sem_alloc : memref<!tpu.dma_semaphore, #tpu.memory_space<semaphore_mem>>
          %dma_start3A = arith.constant 0 : i32
          %dma_start3A_77 = arith.constant 0 : i32
          %dma_start3A_78 = tpu.memref_slice %arg12[%dma_start3A, %dma_start3A_77] : memref<10000x128xf32, #tpu.memory_space<vmem_shared>> -> memref<10000x128xf32, #tpu.memory_space<vmem_shared>>
          tpu.enqueue_indirect_dma source(%arg7 : memref<128x128xf32, #tpu.memory_space<vmem>>) target(%dma_start3A_78 : memref<10000x128xf32, #tpu.memory_space<vmem_shared>>) offsets(%arg6 : memref<128xi32, #tpu.memory_space<vmem>>) semaphore(%run_scoped3A : memref<!tpu.dma_semaphore, #tpu.memory_space<semaphore_mem>>) {add = true}
          %dma_wait3A_79 = arith.constant 0 : i32
          %dma_wait3A_80 = arith.constant 0 : i32
          %dma_wait3A_81 = tpu.memref_slice %arg12[%dma_wait3A_79, %dma_wait3A_80] : memref<10000x128xf32, #tpu.memory_space<vmem_shared>> -> memref<10000x128xf32, #tpu.memory_space<vmem_shared>>
          tpu.wait_indirect_dma semaphore(%run_scoped3A : memref<!tpu.dma_semaphore, #tpu.memory_space<semaphore_mem>>) src(%arg7 : memref<128x128xf32, #tpu.memory_space<vmem>>) dst(%dma_wait3A_81 : memref<10000x128xf32, #tpu.memory_space<vmem_shared>>)
          tpu.yield
        }) : () -> ()
      } else {
      }
      %mul3A_53 = arith.constant 2 : i32
      %mul3A_54 = arith.muli %add3A_30, %mul3A_53 : i32
      %add3A_55 = arith.constant 1 : i32
      %add3A_56 = arith.addi %mul3A_54, %add3A_55 : i32
      %add3A_57 = arith.constant 1 : i32
      %add3A_58 = arith.addi %add3A_56, %add3A_57 : i32
      %mul3A_59 = arith.constant 32 : i32
      %mul3A_60 = arith.muli %add3A_58, %mul3A_59 : i32
      %add3A_61 = arith.addi %mul3A_60, %add3A : i32
      %lt3A_62 = arith.constant 2500 : i32
      %lt3A_63 = arith.cmpi slt, %add3A_61, %lt3A_62 : i32
      %convert_element_type3A_64 = arith.extui %lt3A_63 : i1 to i32
      %cond3A_65 = arith.constant 0 : i32
      %cond3A_66 = arith.cmpi ne, %convert_element_type3A_64, %cond3A_65 : i32
      scf.if %cond3A_66 {
        %mul3A_75 = arith.constant 128 : i32
        %mul3A_76 = arith.muli %add3A_61, %mul3A_75 : i32
        %run_scoped3A = arith.constant 0 : i32
        "tpu.region"() ({
          %run_scoped3A_80 = tpu.sem_alloc : memref<!tpu.dma_semaphore, #tpu.memory_space<semaphore_mem>>
          %dma_start3A_81 = tpu.memref_slice %arg3[%run_scoped3A, %mul3A_76] : memref<2x320000xi32, #tpu.memory_space<hbm>> -> memref<1x128xi32, #tpu.memory_space<hbm>>
          %dma_start3A_82 = tpu.memref_squeeze %dma_start3A_81 : memref<1x128xi32, #tpu.memory_space<hbm>> -> memref<128xi32, #tpu.memory_space<hbm>>
          %dma_start3A_83 = tpu.memref_slice %arg3[%run_scoped3A, %mul3A_76] : memref<2x320000xi32, #tpu.memory_space<hbm>> -> memref<1x128xi32, #tpu.memory_space<hbm>>
          %dma_start3A_84 = tpu.memref_squeeze %dma_start3A_83 : memref<1x128xi32, #tpu.memory_space<hbm>> -> memref<128xi32, #tpu.memory_space<hbm>>
          tpu.enqueue_dma source(%dma_start3A_84 : memref<128xi32, #tpu.memory_space<hbm>>) target(%arg5 : memref<128xi32, #tpu.memory_space<vmem>>) target_semaphore(%run_scoped3A_80 : memref<!tpu.dma_semaphore, #tpu.memory_space<semaphore_mem>>)
          %dma_wait3A = tpu.memref_slice %arg3[%run_scoped3A, %mul3A_76] : memref<2x320000xi32, #tpu.memory_space<hbm>> -> memref<1x128xi32, #tpu.memory_space<hbm>>
          %dma_wait3A_85 = tpu.memref_squeeze %dma_wait3A : memref<1x128xi32, #tpu.memory_space<hbm>> -> memref<128xi32, #tpu.memory_space<hbm>>
          %dma_wait3A_86 = tpu.memref_slice %arg3[%run_scoped3A, %mul3A_76] : memref<2x320000xi32, #tpu.memory_space<hbm>> -> memref<1x128xi32, #tpu.memory_space<hbm>>
          %dma_wait3A_87 = tpu.memref_squeeze %dma_wait3A_86 : memref<1x128xi32, #tpu.memory_space<hbm>> -> memref<128xi32, #tpu.memory_space<hbm>>
          tpu.wait_dma2 semaphore(%run_scoped3A_80 : memref<!tpu.dma_semaphore, #tpu.memory_space<semaphore_mem>>) src(%dma_wait3A_87 : memref<128xi32, #tpu.memory_space<hbm>>) dst(%arg5 : memref<128xi32, #tpu.memory_space<vmem>>)
          tpu.yield
        }) : () -> ()
        %run_scoped3A_77 = arith.constant 1 : i32
        "tpu.region"() ({
          %run_scoped3A_80 = tpu.sem_alloc : memref<!tpu.dma_semaphore, #tpu.memory_space<semaphore_mem>>
          %dma_start3A_81 = tpu.memref_slice %arg3[%run_scoped3A_77, %mul3A_76] : memref<2x320000xi32, #tpu.memory_space<hbm>> -> memref<1x128xi32, #tpu.memory_space<hbm>>
          %dma_start3A_82 = tpu.memref_squeeze %dma_start3A_81 : memref<1x128xi32, #tpu.memory_space<hbm>> -> memref<128xi32, #tpu.memory_space<hbm>>
          %dma_start3A_83 = tpu.memref_slice %arg3[%run_scoped3A_77, %mul3A_76] : memref<2x320000xi32, #tpu.memory_space<hbm>> -> memref<1x128xi32, #tpu.memory_space<hbm>>
          %dma_start3A_84 = tpu.memref_squeeze %dma_start3A_83 : memref<1x128xi32, #tpu.memory_space<hbm>> -> memref<128xi32, #tpu.memory_space<hbm>>
          tpu.enqueue_dma source(%dma_start3A_84 : memref<128xi32, #tpu.memory_space<hbm>>) target(%arg6 : memref<128xi32, #tpu.memory_space<vmem>>) target_semaphore(%run_scoped3A_80 : memref<!tpu.dma_semaphore, #tpu.memory_space<semaphore_mem>>)
          %dma_wait3A = tpu.memref_slice %arg3[%run_scoped3A_77, %mul3A_76] : memref<2x320000xi32, #tpu.memory_space<hbm>> -> memref<1x128xi32, #tpu.memory_space<hbm>>
          %dma_wait3A_85 = tpu.memref_squeeze %dma_wait3A : memref<1x128xi32, #tpu.memory_space<hbm>> -> memref<128xi32, #tpu.memory_space<hbm>>
          %dma_wait3A_86 = tpu.memref_slice %arg3[%run_scoped3A_77, %mul3A_76] : memref<2x320000xi32, #tpu.memory_space<hbm>> -> memref<1x128xi32, #tpu.memory_space<hbm>>
          %dma_wait3A_87 = tpu.memref_squeeze %dma_wait3A_86 : memref<1x128xi32, #tpu.memory_space<hbm>> -> memref<128xi32, #tpu.memory_space<hbm>>
          tpu.wait_dma2 semaphore(%run_scoped3A_80 : memref<!tpu.dma_semaphore, #tpu.memory_space<semaphore_mem>>) src(%dma_wait3A_87 : memref<128xi32, #tpu.memory_space<hbm>>) dst(%arg6 : memref<128xi32, #tpu.memory_space<vmem>>)
          tpu.yield
        }) : () -> ()
        %dma_start3A = arith.constant 0 : i32
        %dma_start3A_78 = arith.constant 0 : i32
        %dma_start3A_79 = tpu.memref_slice %arg2[%dma_start3A, %dma_start3A_78] : memref<10000x128xf32, #tpu.memory_space<hbm>> -> memref<10000x128xf32, #tpu.memory_space<hbm>>
        tpu.enqueue_indirect_dma source(%dma_start3A_79 : memref<10000x128xf32, #tpu.memory_space<hbm>>) target(%arg7 : memref<128x128xf32, #tpu.memory_space<vmem>>) offsets(%arg5 : memref<128xi32, #tpu.memory_space<vmem>>) semaphore(%arg13 : memref<!tpu.dma_semaphore, #tpu.memory_space<semaphore_mem>>)
      } else {
      }
      %mul3A_67 = arith.constant 32 : i32
      %mul3A_68 = arith.muli %add3A_56, %mul3A_67 : i32
      %add3A_69 = arith.addi %mul3A_68, %add3A : i32
      %lt3A_70 = arith.constant 2500 : i32
      %lt3A_71 = arith.cmpi slt, %add3A_69, %lt3A_70 : i32
      %convert_element_type3A_72 = arith.extui %lt3A_71 : i1 to i32
      %cond3A_73 = arith.constant 0 : i32
      %cond3A_74 = arith.cmpi ne, %convert_element_type3A_72, %cond3A_73 : i32
      scf.if %cond3A_74 {
        %dma_wait3A = arith.constant 0 : i32
        %dma_wait3A_75 = arith.constant 0 : i32
        %dma_wait3A_76 = tpu.memref_slice %arg2[%dma_wait3A, %dma_wait3A_75] : memref<10000x128xf32, #tpu.memory_space<hbm>> -> memref<10000x128xf32, #tpu.memory_space<hbm>>
        tpu.wait_indirect_dma semaphore(%arg14 : memref<!tpu.dma_semaphore, #tpu.memory_space<semaphore_mem>>) src(%dma_wait3A_76 : memref<10000x128xf32, #tpu.memory_space<hbm>>) dst(%arg10 : memref<128x128xf32, #tpu.memory_space<vmem>>)
        "tpu.region"() ({
          %run_scoped3A = tpu.sem_alloc : memref<!tpu.dma_semaphore, #tpu.memory_space<semaphore_mem>>
          %dma_start3A = arith.constant 0 : i32
          %dma_start3A_77 = arith.constant 0 : i32
          %dma_start3A_78 = tpu.memref_slice %arg12[%dma_start3A, %dma_start3A_77] : memref<10000x128xf32, #tpu.memory_space<vmem_shared>> -> memref<10000x128xf32, #tpu.memory_space<vmem_shared>>
          tpu.enqueue_indirect_dma source(%arg10 : memref<128x128xf32, #tpu.memory_space<vmem>>) target(%dma_start3A_78 : memref<10000x128xf32, #tpu.memory_space<vmem_shared>>) offsets(%arg9 : memref<128xi32, #tpu.memory_space<vmem>>) semaphore(%run_scoped3A : memref<!tpu.dma_semaphore, #tpu.memory_space<semaphore_mem>>) {add = true}
          %dma_wait3A_79 = arith.constant 0 : i32
          %dma_wait3A_80 = arith.constant 0 : i32
          %dma_wait3A_81 = tpu.memref_slice %arg12[%dma_wait3A_79, %dma_wait3A_80] : memref<10000x128xf32, #tpu.memory_space<vmem_shared>> -> memref<10000x128xf32, #tpu.memory_space<vmem_shared>>
          tpu.wait_indirect_dma semaphore(%run_scoped3A : memref<!tpu.dma_semaphore, #tpu.memory_space<semaphore_mem>>) src(%arg10 : memref<128x128xf32, #tpu.memory_space<vmem>>) dst(%dma_wait3A_81 : memref<10000x128xf32, #tpu.memory_space<vmem_shared>>)
          tpu.yield
        }) : () -> ()
      } else {
      }
    }
    %scan3A_19 = arith.constant 40 : i32
    %barrier3A_20 = arith.constant 0 : index
    tpu.barrier barrier_id(%barrier3A_20)
    %scan3A_21 = arith.constant 0 : i32
    %scan3A_22 = arith.constant 79 : i32
    %scan3A_23 = arith.addi %scan3A_21, %scan3A_22 : i32
    %scan3A_24 = arith.constant 1 : i32
    scf.for %scan3A_26 = %scan3A_21 to %scan3A_23 step %scan3A_24  : i32 {
      %mul3A_27 = arith.constant 1 : i32
      %mul3A_28 = arith.muli %scan3A_26, %mul3A_27 : i32
      %add3A_29 = arith.constant 0 : i32
      %add3A_30 = arith.addi %add3A_29, %mul3A_28 : i32
      %mul3A_31 = arith.constant 16 : i32
      %mul3A_32 = arith.muli %add3A_30, %mul3A_31 : i32
      %add3A_33 = arith.addi %mul3A_32, %arg1 : i32
      %lt3A_34 = arith.constant 1250 : i32
      %lt3A_35 = arith.cmpi slt, %add3A_33, %lt3A_34 : i32
      %convert_element_type3A_36 = arith.extui %lt3A_35 : i1 to i32
      %cond3A_37 = arith.constant 0 : i32
      %cond3A_38 = arith.cmpi ne, %convert_element_type3A_36, %cond3A_37 : i32
      scf.if %cond3A_38 {
        %mul3A_39 = arith.constant 8 : i32
        %mul3A_40 = arith.muli %add3A_33, %mul3A_39 : i32
        "tpu.region"() ({
          %run_scoped3A = tpu.sem_alloc : memref<!tpu.dma_semaphore, #tpu.memory_space<semaphore_mem>>
          %dma_start3A = arith.constant 0 : i32
          %dma_start3A_41 = tpu.memref_slice %arg4[%arg0, %mul3A_40, %dma_start3A] : memref<2x10000x128xf32, #tpu.memory_space<hbm>> -> memref<1x8x128xf32, #tpu.memory_space<hbm>>
          %dma_start3A_42 = tpu.memref_squeeze %dma_start3A_41 : memref<1x8x128xf32, #tpu.memory_space<hbm>> -> memref<8x128xf32, #tpu.memory_space<hbm>>
          %dma_start3A_43 = arith.constant 0 : i32
          %dma_start3A_44 = tpu.memref_slice %arg12[%mul3A_40, %dma_start3A_43] : memref<10000x128xf32, #tpu.memory_space<vmem_shared>> -> memref<8x128xf32, #tpu.memory_space<vmem_shared>>
          tpu.enqueue_dma source(%dma_start3A_44 : memref<8x128xf32, #tpu.memory_space<vmem_shared>>) target(%dma_start3A_42 : memref<8x128xf32, #tpu.memory_space<hbm>>) target_semaphore(%run_scoped3A : memref<!tpu.dma_semaphore, #tpu.memory_space<semaphore_mem>>)
          %dma_wait3A = arith.constant 0 : i32
          %dma_wait3A_45 = tpu.memref_slice %arg4[%arg0, %mul3A_40, %dma_wait3A] : memref<2x10000x128xf32, #tpu.memory_space<hbm>> -> memref<1x8x128xf32, #tpu.memory_space<hbm>>
          %dma_wait3A_46 = tpu.memref_squeeze %dma_wait3A_45 : memref<1x8x128xf32, #tpu.memory_space<hbm>> -> memref<8x128xf32, #tpu.memory_space<hbm>>
          %dma_wait3A_47 = arith.constant 0 : i32
          %dma_wait3A_48 = tpu.memref_slice %arg12[%mul3A_40, %dma_wait3A_47] : memref<10000x128xf32, #tpu.memory_space<vmem_shared>> -> memref<8x128xf32, #tpu.memory_space<vmem_shared>>
          tpu.wait_dma2 semaphore(%run_scoped3A : memref<!tpu.dma_semaphore, #tpu.memory_space<semaphore_mem>>) src(%dma_wait3A_48 : memref<8x128xf32, #tpu.memory_space<vmem_shared>>) dst(%dma_wait3A_46 : memref<8x128xf32, #tpu.memory_space<hbm>>)
          tpu.yield
        }) : () -> ()
      } else {
      }
    }
    %scan3A_25 = arith.constant 79 : i32
    return
  }
}

#map = affine_map<(d0, d1) -> (0, 0)>
module attributes {stable_mosaic.version = 14 : i64} {
  func.func @body(%arg0: i32, %arg1: i32, %arg2: memref<10000x128xf32, #tpu.memory_space<hbm>>, %arg3: memref<2x4096xi32, #tpu.memory_space<hbm>>, %arg4: memref<4096x128xf32, #tpu.memory_space<hbm>>, %arg5: memref<4096x128xf32, #tpu.memory_space<hbm>>, %arg6: memref<128xi32, #tpu.memory_space<vmem>>, %arg7: memref<128x128xf32, #tpu.memory_space<vmem>>, %arg8: memref<!tpu.dma_semaphore, #tpu.memory_space<semaphore_mem>>) attributes {dimension_semantics = [#tpu.dimension_semantics<core_parallel>, #tpu.dimension_semantics<subcore_parallel>], iteration_bounds = array<i64: 2, 16>, scalar_prefetch = 0 : i64, scratch_operands = 3 : i64, tpu.core_type = #tpu.core_type<sc_vector_subcore>, window_params = [{transform_indices = #map}, {transform_indices = #map}, {transform_indices = #map}, {transform_indices = #map}]} {
    %mul3A = arith.constant 2 : i32
    %mul3A_0 = arith.muli %arg1, %mul3A : i32
    %add3A = arith.addi %mul3A_0, %arg0 : i32
    %mul3A_1 = arith.constant 128 : i32
    %mul3A_2 = arith.muli %add3A, %mul3A_1 : i32
    %run_scoped3A = arith.constant 0 : i32
    "tpu.region"() ({
      %run_scoped3A_14 = tpu.sem_alloc : memref<!tpu.dma_semaphore, #tpu.memory_space<semaphore_mem>>
      %dma_start3A_15 = tpu.memref_slice %arg3[%run_scoped3A, %mul3A_2] : memref<2x4096xi32, #tpu.memory_space<hbm>> -> memref<1x128xi32, #tpu.memory_space<hbm>>
      %dma_start3A_16 = tpu.memref_squeeze %dma_start3A_15 : memref<1x128xi32, #tpu.memory_space<hbm>> -> memref<128xi32, #tpu.memory_space<hbm>>
      %dma_start3A_17 = tpu.memref_slice %arg3[%run_scoped3A, %mul3A_2] : memref<2x4096xi32, #tpu.memory_space<hbm>> -> memref<1x128xi32, #tpu.memory_space<hbm>>
      %dma_start3A_18 = tpu.memref_squeeze %dma_start3A_17 : memref<1x128xi32, #tpu.memory_space<hbm>> -> memref<128xi32, #tpu.memory_space<hbm>>
      tpu.enqueue_dma source(%dma_start3A_18 : memref<128xi32, #tpu.memory_space<hbm>>) target(%arg6 : memref<128xi32, #tpu.memory_space<vmem>>) target_semaphore(%run_scoped3A_14 : memref<!tpu.dma_semaphore, #tpu.memory_space<semaphore_mem>>)
      %dma_wait3A_19 = tpu.memref_slice %arg3[%run_scoped3A, %mul3A_2] : memref<2x4096xi32, #tpu.memory_space<hbm>> -> memref<1x128xi32, #tpu.memory_space<hbm>>
      %dma_wait3A_20 = tpu.memref_squeeze %dma_wait3A_19 : memref<1x128xi32, #tpu.memory_space<hbm>> -> memref<128xi32, #tpu.memory_space<hbm>>
      %dma_wait3A_21 = tpu.memref_slice %arg3[%run_scoped3A, %mul3A_2] : memref<2x4096xi32, #tpu.memory_space<hbm>> -> memref<1x128xi32, #tpu.memory_space<hbm>>
      %dma_wait3A_22 = tpu.memref_squeeze %dma_wait3A_21 : memref<1x128xi32, #tpu.memory_space<hbm>> -> memref<128xi32, #tpu.memory_space<hbm>>
      tpu.wait_dma2 semaphore(%run_scoped3A_14 : memref<!tpu.dma_semaphore, #tpu.memory_space<semaphore_mem>>) src(%dma_wait3A_22 : memref<128xi32, #tpu.memory_space<hbm>>) dst(%arg6 : memref<128xi32, #tpu.memory_space<vmem>>)
      tpu.yield
    }) : () -> ()
    %dma_start3A = arith.constant 0 : i32
    %dma_start3A_3 = arith.constant 0 : i32
    %dma_start3A_4 = tpu.memref_slice %arg2[%dma_start3A, %dma_start3A_3] : memref<10000x128xf32, #tpu.memory_space<hbm>> -> memref<10000x128xf32, #tpu.memory_space<hbm>>
    tpu.enqueue_indirect_dma source(%dma_start3A_4 : memref<10000x128xf32, #tpu.memory_space<hbm>>) target(%arg7 : memref<128x128xf32, #tpu.memory_space<vmem>>) offsets(%arg6 : memref<128xi32, #tpu.memory_space<vmem>>) semaphore(%arg8 : memref<!tpu.dma_semaphore, #tpu.memory_space<semaphore_mem>>)
    %dma_wait3A = arith.constant 0 : i32
    %dma_wait3A_5 = arith.constant 0 : i32
    %dma_wait3A_6 = tpu.memref_slice %arg2[%dma_wait3A, %dma_wait3A_5] : memref<10000x128xf32, #tpu.memory_space<hbm>> -> memref<10000x128xf32, #tpu.memory_space<hbm>>
    tpu.wait_indirect_dma semaphore(%arg8 : memref<!tpu.dma_semaphore, #tpu.memory_space<semaphore_mem>>) src(%dma_wait3A_6 : memref<10000x128xf32, #tpu.memory_space<hbm>>) dst(%arg7 : memref<128x128xf32, #tpu.memory_space<vmem>>)
    "tpu.region"() ({
      %run_scoped3A_14 = tpu.sem_alloc : memref<!tpu.dma_semaphore, #tpu.memory_space<semaphore_mem>>
      %dma_start3A_15 = arith.constant 0 : i32
      %dma_start3A_16 = tpu.memref_slice %arg4[%mul3A_2, %dma_start3A_15] : memref<4096x128xf32, #tpu.memory_space<hbm>> -> memref<128x128xf32, #tpu.memory_space<hbm>>
      %dma_start3A_17 = arith.constant 0 : i32
      %dma_start3A_18 = tpu.memref_slice %arg4[%mul3A_2, %dma_start3A_17] : memref<4096x128xf32, #tpu.memory_space<hbm>> -> memref<128x128xf32, #tpu.memory_space<hbm>>
      tpu.enqueue_dma source(%arg7 : memref<128x128xf32, #tpu.memory_space<vmem>>) target(%dma_start3A_18 : memref<128x128xf32, #tpu.memory_space<hbm>>) target_semaphore(%run_scoped3A_14 : memref<!tpu.dma_semaphore, #tpu.memory_space<semaphore_mem>>)
      %dma_wait3A_19 = arith.constant 0 : i32
      %dma_wait3A_20 = tpu.memref_slice %arg4[%mul3A_2, %dma_wait3A_19] : memref<4096x128xf32, #tpu.memory_space<hbm>> -> memref<128x128xf32, #tpu.memory_space<hbm>>
      %dma_wait3A_21 = arith.constant 0 : i32
      %dma_wait3A_22 = tpu.memref_slice %arg4[%mul3A_2, %dma_wait3A_21] : memref<4096x128xf32, #tpu.memory_space<hbm>> -> memref<128x128xf32, #tpu.memory_space<hbm>>
      tpu.wait_dma2 semaphore(%run_scoped3A_14 : memref<!tpu.dma_semaphore, #tpu.memory_space<semaphore_mem>>) src(%arg7 : memref<128x128xf32, #tpu.memory_space<vmem>>) dst(%dma_wait3A_22 : memref<128x128xf32, #tpu.memory_space<hbm>>)
      tpu.yield
    }) : () -> ()
    %run_scoped3A_7 = arith.constant 1 : i32
    "tpu.region"() ({
      %run_scoped3A_14 = tpu.sem_alloc : memref<!tpu.dma_semaphore, #tpu.memory_space<semaphore_mem>>
      %dma_start3A_15 = tpu.memref_slice %arg3[%run_scoped3A_7, %mul3A_2] : memref<2x4096xi32, #tpu.memory_space<hbm>> -> memref<1x128xi32, #tpu.memory_space<hbm>>
      %dma_start3A_16 = tpu.memref_squeeze %dma_start3A_15 : memref<1x128xi32, #tpu.memory_space<hbm>> -> memref<128xi32, #tpu.memory_space<hbm>>
      %dma_start3A_17 = tpu.memref_slice %arg3[%run_scoped3A_7, %mul3A_2] : memref<2x4096xi32, #tpu.memory_space<hbm>> -> memref<1x128xi32, #tpu.memory_space<hbm>>
      %dma_start3A_18 = tpu.memref_squeeze %dma_start3A_17 : memref<1x128xi32, #tpu.memory_space<hbm>> -> memref<128xi32, #tpu.memory_space<hbm>>
      tpu.enqueue_dma source(%dma_start3A_18 : memref<128xi32, #tpu.memory_space<hbm>>) target(%arg6 : memref<128xi32, #tpu.memory_space<vmem>>) target_semaphore(%run_scoped3A_14 : memref<!tpu.dma_semaphore, #tpu.memory_space<semaphore_mem>>)
      %dma_wait3A_19 = tpu.memref_slice %arg3[%run_scoped3A_7, %mul3A_2] : memref<2x4096xi32, #tpu.memory_space<hbm>> -> memref<1x128xi32, #tpu.memory_space<hbm>>
      %dma_wait3A_20 = tpu.memref_squeeze %dma_wait3A_19 : memref<1x128xi32, #tpu.memory_space<hbm>> -> memref<128xi32, #tpu.memory_space<hbm>>
      %dma_wait3A_21 = tpu.memref_slice %arg3[%run_scoped3A_7, %mul3A_2] : memref<2x4096xi32, #tpu.memory_space<hbm>> -> memref<1x128xi32, #tpu.memory_space<hbm>>
      %dma_wait3A_22 = tpu.memref_squeeze %dma_wait3A_21 : memref<1x128xi32, #tpu.memory_space<hbm>> -> memref<128xi32, #tpu.memory_space<hbm>>
      tpu.wait_dma2 semaphore(%run_scoped3A_14 : memref<!tpu.dma_semaphore, #tpu.memory_space<semaphore_mem>>) src(%dma_wait3A_22 : memref<128xi32, #tpu.memory_space<hbm>>) dst(%arg6 : memref<128xi32, #tpu.memory_space<vmem>>)
      tpu.yield
    }) : () -> ()
    %dma_start3A_8 = arith.constant 0 : i32
    %dma_start3A_9 = arith.constant 0 : i32
    %dma_start3A_10 = tpu.memref_slice %arg2[%dma_start3A_8, %dma_start3A_9] : memref<10000x128xf32, #tpu.memory_space<hbm>> -> memref<10000x128xf32, #tpu.memory_space<hbm>>
    tpu.enqueue_indirect_dma source(%dma_start3A_10 : memref<10000x128xf32, #tpu.memory_space<hbm>>) target(%arg7 : memref<128x128xf32, #tpu.memory_space<vmem>>) offsets(%arg6 : memref<128xi32, #tpu.memory_space<vmem>>) semaphore(%arg8 : memref<!tpu.dma_semaphore, #tpu.memory_space<semaphore_mem>>)
    %dma_wait3A_11 = arith.constant 0 : i32
    %dma_wait3A_12 = arith.constant 0 : i32
    %dma_wait3A_13 = tpu.memref_slice %arg2[%dma_wait3A_11, %dma_wait3A_12] : memref<10000x128xf32, #tpu.memory_space<hbm>> -> memref<10000x128xf32, #tpu.memory_space<hbm>>
    tpu.wait_indirect_dma semaphore(%arg8 : memref<!tpu.dma_semaphore, #tpu.memory_space<semaphore_mem>>) src(%dma_wait3A_13 : memref<10000x128xf32, #tpu.memory_space<hbm>>) dst(%arg7 : memref<128x128xf32, #tpu.memory_space<vmem>>)
    "tpu.region"() ({
      %run_scoped3A_14 = tpu.sem_alloc : memref<!tpu.dma_semaphore, #tpu.memory_space<semaphore_mem>>
      %dma_start3A_15 = arith.constant 0 : i32
      %dma_start3A_16 = tpu.memref_slice %arg5[%mul3A_2, %dma_start3A_15] : memref<4096x128xf32, #tpu.memory_space<hbm>> -> memref<128x128xf32, #tpu.memory_space<hbm>>
      %dma_start3A_17 = arith.constant 0 : i32
      %dma_start3A_18 = tpu.memref_slice %arg5[%mul3A_2, %dma_start3A_17] : memref<4096x128xf32, #tpu.memory_space<hbm>> -> memref<128x128xf32, #tpu.memory_space<hbm>>
      tpu.enqueue_dma source(%arg7 : memref<128x128xf32, #tpu.memory_space<vmem>>) target(%dma_start3A_18 : memref<128x128xf32, #tpu.memory_space<hbm>>) target_semaphore(%run_scoped3A_14 : memref<!tpu.dma_semaphore, #tpu.memory_space<semaphore_mem>>)
      %dma_wait3A_19 = arith.constant 0 : i32
      %dma_wait3A_20 = tpu.memref_slice %arg5[%mul3A_2, %dma_wait3A_19] : memref<4096x128xf32, #tpu.memory_space<hbm>> -> memref<128x128xf32, #tpu.memory_space<hbm>>
      %dma_wait3A_21 = arith.constant 0 : i32
      %dma_wait3A_22 = tpu.memref_slice %arg5[%mul3A_2, %dma_wait3A_21] : memref<4096x128xf32, #tpu.memory_space<hbm>> -> memref<128x128xf32, #tpu.memory_space<hbm>>
      tpu.wait_dma2 semaphore(%run_scoped3A_14 : memref<!tpu.dma_semaphore, #tpu.memory_space<semaphore_mem>>) src(%arg7 : memref<128x128xf32, #tpu.memory_space<vmem>>) dst(%dma_wait3A_22 : memref<128x128xf32, #tpu.memory_space<hbm>>)
      tpu.yield
    }) : () -> ()
    return
  }
}

module attributes {stable_mosaic.version = 14 : i64} {
  func.func @body(%arg0: i32, %arg1: memref<2x1000x128xf32, #tpu.memory_space<vmem>>, %arg2: memref<2x1000x128xf32, #tpu.memory_space<vmem>>, %arg3: memref<1000x128xf32, #tpu.memory_space<vmem>>, %arg4: memref<128x128xf32, #tpu.memory_space<vmem>>, %arg5: memref<1000x128xf32, #tpu.memory_space<vmem>>) attributes {dimension_semantics = [#tpu.dimension_semantics<arbitrary>], iteration_bounds = array<i64: 10>, scalar_prefetch = 0 : i64, scratch_operands = 0 : i64, tpu.core_type = #tpu.core_type<tc>, window_params = [{transform_indices = @transform_0, window_bounds = array<i64: 2, 1000, 128>}, {transform_indices = @transform_1, window_bounds = array<i64: 2, 1000, 128>}, {transform_indices = @transform_2, window_bounds = array<i64: 1000, 128>}, {pipeline_mode = #tpu.pipeline_mode<synchronous>, transform_indices = @transform_3, window_bounds = array<i64: 128, 128>}, {transform_indices = @transform_4, window_bounds = array<i64: 1000, 128>}]} {
    %get3A = arith.constant 0 : index
    %get3A_0 = arith.constant 0 : index
    %get3A_1 = arith.constant 0 : index
    %get3A_2 = vector.load %arg2[%get3A, %get3A_0, %get3A_1] : memref<2x1000x128xf32, #tpu.memory_space<vmem>>, vector<1x1000x1xf32>
    %get3A_3 = vector.shape_cast %get3A_2 : vector<1x1000x1xf32> to vector<1000x1xf32>
    %get3A_4 = arith.constant 1 : index
    %get3A_5 = arith.constant 0 : index
    %get3A_6 = arith.constant 0 : index
    %get3A_7 = vector.load %arg2[%get3A_4, %get3A_5, %get3A_6] : memref<2x1000x128xf32, #tpu.memory_space<vmem>>, vector<1x1000x1xf32>
    %get3A_8 = vector.shape_cast %get3A_7 : vector<1x1000x1xf32> to vector<1000x1xf32>
    %add3A = arith.addf %get3A_3, %get3A_8 : vector<1000x1xf32>
    %max3A = arith.constant 1.000000e+00 : f32
    %max3A_9 = vector.broadcast %max3A : f32 to vector<1000x1xf32>
    %max3A_10 = arith.maximumf %add3A, %max3A_9 : vector<1000x1xf32>
    %get3A_11 = arith.constant 0 : index
    %get3A_12 = arith.constant 0 : index
    %get3A_13 = arith.constant 0 : index
    %get3A_14 = vector.load %arg1[%get3A_11, %get3A_12, %get3A_13] : memref<2x1000x128xf32, #tpu.memory_space<vmem>>, vector<1x1000x128xf32>
    %get3A_15 = vector.shape_cast %get3A_14 : vector<1x1000x128xf32> to vector<1000x128xf32>
    %get3A_16 = arith.constant 1 : index
    %get3A_17 = arith.constant 0 : index
    %get3A_18 = arith.constant 0 : index
    %get3A_19 = vector.load %arg1[%get3A_16, %get3A_17, %get3A_18] : memref<2x1000x128xf32, #tpu.memory_space<vmem>>, vector<1x1000x128xf32>
    %get3A_20 = vector.shape_cast %get3A_19 : vector<1x1000x128xf32> to vector<1000x128xf32>
    %add3A_21 = arith.addf %get3A_15, %get3A_20 : vector<1000x128xf32>
    %div3A = vector.broadcast %max3A_10 : vector<1000x1xf32> to vector<1000x128xf32>
    %div3A_22 = arith.divf %add3A_21, %div3A : vector<1000x128xf32>
    %get3A_23 = arith.constant 0 : index
    %get3A_24 = arith.constant 0 : index
    %get3A_25 = vector.load %arg4[%get3A_23, %get3A_24] : memref<128x128xf32, #tpu.memory_space<vmem>>, vector<128x128xf32>
    %dot_general3A = arith.constant dense<0.000000e+00> : vector<1000x128xf32>
    %dot_general3A_26 = tpu.matmul %div3A_22, %get3A_25, %dot_general3A {dimension_numbers = #tpu.dot_dimension_numbers<[1], [0], [0], [1], [0, 0, 1, 1], [], []>, transpose_lhs_hint = false} : vector<1000x128xf32>, vector<128x128xf32>, vector<1000x128xf32> -> vector<1000x128xf32>
    %get3A_27 = arith.constant 0 : index
    %get3A_28 = arith.constant 0 : index
    %get3A_29 = vector.load %arg3[%get3A_27, %get3A_28] : memref<1000x128xf32, #tpu.memory_space<vmem>>, vector<1000x128xf32>
    %add3A_30 = arith.addf %dot_general3A_26, %get3A_29 : vector<1000x128xf32>
    %swap3A = arith.constant 0 : index
    %swap3A_31 = arith.constant 0 : index
    %swap3A_32 = vector.load %arg5[%swap3A, %swap3A_31] : memref<1000x128xf32, #tpu.memory_space<vmem>>, vector<1000x128xf32>
    tpu.vector_store %arg5[%swap3A, %swap3A_31], %add3A_30 {strides = array<i32>} : memref<1000x128xf32, #tpu.memory_space<vmem>>, vector<1000x128xf32>,
    return
  }
  func.func @transform_0(%arg0: i32) -> (i32, i32, i32) {
    %c0_i32 = arith.constant 0 : i32
    %c0_i32_0 = arith.constant 0 : i32
    %c0_i32_1 = arith.constant 0 : i32
    return %c0_i32, %arg0, %c0_i32_0 : i32, i32, i32
  }
  func.func @transform_1(%arg0: i32) -> (i32, i32, i32) {
    %c0_i32 = arith.constant 0 : i32
    %c0_i32_0 = arith.constant 0 : i32
    %c0_i32_1 = arith.constant 0 : i32
    return %c0_i32, %arg0, %c0_i32_0 : i32, i32, i32
  }
  func.func @transform_2(%arg0: i32) -> (i32, i32) {
    %c0_i32 = arith.constant 0 : i32
    %c0_i32_0 = arith.constant 0 : i32
    return %arg0, %c0_i32 : i32, i32
  }
  func.func @transform_3(%arg0: i32) -> (i32, i32) {
    %c0_i32 = arith.constant 0 : i32
    %c0_i32_0 = arith.constant 0 : i32
    %c0_i32_1 = arith.constant 0 : i32
    return %c0_i32, %c0_i32_0 : i32, i32
  }
  func.func @transform_4(%arg0: i32) -> (i32, i32) {
    %c0_i32 = arith.constant 0 : i32
    %c0_i32_0 = arith.constant 0 : i32
    return %arg0, %c0_i32 : i32, i32
  }
}

module attributes {stable_mosaic.version = 14 : i64} {
  func.func @body(%arg0: i32, %arg1: memref<1000x128xf32, #tpu.memory_space<vmem>>, %arg2: memref<128x128xf32, #tpu.memory_space<vmem>>, %arg3: memref<1x128xf32, #tpu.memory_space<vmem>>, %arg4: memref<128x128xf32, #tpu.memory_space<vmem>>, %arg5: memref<1000x128xf32, #tpu.memory_space<vmem>>, %arg6: memref<1000x128xf32, #tpu.memory_space<vmem>>) attributes {dimension_semantics = [#tpu.dimension_semantics<arbitrary>], iteration_bounds = array<i64: 10>, scalar_prefetch = 0 : i64, scratch_operands = 0 : i64, tpu.core_type = #tpu.core_type<tc>, window_params = [{transform_indices = @transform_0, window_bounds = array<i64: 1000, 128>}, {pipeline_mode = #tpu.pipeline_mode<synchronous>, transform_indices = @transform_1, window_bounds = array<i64: 128, 128>}, {pipeline_mode = #tpu.pipeline_mode<synchronous>, transform_indices = @transform_2, window_bounds = array<i64: 1, 128>}, {pipeline_mode = #tpu.pipeline_mode<synchronous>, transform_indices = @transform_3, window_bounds = array<i64: 128, 128>}, {transform_indices = @transform_4, window_bounds = array<i64: 1000, 128>}, {transform_indices = @transform_5, window_bounds = array<i64: 1000, 128>}]} {
    %get3A = arith.constant 0 : index
    %get3A_0 = arith.constant 0 : index
    %get3A_1 = vector.load %arg1[%get3A, %get3A_0] : memref<1000x128xf32, #tpu.memory_space<vmem>>, vector<1000x128xf32>
    %get3A_2 = arith.constant 0 : index
    %get3A_3 = arith.constant 0 : index
    %get3A_4 = vector.load %arg2[%get3A_2, %get3A_3] : memref<128x128xf32, #tpu.memory_space<vmem>>, vector<128x128xf32>
    %dot_general3A = arith.constant dense<0.000000e+00> : vector<1000x128xf32>
    %dot_general3A_5 = tpu.matmul %get3A_1, %get3A_4, %dot_general3A {dimension_numbers = #tpu.dot_dimension_numbers<[1], [0], [0], [1], [0, 0, 1, 1], [], []>, transpose_lhs_hint = false} : vector<1000x128xf32>, vector<128x128xf32>, vector<1000x128xf32> -> vector<1000x128xf32>
    %get3A_6 = arith.constant 0 : index
    %get3A_7 = arith.constant 0 : index
    %get3A_8 = vector.load %arg3[%get3A_6, %get3A_7] : memref<1x128xf32, #tpu.memory_space<vmem>>, vector<1x128xf32>
    %add3A = vector.broadcast %get3A_8 : vector<1x128xf32> to vector<1000x128xf32>
    %add3A_9 = arith.addf %dot_general3A_5, %add3A : vector<1000x128xf32>
    %tanh3A = math.tanh %add3A_9 : vector<1000x128xf32>
    %swap3A = arith.constant 0 : index
    %swap3A_10 = arith.constant 0 : index
    %swap3A_11 = vector.load %arg5[%swap3A, %swap3A_10] : memref<1000x128xf32, #tpu.memory_space<vmem>>, vector<1000x128xf32>
    tpu.vector_store %arg5[%swap3A, %swap3A_10], %tanh3A {strides = array<i32>} : memref<1000x128xf32, #tpu.memory_space<vmem>>, vector<1000x128xf32>,
    %get3A_12 = arith.constant 0 : index
    %get3A_13 = arith.constant 0 : index
    %get3A_14 = vector.load %arg4[%get3A_12, %get3A_13] : memref<128x128xf32, #tpu.memory_space<vmem>>, vector<128x128xf32>
    %dot_general3A_15 = arith.constant dense<0.000000e+00> : vector<1000x128xf32>
    %dot_general3A_16 = tpu.matmul %tanh3A, %get3A_14, %dot_general3A_15 {dimension_numbers = #tpu.dot_dimension_numbers<[1], [0], [0], [1], [0, 0, 1, 1], [], []>, transpose_lhs_hint = false} : vector<1000x128xf32>, vector<128x128xf32>, vector<1000x128xf32> -> vector<1000x128xf32>
    %swap3A_17 = arith.constant 0 : index
    %swap3A_18 = arith.constant 0 : index
    %swap3A_19 = vector.load %arg6[%swap3A_17, %swap3A_18] : memref<1000x128xf32, #tpu.memory_space<vmem>>, vector<1000x128xf32>
    tpu.vector_store %arg6[%swap3A_17, %swap3A_18], %dot_general3A_16 {strides = array<i32>} : memref<1000x128xf32, #tpu.memory_space<vmem>>, vector<1000x128xf32>,
    return
  }
  func.func @transform_0(%arg0: i32) -> (i32, i32) {
    %c0_i32 = arith.constant 0 : i32
    %c0_i32_0 = arith.constant 0 : i32
    return %arg0, %c0_i32 : i32, i32
  }
  func.func @transform_1(%arg0: i32) -> (i32, i32) {
    %c0_i32 = arith.constant 0 : i32
    %c0_i32_0 = arith.constant 0 : i32
    %c0_i32_1 = arith.constant 0 : i32
    return %c0_i32, %c0_i32_0 : i32, i32
  }
  func.func @transform_2(%arg0: i32) -> (i32, i32) {
    %c0_i32 = arith.constant 0 : i32
    %c0_i32_0 = arith.constant 0 : i32
    %c0_i32_1 = arith.constant 0 : i32
    return %c0_i32, %c0_i32_0 : i32, i32
  }
  func.func @transform_3(%arg0: i32) -> (i32, i32) {
    %c0_i32 = arith.constant 0 : i32
    %c0_i32_0 = arith.constant 0 : i32
    %c0_i32_1 = arith.constant 0 : i32
    return %c0_i32, %c0_i32_0 : i32, i32
  }
  func.func @transform_4(%arg0: i32) -> (i32, i32) {
    %c0_i32 = arith.constant 0 : i32
    %c0_i32_0 = arith.constant 0 : i32
    return %arg0, %c0_i32 : i32, i32
  }
  func.func @transform_5(%arg0: i32) -> (i32, i32) {
    %c0_i32 = arith.constant 0 : i32
    %c0_i32_0 = arith.constant 0 : i32
    return %arg0, %c0_i32 : i32, i32
  }
}

module attributes {stable_mosaic.version = 14 : i64} {
  func.func @body(%arg0: i32, %arg1: memref<2x1000x128xf32, #tpu.memory_space<vmem>>, %arg2: memref<2x1000x128xf32, #tpu.memory_space<vmem>>, %arg3: memref<1000x128xf32, #tpu.memory_space<vmem>>, %arg4: memref<128x128xf32, #tpu.memory_space<vmem>>, %arg5: memref<128x128xf32, #tpu.memory_space<vmem>>, %arg6: memref<1000x128xf32, #tpu.memory_space<vmem>>, %arg7: memref<1000x128xf32, #tpu.memory_space<vmem>>) attributes {dimension_semantics = [#tpu.dimension_semantics<arbitrary>], iteration_bounds = array<i64: 10>, scalar_prefetch = 0 : i64, scratch_operands = 0 : i64, tpu.core_type = #tpu.core_type<tc>, window_params = [{transform_indices = @transform_0, window_bounds = array<i64: 2, 1000, 128>}, {transform_indices = @transform_1, window_bounds = array<i64: 2, 1000, 128>}, {transform_indices = @transform_2, window_bounds = array<i64: 1000, 128>}, {pipeline_mode = #tpu.pipeline_mode<synchronous>, transform_indices = @transform_3, window_bounds = array<i64: 128, 128>}, {pipeline_mode = #tpu.pipeline_mode<synchronous>, transform_indices = @transform_4, window_bounds = array<i64: 128, 128>}, {transform_indices = @transform_5, window_bounds = array<i64: 1000, 128>}, {transform_indices = @transform_6, window_bounds = array<i64: 1000, 128>}]} {
    %get3A = arith.constant 0 : index
    %get3A_0 = arith.constant 0 : index
    %get3A_1 = arith.constant 0 : index
    %get3A_2 = vector.load %arg2[%get3A, %get3A_0, %get3A_1] : memref<2x1000x128xf32, #tpu.memory_space<vmem>>, vector<1x1000x1xf32>
    %get3A_3 = vector.shape_cast %get3A_2 : vector<1x1000x1xf32> to vector<1000x1xf32>
    %get3A_4 = arith.constant 1 : index
    %get3A_5 = arith.constant 0 : index
    %get3A_6 = arith.constant 0 : index
    %get3A_7 = vector.load %arg2[%get3A_4, %get3A_5, %get3A_6] : memref<2x1000x128xf32, #tpu.memory_space<vmem>>, vector<1x1000x1xf32>
    %get3A_8 = vector.shape_cast %get3A_7 : vector<1x1000x1xf32> to vector<1000x1xf32>
    %add3A = arith.addf %get3A_3, %get3A_8 : vector<1000x1xf32>
    %max3A = arith.constant 1.000000e+00 : f32
    %max3A_9 = vector.broadcast %max3A : f32 to vector<1000x1xf32>
    %max3A_10 = arith.maximumf %add3A, %max3A_9 : vector<1000x1xf32>
    %get3A_11 = arith.constant 0 : index
    %get3A_12 = arith.constant 0 : index
    %get3A_13 = arith.constant 0 : index
    %get3A_14 = vector.load %arg1[%get3A_11, %get3A_12, %get3A_13] : memref<2x1000x128xf32, #tpu.memory_space<vmem>>, vector<1x1000x128xf32>
    %get3A_15 = vector.shape_cast %get3A_14 : vector<1x1000x128xf32> to vector<1000x128xf32>
    %get3A_16 = arith.constant 1 : index
    %get3A_17 = arith.constant 0 : index
    %get3A_18 = arith.constant 0 : index
    %get3A_19 = vector.load %arg1[%get3A_16, %get3A_17, %get3A_18] : memref<2x1000x128xf32, #tpu.memory_space<vmem>>, vector<1x1000x128xf32>
    %get3A_20 = vector.shape_cast %get3A_19 : vector<1x1000x128xf32> to vector<1000x128xf32>
    %add3A_21 = arith.addf %get3A_15, %get3A_20 : vector<1000x128xf32>
    %div3A = vector.broadcast %max3A_10 : vector<1000x1xf32> to vector<1000x128xf32>
    %div3A_22 = arith.divf %add3A_21, %div3A : vector<1000x128xf32>
    %get3A_23 = arith.constant 0 : index
    %get3A_24 = arith.constant 0 : index
    %get3A_25 = vector.load %arg4[%get3A_23, %get3A_24] : memref<128x128xf32, #tpu.memory_space<vmem>>, vector<128x128xf32>
    %dot_general3A = arith.constant dense<0.000000e+00> : vector<1000x128xf32>
    %dot_general3A_26 = tpu.matmul %div3A_22, %get3A_25, %dot_general3A {dimension_numbers = #tpu.dot_dimension_numbers<[1], [0], [0], [1], [0, 0, 1, 1], [], []>, transpose_lhs_hint = false} : vector<1000x128xf32>, vector<128x128xf32>, vector<1000x128xf32> -> vector<1000x128xf32>
    %get3A_27 = arith.constant 0 : index
    %get3A_28 = arith.constant 0 : index
    %get3A_29 = vector.load %arg3[%get3A_27, %get3A_28] : memref<1000x128xf32, #tpu.memory_space<vmem>>, vector<1000x128xf32>
    %add3A_30 = arith.addf %dot_general3A_26, %get3A_29 : vector<1000x128xf32>
    %max3A_31 = arith.constant 0.000000e+00 : f32
    %max3A_32 = vector.broadcast %max3A_31 : f32 to vector<1000x128xf32>
    %max3A_33 = arith.maximumf %add3A_30, %max3A_32 : vector<1000x128xf32>
    %swap3A = arith.constant 0 : index
    %swap3A_34 = arith.constant 0 : index
    %swap3A_35 = vector.load %arg6[%swap3A, %swap3A_34] : memref<1000x128xf32, #tpu.memory_space<vmem>>, vector<1000x128xf32>
    tpu.vector_store %arg6[%swap3A, %swap3A_34], %max3A_33 {strides = array<i32>} : memref<1000x128xf32, #tpu.memory_space<vmem>>, vector<1000x128xf32>,
    %get3A_36 = arith.constant 0 : index
    %get3A_37 = arith.constant 0 : index
    %get3A_38 = vector.load %arg5[%get3A_36, %get3A_37] : memref<128x128xf32, #tpu.memory_space<vmem>>, vector<128x128xf32>
    %dot_general3A_39 = arith.constant dense<0.000000e+00> : vector<1000x128xf32>
    %dot_general3A_40 = tpu.matmul %max3A_33, %get3A_38, %dot_general3A_39 {dimension_numbers = #tpu.dot_dimension_numbers<[1], [0], [0], [1], [0, 0, 1, 1], [], []>, transpose_lhs_hint = false} : vector<1000x128xf32>, vector<128x128xf32>, vector<1000x128xf32> -> vector<1000x128xf32>
    %swap3A_41 = arith.constant 0 : index
    %swap3A_42 = arith.constant 0 : index
    %swap3A_43 = vector.load %arg7[%swap3A_41, %swap3A_42] : memref<1000x128xf32, #tpu.memory_space<vmem>>, vector<1000x128xf32>
    tpu.vector_store %arg7[%swap3A_41, %swap3A_42], %dot_general3A_40 {strides = array<i32>} : memref<1000x128xf32, #tpu.memory_space<vmem>>, vector<1000x128xf32>,
    return
  }
  func.func @transform_0(%arg0: i32) -> (i32, i32, i32) {
    %c0_i32 = arith.constant 0 : i32
    %c0_i32_0 = arith.constant 0 : i32
    %c0_i32_1 = arith.constant 0 : i32
    return %c0_i32, %arg0, %c0_i32_0 : i32, i32, i32
  }
  func.func @transform_1(%arg0: i32) -> (i32, i32, i32) {
    %c0_i32 = arith.constant 0 : i32
    %c0_i32_0 = arith.constant 0 : i32
    %c0_i32_1 = arith.constant 0 : i32
    return %c0_i32, %arg0, %c0_i32_0 : i32, i32, i32
  }
  func.func @transform_2(%arg0: i32) -> (i32, i32) {
    %c0_i32 = arith.constant 0 : i32
    %c0_i32_0 = arith.constant 0 : i32
    return %arg0, %c0_i32 : i32, i32
  }
  func.func @transform_3(%arg0: i32) -> (i32, i32) {
    %c0_i32 = arith.constant 0 : i32
    %c0_i32_0 = arith.constant 0 : i32
    %c0_i32_1 = arith.constant 0 : i32
    return %c0_i32, %c0_i32_0 : i32, i32
  }
  func.func @transform_4(%arg0: i32) -> (i32, i32) {
    %c0_i32 = arith.constant 0 : i32
    %c0_i32_0 = arith.constant 0 : i32
    %c0_i32_1 = arith.constant 0 : i32
    return %c0_i32, %c0_i32_0 : i32, i32
  }
  func.func @transform_5(%arg0: i32) -> (i32, i32) {
    %c0_i32 = arith.constant 0 : i32
    %c0_i32_0 = arith.constant 0 : i32
    return %arg0, %c0_i32 : i32, i32
  }
  func.func @transform_6(%arg0: i32) -> (i32, i32) {
    %c0_i32 = arith.constant 0 : i32
    %c0_i32_0 = arith.constant 0 : i32
    return %arg0, %c0_i32 : i32, i32
  }
}

module attributes {stable_mosaic.version = 14 : i64} {
  func.func @body(%arg0: memref<4096x128xf32, #tpu.memory_space<vmem>>, %arg1: memref<4096x128xf32, #tpu.memory_space<vmem>>, %arg2: memref<4096xf32, #tpu.memory_space<vmem>>) attributes {dimension_semantics = [], scalar_prefetch = 0 : i64, scratch_operands = 0 : i64, tpu.core_type = #tpu.core_type<tc>} {
    %get3A = arith.constant 0 : index
    %get3A_0 = arith.constant 0 : index
    %get3A_1 = vector.load %arg0[%get3A, %get3A_0] : memref<4096x128xf32, #tpu.memory_space<vmem>>, vector<4096x128xf32>
    %get3A_2 = arith.constant 0 : index
    %get3A_3 = arith.constant 0 : index
    %get3A_4 = vector.load %arg1[%get3A_2, %get3A_3] : memref<4096x128xf32, #tpu.memory_space<vmem>>, vector<4096x128xf32>
    %mul3A = arith.mulf %get3A_1, %get3A_4 : vector<4096x128xf32>
    %reduce_sum3A = arith.constant dense<0.000000e+00> : vector<4096xf32>
    %reduce_sum3A_5 = vector.multi_reduction <add>, %mul3A, %reduce_sum3A [1] : vector<4096x128xf32> to vector<4096xf32>
    %swap3A = arith.constant 0 : index
    %swap3A_6 = vector.load %arg2[%swap3A] : memref<4096xf32, #tpu.memory_space<vmem>>, vector<4096xf32>
    tpu.vector_store %arg2[%swap3A], %reduce_sum3A_5 {strides = array<i32>} : memref<4096xf32, #tpu.memory_space<vmem>>, vector<4096xf32>,
    return
  }
}

</mosaic_0001>

<sc_bundles>
// kernel: kernel.10.cloned.1.call-start
scs
__scs_entry_jumppad:
0x0: {  	(pc) =	sbr.rel $0x88, $3  }
0x1: {  	(tag) =	ssettag $0x0;
	lr =	simm.s32 $0x1  }
0x2: {  	[smem:$0x3F98] =	sst lr;
	_ =	strace $0xD0000000  }
0x3: {  	_ = 	snop  }
0x4: {  	_ = 	snop  }
0x5: {  	_ = 	snop  }
0x6: {  	_ = 	snop  }
0x7: {  	_ = 	snop  }
__scs_overlays_trampoline_lowered:
0x8: {  	[smem:$0x3FA7] =	sst s0  }
0x9: {  	[smem:$0x3FA8] =	sst s1  }
0xa: {  	[smem:$0x3FA9] =	sst s2  }
0xb: {  	[smem:$0x3FAA] =	sst s3  }
0xc: {  	[smem:$0x3FAB] =	sst s4  }
0xd: {  	[smem:$0x3FAC] =	sst s5  }
0xe: {  	[smem:$0x3FAD] =	sst s6  }
0xf: {  	[smem:$0x3FAE] =	sst s7  }
0x10: {  	[smem:$0x3FAF] =	sst s8  }
0x11: {  	[smem:$0x3FB0] =	sst s9;
	s0 =	simm.s32 @!p0 $0x0  }
0x12: {  	s1 =	sld [smem:$0x3F96];
	s0 =	simm.s32 @p0 $0x1  }
0x13: {  	[smem:$0x3FB1] =	sst s0;
	s0 =	simm.s32 @!p1 $0x0  }
0x14: {  	s2 =	sld [smem:$0x3F95];
	s0 =	simm.s32 @p1 $0x1  }
0x15: {  	[smem:$0x3FB2] =	sst s0;
	s0 =	simm.s32 @!p2 $0x0  }
0x16: {  	s3 =	sld [smem:$0x3FDB];
	s0 =	simm.s32 @p2 $0x1  }
0x17: {  	s4 =	simm.s32 $0x1BF5;
	[smem:$0x3FB4] =	sst s0  }
0x18: {  	s0 =	sld [smem:$0x3F97];
	_ =	swait.ge [sflag:s4], $0x0  }
0x19: {  	s7 =	sld [smem:$0x3F98]  }
0x1a: {  	s8 =	sadd.s32 $0xFFFFE003, lr  }
0x1b: {  	s9 =	sadd.s32 $0xFFFFFEF7, lr;
	s5 =	simm.s32 $0xFFFFFFFF;
	p2 =	slt.u32 s8, $0xFFFFF086  }
0x1c: {  	p1 =	slt.u32 s9, $0xF7A;
	s5 =	simm.s32 @!p2 $0x0  }
0x1d: {  	s5 =	simm.s32 @p1 $0x1;
	p0 =	seq.s32 s7, s2  }
0x1e: {  	s7 =	smul.u32 @!p0 $0xF7A, s2;
	p2 =	seq.s32 @!p0 s5, $0x0  }
0x1f: {  	s9 =	smul.u32 $0xF7A, s1;
	s8 =	simm.s32 @!p0 $0x1BF5;
	p2 =	por !p2, p0  }
0x20: {  	[sflag:s8] =	ssyncset.s32 @!p0 $0xFFFFF086;
	s6 =	sadd.s32 @!p0 s3, s7;
	s7 =	simm.s32 @!p0 $0x108  }
0x21: {  	s3 =	sadd.s32 s3, s9;
	s6 =	sadd.s32 @!p0 $0x88, s6;
	s7 =	simm.s32 @p2 $0x1082  }
0x22: {  	[simem:s7], [sflag:s8] =	dma.local @!p0 [hbm:s6], $0xF7A  }
0x23: {  	s9 =	sor.u32 $0xD0000000, s2;
	s6 =	simm.s32 $0x108;
	_ =	swait.ge @!p0 [sflag:s8], $0x0  }
0x24: {  	s3 =	sadd.s32 $0x88, s3;
	s6 =	simm.s32 @!p1 $0x1082;
	[sflag:s4] =	ssyncset.s32 $0xFFFFF086  }
0x25: {  	[simem:s6], [sflag:s4] =	dma.local [hbm:s3], $0xF7A  }
0x26: {  	[smem:$0x3F98] =	sst s1;
	(tag) =	ssettag s2;
	_ =	strace s9  }
0x27: {  	s1 =	sld [smem:$0x3FA8]  }
0x28: {  	s2 =	sld [smem:$0x3FA9]  }
0x29: {  	s4 =	sld [smem:$0x3FAB]  }
0x2a: {  	p0 =	seq.s32 s5, $0x0;
	s5 =	sld [smem:$0x3FAC]  }
0x2b: {  	s6 =	sld [smem:$0x3FAD]  }
0x2c: {  	s7 =	sld [smem:$0x3FAE]  }
0x2d: {  	s3 =	simm.s32 $0x108;
	s8 =	sld [smem:$0x3FAF]  }
0x2e: {  	s3 =	simm.s32 @!p0 $0x1082;
	s9 =	sld [smem:$0x3FB0]  }
0x2f: {  	lr =	sadd.s32 s0, s3;
	s0 =	sld [smem:$0x3FA7]  }
0x30: {  	s3 =	sld [smem:$0x3FAA]  }
0x31: {  	[smem:$0x3FB3] =	sst s10  }
0x32: {  	s10 =	sld [smem:$0x3FB1];
	_ =	sdelay $0x3  }
0x33: {  	p0 =	seq.s32 s10, $0x1;
	s10 =	sld [smem:$0x3FB3];
	_ =	sdelay $0x3  }
0x34: {  	[smem:$0x3FB3] =	sst s10  }
0x35: {  	s10 =	sld [smem:$0x3FB2];
	_ =	sdelay $0x3  }
0x36: {  	p1 =	seq.s32 s10, $0x1;
	s10 =	sld [smem:$0x3FB3];
	_ =	sdelay $0x3  }
0x37: {  	[smem:$0x3FB3] =	sst s10  }
0x38: {  	s10 =	sld [smem:$0x3FB4]  }
0x39: {  	_ = 	snop;
	(pc) =	sbr.ind lr, $3  }
0x3a: {  	_ = 	snop  }
0x3b: {  	_ = 	snop  }
0x3c: {  	p2 =	seq.s32 s10, $0x1;
	s10 =	sld [smem:$0x3FB3]  }
0x3d: {  	_ =	shalt  }
0x3e: {  	_ =	shalt  }
0x3f: {  	_ =	shalt  }
0x40: {  	_ =	shalt  }
0x41: {  	_ =	shalt  }
0x42: {  	_ =	shalt  }
0x43: {  	_ =	shalt  }
0x44: {  	_ =	shalt  }
0x45: {  	_ =	shalt  }
0x46: {  	_ =	shalt  }
0x47: {  	_ =	shalt  }
0x48: {  	_ =	shalt  }
0x49: {  	_ =	shalt  }
0x4a: {  	_ =	shalt  }
0x4b: {  	_ =	shalt  }
0x4c: {  	_ =	shalt  }
0x4d: {  	_ =	shalt  }
0x4e: {  	_ =	shalt  }
0x4f: {  	_ =	shalt  }
0x50: {  	_ =	shalt  }
0x51: {  	_ =	shalt  }
0x52: {  	_ =	shalt  }
0x53: {  	_ =	shalt  }
0x54: {  	_ =	shalt  }
0x55: {  	_ =	shalt  }
0x56: {  	_ =	shalt  }
0x57: {  	_ =	shalt  }
0x58: {  	_ =	shalt  }
0x59: {  	_ =	shalt  }
0x5a: {  	_ =	shalt  }
0x5b: {  	_ =	shalt  }
0x5c: {  	_ =	shalt  }
0x5d: {  	_ =	shalt  }
0x5e: {  	_ =	shalt  }
0x5f: {  	_ =	shalt  }
0x60: {  	_ =	shalt  }
0x61: {  	_ =	shalt  }
0x62: {  	_ =	shalt  }
0x63: {  	_ =	shalt  }
0x64: {  	_ =	shalt  }
0x65: {  	_ =	shalt  }
0x66: {  	_ =	shalt  }
0x67: {  	_ =	shalt  }
0x68: {  	_ =	shalt  }
0x69: {  	_ =	shalt  }
0x6a: {  	_ =	shalt  }
0x6b: {  	_ =	shalt  }
0x6c: {  	_ =	shalt  }
0x6d: {  	_ =	shalt  }
0x6e: {  	_ =	shalt  }
0x6f: {  	_ =	shalt  }
0x70: {  	_ =	shalt  }
0x71: {  	_ =	shalt  }
0x72: {  	_ =	shalt  }
0x73: {  	_ =	shalt  }
0x74: {  	_ =	shalt  }
0x75: {  	_ =	shalt  }
0x76: {  	_ =	shalt  }
0x77: {  	_ =	shalt  }
0x78: {  	_ =	shalt  }
0x79: {  	_ =	shalt  }
0x7a: {  	_ =	shalt  }
0x7b: {  	_ =	shalt  }
0x7c: {  	_ =	shalt  }
0x7d: {  	_ =	shalt  }
0x7e: {  	_ =	shalt  }
0x7f: {  	_ =	shalt  }
0x80: {  	_ =	shalt  }
0x81: {  	_ =	shalt  }
0x82: {  	_ =	shalt  }
0x83: {  	_ =	shalt  }
0x84: {  	_ =	shalt  }
0x85: {  	_ =	shalt  }
0x86: {  	_ =	shalt  }
0x87: {  	_ =	shalt  }
.Lfunc_end0:
.L_simem_size_0:
called_computation_lowered:
.L_overlay_start_0:
0x88: {  	s2 =	sld [smem:$0x3FD9]  }
0x89: {  	s3 =	sld [smem:$0x3FFE];
	_ =	sdelay $0x1  }
0x8a: {  	s1 =	srdreg.scid  }
0x8b: {  	s0 =	sand.u32 $0x1, s1  }
0x8c: {  	s17 =	sshll.u32 s0, $0xA;
	s2 =	sadd.s32 s3, s2  }
0x8d: {  	s2 =	sadd.s32 s2, s17  }
0x8e: {  	[smem:$0x3FBF] =	sst s2  }
0x8f: {  	_ = 	snop  }
0x90: {  	s18 =	sld [smem:$0x3FC8];
	(tm) =	ssettm $0x1  }
0x91: {  	s19 =	sld [smem:$0x3FFB];
	_ =	sdelay $0x3  }
0x92: {  	_ =	strace s19  }
0x93: {  	s2 =	sld [smem:$0x3FFC];
	_ =	sdelay $0x3  }
0x94: {  	_ =	strace s2  }
0x95: {  	s2 =	sld [smem:$0x3FFD];
	_ =	sdelay $0x3  }
0x96: {  	_ =	strace s2  }
0x97: {  	_ =	strace $0x8FFFFFFF  }
0x98: {  	s20 =	sld [smem:$0x3FDB];
	_ =	sdelay $0x1  }
0x99: {  	s4 =	simm.s32 $_scs_section_size  }
0x9a: {  	s5 =	simm.s32 $_size__tile_overlayer_lowered;
	s6 =	simm.s32 $_tile_overlayer_lowered  }
0x9b: {  	s7 =	simm.s32 $0x1BFF;
	s21 =	sshll.u32 s6, $0x1;
	s4 =	sadd.s32 s4, s20  }
0x9c: {  	s22 =	simm.s32 $0x0;
	s5 =	sshll.u32 s5, $0x1;
	s6 =	sadd.s32 s21, s4  }
0x9d: {  	[timem:s22], [sflag:s7] =	dma.local [hbm:s6], s5  }
0x9e: {  	_ =	swait.ge [sflag:s7], s5  }
0x9f: {  	s5 =	ssub.s32 $0x0, s5;
	[sflag:s7] =	ssyncset.done $0x0  }
0xa0: {  	[sflag:s7] =	ssyncadd.s32 s5;
	_ =	sdelay $0x1  }
0xa1: {  	s23 =	simm.s32 $0x1B8B  }
0xa2: {  	_ =	swait.ge [sflag:s23], $0x1  }
0xa3: {  	[sflag:s23] =	ssyncset.done $0x0  }
0xa4: {  	[sflag:s23] =	ssyncadd.s32 $0xFFFFFFFF  }
0xa5: {  	s5 =	sld [smem:$0x0]  }
0xa6: {  	s6 =	sand.u32 $0xFFFFFFFE, s1  }
0xa7: {  	p0 =	sne.s32 s1, s6  }
0xa8: {  	s6 =	sshll.u32 @p0 s6, $0xE  }
0xa9: {  	s6 =	sadd.s32 @p0 $0x11B8D, s6;
	s7 =	sshll.u32 @p0 s5, $0x11  }
0xaa: {  	s6 =	sor.u32 @p0 s7, s6  }
0xab: {  	[sflag:s6] =	ssyncadd.remote.s32 @p0 $0x1;
	_ =	sdelay $0x1  }
0xac: {  	s6 =	simm.s32 @p0 $0x1B8D  }
0xad: {  	_ =	swait.eq @p0 [sflag:s6], $0x1  }
0xae: {  	[sflag:s6] =	ssyncadd.s32 @p0 $0xFFFFFFFF  }
0xaf: {  	s7 =	sshll.u32 @!p0 s1, $0xE  }
0xb0: {  	s7 =	sor.u32 @!p0 $0x4000, s7;
	s6 =	simm.s32 @!p0 $0x1B8D  }
0xb1: {  	s5 =	sshll.u32 @!p0 s5, $0x11;
	s7 =	sadd.s32 @!p0 $0x11B8D, s7;
	_ =	swait.eq @!p0 [sflag:s6], $0x1  }
0xb2: {  	s5 =	sor.u32 @!p0 s5, s7;
	[sflag:s6] =	ssyncadd.s32 @!p0 $0xFFFFFFFF  }
0xb3: {  	s25 =	simm.s32 $0x1B8E;
	s24 =	sld [smem:$0x3FFE];
	[sflag:s5] =	ssyncadd.remote.s32 @!p0 $0x1  }
0xb4: {  	s26 =	simm.s32 $execute0_lowered;
	[smem:$0x3FD2] =	sst s25  }
0xb5: {  	s6 =	sshll.u32 s26, $0x1;
	_ =	strace $0x80000049;
	[dreg:$0x1] =	wrdreg $0xFFFFFFFF  }
0xb6: {  	s28 =	simm.s32 $_size_execute0_lowered;
	s4 =	sadd.s32 s4, s6;
	[dreg:$0x0] =	wrdreg $0x0  }
0xb7: {  	s6 =	sshll.u32 s28, $0x1;
	[dreg:$0x2] =	wrdreg s4  }
0xb8: {  	[dreg:$0x3] =	wrdreg s6  }
0xb9: {  	[dreg:$0x4] =	wrdreg $0xC0  }
0xba: {  	_ =	task [dreg:s22], $0x5FFFF  }
0xbb: {  	[dreg:$0x1] =	wrdreg $0xFFFFFFFF  }
0xbc: {  	[dreg:$0x0] =	wrdreg $0x60  }
0xbd: {  	[dreg:$0x2] =	wrdreg s18  }
0xbe: {  	[dreg:$0x3] =	wrdreg s24  }
0xbf: {  	[dreg:$0x4] =	wrdreg $0x44800  }
0xc0: {  	[dreg:$0x5] =	wrdreg $0x9  }
0xc1: {  	_ =	task.clear_ibuf [dreg:s22], $0x6FFFF;
	_ =	strace $0x90000049  }
0xc2: {  	s29 =	simm.s32 $0x9;
	_ =	strace $0x8000004B  }
0xc3: {  	_ =	swait.ge [sflag:s29], $0x1  }
0xc4: {  	[sflag:s29] =	ssyncadd.s32 $0xFFFFFFFF  }
0xc5: {  	_ =	strace $0x9000004B  }
0xc6: {  	_ =	sfence  }
0xc7: {  	s30 =	sld [smem:$0x0];
	_ =	sdelay $0x2  }
0xc8: {  	s31 =	sshll.u32 s1, $0xD;
	s1 =	sshrl.u32 s1, $0x2  }
0xc9: {  	s4 =	sand.u32 $0x4000, s31;
	s1 =	sadd.s32 s1, s30  }
0xca: {  	s0 =	sor.u32 s4, s0;
	s1 =	sshll.u32 s1, $0x11  }
0xcb: {  	s0 =	sor.u32 s1, s0  }
0xcc: {  	s0 =	sadd.s32 $0x8F2B, s0  }
0xcd: {  	[sflag:s0] =	ssyncadd.remote.s32 $0x1  }
0xce: {  	_ =	sfence.sel $0xFFFF  }
0xcf: {  	[dreg:$0x0] =	wrdreg $0xFFFFFFFF;
	(pc) =	sbr.abs _section_cstart, $3  }
0xd0: {  	[dreg:$0x1] =	wrdreg $0xFFFFFFFF  }
0xd1: {  	_ =	task.clear_ibuf [dreg:s22], $0x2FFFF;
	_ =	strace $0x9FFFFFFF  }
0xd2: {  	(tm) =	ssettm $0x7FFFFFFF  }
0xd3: {  	_ =	shalt  }
tec
execute0_lowered:
.L_overlay_start_1:
0x0: {  	(tag) =	ssettag $0x1  }
0x1: {  	s4 =	rddreg [dreg:$0x0]  }
0x2: {  	s5 =	rddreg [dreg:$0x1];
	s0 =	srdreg.scid  }
0x3: {  	s2 =	rddreg [dreg:$0x2];
	s1 =	stileid.u32;
	s6 =	sand.u32 $0x1, s0  }
0x4: {  	s3 =	simm.s32 $0x0;
	s0 =	rddreg [dreg:$0x3];
	s7 =	smul.u32 $0x138800, s6  }
0x5: {  	s8 =	sshll.u32 s1, $0xA;
	[smem:$0x7FF] =	sst s3;
	s31 =	sshll.u32 s1, $0x6  }
0x6: {  	_ =	strace $0x8000004A;
	s9 =	ssub.s32 $0x2, s6;
	s7 =	sadd.s32 s8, s7  }
0x7: {  	s6 =	sshll.u32 s6, $0x5;
	s30 =	sshrl.u32 s9, $0x1;
	s7 =	sshrl.u32 s7, $0x3  }
0x8: {  	s10 =	sadd.s32 s7, s5;
	s5 =	ssub.s32 s9, s30;
	s7 =	sadd.s32 s31, s4  }
0x9: {  	s4 =	sshll.u32 s1, $0x1;
	s5 =	smax.u32 s5, $0x1;
	s7 =	sadd.s32 s6, s7  }
0xa: {  	v0 =	vimm.f32 $0.0e+00;
	v1 =	vimm.f32 $1.000000000e+00;
	s6 =	sadd.s32 s8, s2;
	s8 =	sadd.s32 $0x78600, s10;
	s7 =	sadd.s32 $0x10, s7  }
.LBB2_1:
0xb: {  	[tilespmem:$0x4080] =	vst v0  }
0xc: {  	[tilespmem:$0x4090] =	vst v0  }
0xd: {  	[tilespmem:$0x40A0] =	vst v0  }
0xe: {  	[tilespmem:$0x40B0] =	vst v0  }
0xf: {  	[tilespmem:$0x40C0] =	vst v0  }
0x10: {  	[tilespmem:$0x40D0] =	vst v0  }
0x11: {  	[tilespmem:$0x40E0] =	vst v0  }
0x12: {  	[tilespmem:$0x40F0] =	vst v0  }
0x13: {  	[tilespmem:$0x4100] =	vst v0  }
0x14: {  	[tilespmem:$0x4110] =	vst v0  }
0x15: {  	[tilespmem:$0x4120] =	vst v0  }
0x16: {  	[tilespmem:$0x4130] =	vst v0  }
0x17: {  	[tilespmem:$0x4140] =	vst v0  }
0x18: {  	[tilespmem:$0x4150] =	vst v0  }
0x19: {  	[tilespmem:$0x4160] =	vst v0  }
0x1a: {  	[tilespmem:$0x4170] =	vst v0  }
0x1b: {  	[tilespmem:$0x4180] =	vst v0  }
0x1c: {  	[tilespmem:$0x4190] =	vst v0  }
0x1d: {  	[tilespmem:$0x41A0] =	vst v0  }
0x1e: {  	[tilespmem:$0x41B0] =	vst v0  }
0x1f: {  	[tilespmem:$0x41C0] =	vst v0  }
0x20: {  	[tilespmem:$0x41D0] =	vst v0  }
0x21: {  	[tilespmem:$0x41E0] =	vst v0  }
0x22: {  	[tilespmem:$0x41F0] =	vst v0  }
0x23: {  	[tilespmem:$0x4200] =	vst v0  }
0x24: {  	[tilespmem:$0x4210] =	vst v0  }
0x25: {  	[tilespmem:$0x4220] =	vst v0  }
0x26: {  	[tilespmem:$0x4230] =	vst v0  }
0x27: {  	[tilespmem:$0x4240] =	vst v0  }
0x28: {  	[tilespmem:$0x4250] =	vst v0  }
0x29: {  	[tilespmem:$0x4260] =	vst v0  }
0x2a: {  	[tilespmem:$0x4270] =	vst v0  }
0x2b: {  	[tilespmem:$0x4280] =	vst v0  }
0x2c: {  	[tilespmem:$0x4290] =	vst v0  }
0x2d: {  	[tilespmem:$0x42A0] =	vst v0  }
0x2e: {  	[tilespmem:$0x42B0] =	vst v0  }
0x2f: {  	[tilespmem:$0x42C0] =	vst v0  }
0x30: {  	[tilespmem:$0x42D0] =	vst v0  }
0x31: {  	[tilespmem:$0x42E0] =	vst v0  }
0x32: {  	[tilespmem:$0x42F0] =	vst v0  }
0x33: {  	[tilespmem:$0x4300] =	vst v0  }
0x34: {  	[tilespmem:$0x4310] =	vst v0  }
0x35: {  	[tilespmem:$0x4320] =	vst v0  }
0x36: {  	[tilespmem:$0x4330] =	vst v0  }
0x37: {  	[tilespmem:$0x4340] =	vst v0  }
0x38: {  	[tilespmem:$0x4350] =	vst v0  }
0x39: {  	[tilespmem:$0x4360] =	vst v0  }
0x3a: {  	[tilespmem:$0x4370] =	vst v0  }
0x3b: {  	[tilespmem:$0x4380] =	vst v0  }
0x3c: {  	[tilespmem:$0x4390] =	vst v0  }
0x3d: {  	[tilespmem:$0x43A0] =	vst v0  }
0x3e: {  	[tilespmem:$0x43B0] =	vst v0  }
0x3f: {  	[tilespmem:$0x43C0] =	vst v0  }
0x40: {  	[tilespmem:$0x43D0] =	vst v0  }
0x41: {  	[tilespmem:$0x43E0] =	vst v0  }
0x42: {  	[tilespmem:$0x43F0] =	vst v0  }
0x43: {  	[tilespmem:$0x4400] =	vst v0  }
0x44: {  	[tilespmem:$0x4410] =	vst v0  }
0x45: {  	[tilespmem:$0x4420] =	vst v0  }
0x46: {  	[tilespmem:$0x4430] =	vst v0  }
0x47: {  	[tilespmem:$0x4440] =	vst v0  }
0x48: {  	[tilespmem:$0x4450] =	vst v0  }
0x49: {  	[tilespmem:$0x4460] =	vst v0  }
0x4a: {  	[tilespmem:$0x4470] =	vst v0;
	s9 =	simm.s32 $0x0;
	s10 =	simm.s32 $0x200  }
.LBB2_2:
0x4b: {  	p0 =	sne.s32 s10, $0xFE00;
	[tilespmem:s9+$0xF0] =	vst v1  }
0x4c: {  	[tilespmem:s9+$0x80] =	vst v1  }
0x4d: {  	[tilespmem:s9+$0x90] =	vst v1  }
.Ltmp0:
0x4e: {  	[tilespmem:s9+$0xA0] =	vst v1;
	(pc) =	sbr.rel @p0 .LBB2_2-.Ltmp0, $4  }
0x4f: {  	[tilespmem:s9+$0xB0] =	vst v1  }
0x50: {  	[tilespmem:s9+$0xC0] =	vst v1  }
0x51: {  	[tilespmem:s9+$0xD0] =	vst v1  }
0x52: {  	[tilespmem:s9+$0xE0] =	vst v1;
	s9 =	sshra.s32 s10, $0x2;
	s10 =	sadd.s32 $0x200, s10  }
0x53: {  	[tilespmem:s9+$0xF0] =	vst v1  }
0x54: {  	[tilespmem:s9+$0x80] =	vst v1  }
0x55: {  	[tilespmem:s9+$0x90] =	vst v1  }
0x56: {  	[tilespmem:s9+$0xA0] =	vst v1  }
0x57: {  	[tilespmem:s9+$0xB0] =	vst v1  }
0x58: {  	[tilespmem:s9+$0xC0] =	vst v1;
	s10 =	sadd.s32 $0x0, s1  }
0x59: {  	[tilespmem:s9+$0xD0] =	vst v1;
	p0 =	sgt.u32 s10, $0x4E1  }
0x5a: {  	[tilespmem:s9+$0xE0] =	vst v1;
	s9 =	simm.s32 @!p0 $0x4080;
	s12 =	simm.s32 @!p0 $0x1  }
0x5b: {  	[spmem:s6] =	stream.linear.scatter @!p0 [tilespmem:s9], [sflag:$0x1], $0x400, $0x38;
	[tilespmem:$0x17D00] =	vst v63  }
0x5c: {  	s11 =	simm.s32 $0x20;
	_ =	swait.ge @!p0 [sflag:s12], $0x400  }
0x5d: {  	s10 =	simm.s32 $0x10;
	s9 =	sadd.s32 $0x4000, s6;
	[sflag:s12] =	ssyncset.done @!p0 $0x0  }
.LBB2_4:
0x5e: {  	s13 =	sadd.s32 s10, s1;
	s10 =	smov.u32 s11;
	s11 =	sadd.s32 $0x10, s11  }
0x5f: {  	[sflag:s12] =	ssyncadd.s32 @!p0 $0xFFFFFC00;
	p1 =	sne.s32 s11, $0x4F0  }
.Ltmp1:
0x60: {  	p0 =	sgt.u32 s13, $0x4E1;
	(pc) =	sbr.rel @p1 .LBB2_4-.Ltmp1, $4  }
0x61: {  	s13 =	simm.s32 @!p0 $0x4080;
	s12 =	simm.s32 @!p0 $0x1  }
0x62: {  	[spmem:s9] =	stream.linear.scatter @!p0 [tilespmem:s13], [sflag:$0x1], $0x400, $0x38;
	[tilespmem:$0x17D00] =	vst v63  }
0x63: {  	_ =	swait.ge @!p0 [sflag:s12], $0x400  }
0x64: {  	s9 =	sadd.s32 $0x4000, s9;
	[sflag:s12] =	ssyncset.done @!p0 $0x0  }
0x65: {  	s10 =	sadd.s32 s10, s1  }
0x66: {  	p1 =	sgt.u32 s10, $0x4E1  }
0x67: {  	[sflag:s12] =	ssyncadd.s32 @!p0 $0xFFFFFC00;
	s10 =	simm.s32 @!p1 $0x4080;
	s11 =	simm.s32 @!p1 $0x1  }
0x68: {  	[spmem:s9] =	stream.linear.scatter @!p1 [tilespmem:s10], [sflag:$0x1], $0x400, $0x38;
	[tilespmem:$0x17D00] =	vst v63  }
0x69: {  	_ =	swait.ge @!p1 [sflag:s11], $0x400  }
0x6a: {  	s30 =	sadd.s32 $0x0, s4;
	[sflag:s11] =	ssyncset.done @!p1 $0x0  }
0x6b: {  	p0 =	sgt.u32 s30, $0x9C3;
	[sflag:s11] =	ssyncadd.s32 @!p1 $0xFFFFFC00  }
0x6c: {  	s10 =	simm.s32 @!p0 $0x0;
	s11 =	simm.s32 @!p0 $0x2;
	[bflag:$0x0] =	sbarrier.arrive $0xFFFF  }
0x6d: {  	[tilespmem:s10], [sflag:$0x2] =	stream.linear.gather @!p0 [hbm4b:s7+s10], $0x80, $0x38;
	[tilespmem:$0x17D00] =	vst v63  }
0x6e: {  	_ =	swait.ge @!p0 [sflag:s11], $0x80  }
0x6f: {  	s31 =	sadd.s32 $0x20, s4;
	[sflag:s11] =	ssyncset.done @!p0 $0x0  }
0x70: {  	s12 =	simm.s32 @!p0 $0x80;
	[sflag:s11] =	ssyncadd.s32 @!p0 $0xFFFFFF80;
	s11 =	simm.s32 @!p0 $0x1  }
0x71: {  	[spmem:s2] =	stream.indirect.scatter.add.f32 @!p0 [tilespmem:s12], [sflag:$0x1], $0x80, s10, s12, $0xb8;
	[tilespmem:$0x17D00] =	vst v63  }
0x72: {  	s9 =	simm.s32 $0x40;
	p1 =	por p0, p0;
	_ =	swait.ge @!p0 [sflag:s11], $0x4000  }
0x73: {  	s10 =	sadd.s32 $0x400, s7;
	p0 =	sgt.u32 s31, $0x9C3;
	[sflag:s11] =	ssyncset.done @!p1 $0x0  }
.LBB2_6:
0x74: {  	s12 =	simm.s32 @!p0 $0x0;
	s13 =	simm.s32 @!p0 $0x2  }
0x75: {  	[sflag:s11] =	ssyncadd.s32 @!p1 $0xFFFFC000;
	s14 =	smov.u32 s9;
	s9 =	sadd.s32 $0x20, s9  }
0x76: {  	[tilespmem:s12], [sflag:$0x2] =	stream.linear.gather @!p0 [hbm4b:s10+s12], $0x80, $0x38;
	[tilespmem:$0x17D00] =	vst v63  }
0x77: {  	p2 =	sne.s32 s9, $0x9E0;
	_ =	swait.ge @!p0 [sflag:s13], $0x80  }
.Ltmp2:
0x78: {  	[sflag:s13] =	ssyncset.done @!p0 $0x0;
	(pc) =	sbr.rel @p2 .LBB2_6-.Ltmp2, $4  }
0x79: {  	s11 =	simm.s32 @!p0 $0x1;
	[sflag:s13] =	ssyncadd.s32 @!p0 $0xFFFFFF80;
	s13 =	simm.s32 @!p0 $0x80  }
0x7a: {  	[spmem:s2] =	stream.indirect.scatter.add.f32 @!p0 [tilespmem:s13], [sflag:$0x1], $0x80, s12, s13, $0xb8;
	[tilespmem:$0x17D00] =	vst v63  }
0x7b: {  	p1 =	por p0, p0;
	s12 =	sadd.s32 s14, s4;
	_ =	swait.ge @!p0 [sflag:s11], $0x4000  }
0x7c: {  	s10 =	sadd.s32 $0x400, s10;
	p0 =	sgt.u32 s12, $0x9C3;
	[sflag:s11] =	ssyncset.done @!p1 $0x0  }
0x7d: {  	s9 =	simm.s32 @!p0 $0x0;
	s12 =	simm.s32 @!p0 $0x2;
	[sflag:s11] =	ssyncadd.s32 @!p1 $0xFFFFC000  }
0x7e: {  	[tilespmem:s9], [sflag:$0x2] =	stream.linear.gather @!p0 [hbm4b:s10+s9], $0x80, $0x38;
	[tilespmem:$0x17D00] =	vst v63  }
0x7f: {  	_ =	swait.ge @!p0 [sflag:s12], $0x80  }
0x80: {  	[sflag:s12] =	ssyncset.done @!p0 $0x0  }
0x81: {  	s11 =	simm.s32 @!p0 $0x1;
	s10 =	simm.s32 @!p0 $0x80;
	[sflag:s12] =	ssyncadd.s32 @!p0 $0xFFFFFF80  }
0x82: {  	[spmem:s2] =	stream.indirect.scatter.add.f32 @!p0 [tilespmem:s10], [sflag:$0x1], $0x80, s9, s10, $0xb8;
	[tilespmem:$0x17D00] =	vst v63  }
0x83: {  	_ =	swait.ge @!p0 [sflag:s11], $0x4000;
	p0 =	por p0, p0  }
0x84: {  	s31 =	sadd.s32 $0x0, s1;
	[sflag:s11] =	ssyncset.done @!p0 $0x0  }
0x85: {  	[sflag:s11] =	ssyncadd.s32 @!p0 $0xFFFFC000;
	p0 =	sgt.u32 s31, $0x4E1  }
0x86: {  	[bflag:$0x0] =	sbarrier.arrive $0xFFFF;
	s9 =	sshll.u32 @!p0 s1, $0x6  }
0x87: {  	s10 =	sshrl.u32 @!p0 s6, $0x3;
	s12 =	simm.s32 @!p0 $0x1;
	s9 =	sor.u32 @!p0 $0x1C01, s9  }
0x88: {  	[hbm:s8], [sflag:s9] =	dma.local @!p0 [spmem:s10], $0x80  }
0x89: {  	s13 =	sadd.s32 $0x10, s1;
	s11 =	simm.s32 $0x20;
	_ =	swait.ge @!p0 [sflag:s12], $0x80  }
0x8a: {  	s9 =	sadd.s32 $0x4000, s6;
	s10 =	sadd.s32 $0x800, s8;
	[sflag:s12] =	ssyncset.done @!p0 $0x0  }
.LBB2_8:
0x8b: {  	[sflag:s12] =	ssyncadd.s32 @!p0 $0xFFFFFF80  }
0x8c: {  	p0 =	sgt.u32 s13, $0x4E1;
	s13 =	smov.u32 s11;
	s11 =	sadd.s32 $0x10, s11  }
0x8d: {  	p1 =	sne.s32 s11, $0x4F0  }
.Ltmp3:
0x8e: {  	s12 =	sshll.u32 @!p0 s1, $0x6;
	s14 =	sshrl.u32 @!p0 s9, $0x3;
	(pc) =	sbr.rel @p1 .LBB2_8-.Ltmp3, $4  }
0x8f: {  	s15 =	sor.u32 @!p0 $0x1C01, s12;
	s12 =	simm.s32 @!p0 $0x1  }
0x90: {  	[hbm:s10], [sflag:s15] =	dma.local @!p0 [spmem:s14], $0x80  }
0x91: {  	s9 =	sadd.s32 $0x4000, s9;
	_ =	swait.ge @!p0 [sflag:s12], $0x80  }
0x92: {  	s13 =	sadd.s32 s13, s1;
	s10 =	sadd.s32 $0x800, s10;
	[sflag:s12] =	ssyncset.done @!p0 $0x0  }
0x93: {  	p1 =	sgt.u32 s13, $0x4E1;
	[sflag:s12] =	ssyncadd.s32 @!p0 $0xFFFFFF80;
	s3 =	sadd.s32 $0x1, s3  }
0x94: {  	s11 =	sshll.u32 @!p1 s1, $0x6;
	s9 =	sshrl.u32 @!p1 s9, $0x3;
	p0 =	sne.s32 s3, s5  }
.Ltmp4:
0x95: {  	s12 =	simm.s32 @!p1 $0x1;
	s11 =	sor.u32 @!p1 $0x1C01, s11;
	(pc) =	sbr.rel @p0 .LBB2_1-.Ltmp4, $4  }
0x96: {  	[hbm:s10], [sflag:s11] =	dma.local @!p1 [spmem:s9], $0x80  }
0x97: {  	_ =	swait.ge @!p1 [sflag:s12], $0x80  }
0x98: {  	[sflag:s12] =	ssyncset.done @!p1 $0x0  }
0x99: {  	[sflag:s12] =	ssyncadd.s32 @!p1 $0xFFFFFF80  }
0x9a: {  	_ =	sfence.sel $0x180000  }
0x9b: {  	[bflag:$0x0] =	sbarrier.arrive $0xFFFF  }
0x9c: {  	p0 =	sne.s32 s1, $0x0;
	_ =	strace $0x9000004A  }
0x9d: {  	s0 =	sadd.s32 @!p0 $0x100000, s0;
	[bflag:$0x2] =	sbarrier.arrive $0xFFFF  }
0x9e: {  	[sflag:s0] =	ssyncadd.tile.s32 @!p0 $0x1;
	_ =	shalt  }
.Lfunc_end2:
_tile_overlayer_lowered:
.L_overlay_start_2:
0x9f: {  	(tag) =	ssettag $0x2  }
0xa0: {  	s0 =	rddreg [dreg:$0x0];
	s2 =	stileid.u32  }
0xa1: {  	s1 =	rddreg [dreg:$0x1];
	p0 =	sne.s32 s2, $0x0  }
0xa2: {  	s3 =	rddreg [dreg:$0x2];
	[bflag:$0x3] =	sbarrier.arrive $0xFFFF;
	s2 =	simm.s32 @!p0 $0x1C01  }
0xa3: {  	[timem:s3], [sflag:s2] =	dma.local @!p0 [hbm:s0], s1  }
0xa4: {  	s0 =	simm.s32 @!p0 $0x1  }
0xa5: {  	_ =	swait.ge @!p0 [sflag:s0], s1  }
0xa6: {  	s1 =	ssub.s32 @!p0 $0x0, s1;
	[sflag:s0] =	ssyncset.done @!p0 $0x0  }
0xa7: {  	[sflag:s0] =	ssyncadd.s32 @!p0 s1  }
0xa8: {  	[bflag:$0x3] =	sbarrier.arrive $0xFFFF  }
0xa9: {  	_ =	shalt  }

// kernel: kernel.13.cloned.1.call-start
scs
__scs_entry_jumppad:
0x0: {  	(pc) =	sbr.rel $0x88, $3  }
0x1: {  	(tag) =	ssettag $0x0;
	lr =	simm.s32 $0x1  }
0x2: {  	[smem:$0x3F98] =	sst lr;
	_ =	strace $0xD0000000  }
0x3: {  	_ = 	snop  }
0x4: {  	_ = 	snop  }
0x5: {  	_ = 	snop  }
0x6: {  	_ = 	snop  }
0x7: {  	_ = 	snop  }
__scs_overlays_trampoline_lowered:
0x8: {  	[smem:$0x3FA7] =	sst s0  }
0x9: {  	[smem:$0x3FA8] =	sst s1  }
0xa: {  	[smem:$0x3FA9] =	sst s2  }
0xb: {  	[smem:$0x3FAA] =	sst s3  }
0xc: {  	[smem:$0x3FAB] =	sst s4  }
0xd: {  	[smem:$0x3FAC] =	sst s5  }
0xe: {  	[smem:$0x3FAD] =	sst s6  }
0xf: {  	[smem:$0x3FAE] =	sst s7  }
0x10: {  	[smem:$0x3FAF] =	sst s8  }
0x11: {  	[smem:$0x3FB0] =	sst s9;
	s0 =	simm.s32 @!p0 $0x0  }
0x12: {  	s1 =	sld [smem:$0x3F96];
	s0 =	simm.s32 @p0 $0x1  }
0x13: {  	[smem:$0x3FB1] =	sst s0;
	s0 =	simm.s32 @!p1 $0x0  }
0x14: {  	s2 =	sld [smem:$0x3F95];
	s0 =	simm.s32 @p1 $0x1  }
0x15: {  	[smem:$0x3FB2] =	sst s0;
	s0 =	simm.s32 @!p2 $0x0  }
0x16: {  	s3 =	sld [smem:$0x3FDB];
	s0 =	simm.s32 @p2 $0x1  }
0x17: {  	s4 =	simm.s32 $0x1BF5;
	[smem:$0x3FB4] =	sst s0  }
0x18: {  	s0 =	sld [smem:$0x3F97];
	_ =	swait.ge [sflag:s4], $0x0  }
0x19: {  	s7 =	sld [smem:$0x3F98]  }
0x1a: {  	s8 =	sadd.s32 $0xFFFFE003, lr  }
0x1b: {  	s9 =	sadd.s32 $0xFFFFFEF7, lr;
	s5 =	simm.s32 $0xFFFFFFFF;
	p2 =	slt.u32 s8, $0xFFFFF086  }
0x1c: {  	p1 =	slt.u32 s9, $0xF7A;
	s5 =	simm.s32 @!p2 $0x0  }
0x1d: {  	s5 =	simm.s32 @p1 $0x1;
	p0 =	seq.s32 s7, s2  }
0x1e: {  	s7 =	smul.u32 @!p0 $0xF7A, s2;
	p2 =	seq.s32 @!p0 s5, $0x0  }
0x1f: {  	s9 =	smul.u32 $0xF7A, s1;
	s8 =	simm.s32 @!p0 $0x1BF5;
	p2 =	por !p2, p0  }
0x20: {  	[sflag:s8] =	ssyncset.s32 @!p0 $0xFFFFF086;
	s6 =	sadd.s32 @!p0 s3, s7;
	s7 =	simm.s32 @!p0 $0x108  }
0x21: {  	s3 =	sadd.s32 s3, s9;
	s6 =	sadd.s32 @!p0 $0x88, s6;
	s7 =	simm.s32 @p2 $0x1082  }
0x22: {  	[simem:s7], [sflag:s8] =	dma.local @!p0 [hbm:s6], $0xF7A  }
0x23: {  	s9 =	sor.u32 $0xD0000000, s2;
	s6 =	simm.s32 $0x108;
	_ =	swait.ge @!p0 [sflag:s8], $0x0  }
0x24: {  	s3 =	sadd.s32 $0x88, s3;
	s6 =	simm.s32 @!p1 $0x1082;
	[sflag:s4] =	ssyncset.s32 $0xFFFFF086  }
0x25: {  	[simem:s6], [sflag:s4] =	dma.local [hbm:s3], $0xF7A  }
0x26: {  	[smem:$0x3F98] =	sst s1;
	(tag) =	ssettag s2;
	_ =	strace s9  }
0x27: {  	s1 =	sld [smem:$0x3FA8]  }
0x28: {  	s2 =	sld [smem:$0x3FA9]  }
0x29: {  	s4 =	sld [smem:$0x3FAB]  }
0x2a: {  	p0 =	seq.s32 s5, $0x0;
	s5 =	sld [smem:$0x3FAC]  }
0x2b: {  	s6 =	sld [smem:$0x3FAD]  }
0x2c: {  	s7 =	sld [smem:$0x3FAE]  }
0x2d: {  	s3 =	simm.s32 $0x108;
	s8 =	sld [smem:$0x3FAF]  }
0x2e: {  	s3 =	simm.s32 @!p0 $0x1082;
	s9 =	sld [smem:$0x3FB0]  }
0x2f: {  	lr =	sadd.s32 s0, s3;
	s0 =	sld [smem:$0x3FA7]  }
0x30: {  	s3 =	sld [smem:$0x3FAA]  }
0x31: {  	[smem:$0x3FB3] =	sst s10  }
0x32: {  	s10 =	sld [smem:$0x3FB1];
	_ =	sdelay $0x3  }
0x33: {  	p0 =	seq.s32 s10, $0x1;
	s10 =	sld [smem:$0x3FB3];
	_ =	sdelay $0x3  }
0x34: {  	[smem:$0x3FB3] =	sst s10  }
0x35: {  	s10 =	sld [smem:$0x3FB2];
	_ =	sdelay $0x3  }
0x36: {  	p1 =	seq.s32 s10, $0x1;
	s10 =	sld [smem:$0x3FB3];
	_ =	sdelay $0x3  }
0x37: {  	[smem:$0x3FB3] =	sst s10  }
0x38: {  	s10 =	sld [smem:$0x3FB4]  }
0x39: {  	_ = 	snop;
	(pc) =	sbr.ind lr, $3  }
0x3a: {  	_ = 	snop  }
0x3b: {  	_ = 	snop  }
0x3c: {  	p2 =	seq.s32 s10, $0x1;
	s10 =	sld [smem:$0x3FB3]  }
0x3d: {  	_ =	shalt  }
0x3e: {  	_ =	shalt  }
0x3f: {  	_ =	shalt  }
0x40: {  	_ =	shalt  }
0x41: {  	_ =	shalt  }
0x42: {  	_ =	shalt  }
0x43: {  	_ =	shalt  }
0x44: {  	_ =	shalt  }
0x45: {  	_ =	shalt  }
0x46: {  	_ =	shalt  }
0x47: {  	_ =	shalt  }
0x48: {  	_ =	shalt  }
0x49: {  	_ =	shalt  }
0x4a: {  	_ =	shalt  }
0x4b: {  	_ =	shalt  }
0x4c: {  	_ =	shalt  }
0x4d: {  	_ =	shalt  }
0x4e: {  	_ =	shalt  }
0x4f: {  	_ =	shalt  }
0x50: {  	_ =	shalt  }
0x51: {  	_ =	shalt  }
0x52: {  	_ =	shalt  }
0x53: {  	_ =	shalt  }
0x54: {  	_ =	shalt  }
0x55: {  	_ =	shalt  }
0x56: {  	_ =	shalt  }
0x57: {  	_ =	shalt  }
0x58: {  	_ =	shalt  }
0x59: {  	_ =	shalt  }
0x5a: {  	_ =	shalt  }
0x5b: {  	_ =	shalt  }
0x5c: {  	_ =	shalt  }
0x5d: {  	_ =	shalt  }
0x5e: {  	_ =	shalt  }
0x5f: {  	_ =	shalt  }
0x60: {  	_ =	shalt  }
0x61: {  	_ =	shalt  }
0x62: {  	_ =	shalt  }
0x63: {  	_ =	shalt  }
0x64: {  	_ =	shalt  }
0x65: {  	_ =	shalt  }
0x66: {  	_ =	shalt  }
0x67: {  	_ =	shalt  }
0x68: {  	_ =	shalt  }
0x69: {  	_ =	shalt  }
0x6a: {  	_ =	shalt  }
0x6b: {  	_ =	shalt  }
0x6c: {  	_ =	shalt  }
0x6d: {  	_ =	shalt  }
0x6e: {  	_ =	shalt  }
0x6f: {  	_ =	shalt  }
0x70: {  	_ =	shalt  }
0x71: {  	_ =	shalt  }
0x72: {  	_ =	shalt  }
0x73: {  	_ =	shalt  }
0x74: {  	_ =	shalt  }
0x75: {  	_ =	shalt  }
0x76: {  	_ =	shalt  }
0x77: {  	_ =	shalt  }
0x78: {  	_ =	shalt  }
0x79: {  	_ =	shalt  }
0x7a: {  	_ =	shalt  }
0x7b: {  	_ =	shalt  }
0x7c: {  	_ =	shalt  }
0x7d: {  	_ =	shalt  }
0x7e: {  	_ =	shalt  }
0x7f: {  	_ =	shalt  }
0x80: {  	_ =	shalt  }
0x81: {  	_ =	shalt  }
0x82: {  	_ =	shalt  }
0x83: {  	_ =	shalt  }
0x84: {  	_ =	shalt  }
0x85: {  	_ =	shalt  }
0x86: {  	_ =	shalt  }
0x87: {  	_ =	shalt  }
.Lfunc_end0:
.L_simem_size_0:
called_computation.1_lowered:
.L_overlay_start_0:
0x88: {  	s2 =	sld [smem:$0x3FD9]  }
0x89: {  	s3 =	sld [smem:$0x3FFE];
	_ =	sdelay $0x1  }
0x8a: {  	s1 =	srdreg.scid  }
0x8b: {  	s0 =	sand.u32 $0x1, s1  }
0x8c: {  	s17 =	sshll.u32 s0, $0xA;
	s2 =	sadd.s32 s3, s2  }
0x8d: {  	s2 =	sadd.s32 s2, s17  }
0x8e: {  	[smem:$0x3FBF] =	sst s2  }
0x8f: {  	_ = 	snop  }
0x90: {  	s2 =	sld [smem:$0x3FC8];
	(tm) =	ssettm $0x1  }
0x91: {  	s18 =	sld [smem:$0x3FFB];
	_ =	sdelay $0x3  }
0x92: {  	_ =	strace s18  }
0x93: {  	s3 =	sld [smem:$0x3FFC];
	_ =	sdelay $0x3  }
0x94: {  	_ =	strace s3  }
0x95: {  	s3 =	sld [smem:$0x3FFD];
	_ =	sdelay $0x3  }
0x96: {  	_ =	strace s3  }
0x97: {  	_ =	strace $0x8FFFFFFF  }
0x98: {  	s19 =	sld [smem:$0x3FDB];
	_ =	sdelay $0x1  }
0x99: {  	s4 =	simm.s32 $_scs_section_size  }
0x9a: {  	s5 =	simm.s32 $_size__tile_overlayer_lowered;
	s6 =	simm.s32 $_tile_overlayer_lowered  }
0x9b: {  	s22 =	simm.s32 $0x1BFF;
	s21 =	sshll.u32 s6, $0x1;
	s3 =	sadd.s32 s4, s19  }
0x9c: {  	s7 =	simm.s32 $0x0;
	s20 =	sshll.u32 s5, $0x1;
	s5 =	sadd.s32 s21, s3  }
0x9d: {  	[timem:s7], [sflag:s22] =	dma.local [hbm:s5], s20  }
0x9e: {  	_ =	swait.ge [sflag:s22], s20  }
0x9f: {  	s4 =	ssub.s32 $0x0, s20;
	[sflag:s22] =	ssyncset.done $0x0  }
0xa0: {  	[sflag:s22] =	ssyncadd.s32 s4;
	_ =	sdelay $0x1  }
0xa1: {  	s23 =	simm.s32 $0x1B8B  }
0xa2: {  	_ =	swait.ge [sflag:s23], $0x1  }
0xa3: {  	[sflag:s23] =	ssyncset.done $0x0  }
0xa4: {  	s25 =	simm.s32 $0x1B8E;
	s24 =	sld [smem:$0x3FFE];
	[sflag:s23] =	ssyncadd.s32 $0xFFFFFFFF  }
0xa5: {  	s26 =	simm.s32 $execute0_lowered;
	[smem:$0x3FD2] =	sst s25  }
0xa6: {  	s5 =	sshll.u32 s26, $0x1;
	_ =	strace $0x80000046;
	[dreg:$0x1] =	wrdreg $0xFFFFFFFF  }
0xa7: {  	s28 =	simm.s32 $_size_execute0_lowered;
	s3 =	sadd.s32 s3, s5;
	[dreg:$0x0] =	wrdreg $0x0  }
0xa8: {  	s5 =	sshll.u32 s28, $0x1;
	[dreg:$0x2] =	wrdreg s3  }
0xa9: {  	[dreg:$0x3] =	wrdreg s5  }
0xaa: {  	[dreg:$0x4] =	wrdreg $0xC0  }
0xab: {  	_ =	task [dreg:s7], $0x5FFFF  }
0xac: {  	[dreg:$0x1] =	wrdreg $0xFFFFFFFF  }
0xad: {  	[dreg:$0x0] =	wrdreg $0x60  }
0xae: {  	[dreg:$0x2] =	wrdreg s24  }
0xaf: {  	[dreg:$0x3] =	wrdreg s2  }
0xb0: {  	[dreg:$0x4] =	wrdreg $0x86000  }
0xb1: {  	[dreg:$0x5] =	wrdreg $0xA  }
0xb2: {  	_ =	task.clear_ibuf [dreg:s7], $0x6FFFF;
	_ =	strace $0x90000046  }
0xb3: {  	s29 =	simm.s32 $0xA;
	_ =	strace $0x80000048  }
0xb4: {  	_ =	swait.ge [sflag:s29], $0x1  }
0xb5: {  	[sflag:s29] =	ssyncadd.s32 $0xFFFFFFFF  }
0xb6: {  	_ =	strace $0x90000048  }
0xb7: {  	_ =	sfence  }
0xb8: {  	s30 =	sld [smem:$0x0];
	_ =	sdelay $0x2  }
0xb9: {  	s31 =	sshll.u32 s1, $0xD;
	s1 =	sshrl.u32 s1, $0x2  }
0xba: {  	s3 =	sand.u32 $0x4000, s31;
	s1 =	sadd.s32 s1, s30  }
0xbb: {  	s0 =	sor.u32 s3, s0;
	s1 =	sshll.u32 s1, $0x11  }
0xbc: {  	s0 =	sor.u32 s1, s0  }
0xbd: {  	s0 =	sadd.s32 $0x8F2B, s0  }
0xbe: {  	[sflag:s0] =	ssyncadd.remote.s32 $0x1  }
0xbf: {  	_ =	sfence.sel $0xFFFF  }
0xc0: {  	[dreg:$0x0] =	wrdreg $0xFFFFFFFF;
	(pc) =	sbr.abs _section_cstart, $3  }
0xc1: {  	[dreg:$0x1] =	wrdreg $0xFFFFFFFF  }
0xc2: {  	_ =	task.clear_ibuf [dreg:s7], $0x2FFFF;
	_ =	strace $0x9FFFFFFF  }
0xc3: {  	(tm) =	ssettm $0x7FFFFFFF  }
tec
execute0_lowered:
.L_overlay_start_1:
0x0: {  	(tag) =	ssettag $0x1  }
0x1: {  	s5 =	rddreg [dreg:$0x0]  }
0x2: {  	s8 =	rddreg [dreg:$0x1]  }
0x3: {  	s1 =	rddreg [dreg:$0x2]  }
0x4: {  	s0 =	rddreg [dreg:$0x3]  }
0x5: {  	s3 =	simm.s32 $0x0;
	s2 =	srdreg.scid;
	s14 =	simm.s32 $0x100  }
0x6: {  	s15 =	simm.s32 $0x4100;
	s16 =	simm.s32 $0x4;
	s17 =	simm.s32 $0x4180  }
0x7: {  	s18 =	simm.s32 $0x4200;
	s19 =	simm.s32 $0x1;
	s20 =	simm.s32 $0x2  }
0x8: {  	s21 =	simm.s32 $0x0;
	[smem:$0x7FF] =	sst s3;
	s9 =	sand.u32 $0x1, s2  }
0x9: {  	s2 =	stileid.u32;
	s4 =	sadd.s32 $0x3200, s5;
	s6 =	smul.u32 $0x138800, s9  }
0xa: {  	_ =	strace $0x80000047;
	s10 =	sshll.u32 s2, $0xA;
	s7 =	sshll.u32 s2, $0x1  }
0xb: {  	s29 =	ssub.s32 $0x2, s9;
	s31 =	sshll.u32 s2, $0x6;
	p0 =	sgt.u32 s2, $0x1  }
0xc: {  	s11 =	sor.u32 s9, s7;
	s30 =	sshrl.u32 s29, $0x1;
	s6 =	sadd.s32 s10, s6  }
0xd: {  	s9 =	sshll.u32 s9, $0x5;
	s7 =	ssub.s32 s29, s30;
	s6 =	sshrl.u32 s6, $0x3  }
0xe: {  	s12 =	sshll.u32 s11, $0x5;
	s7 =	smax.u32 s7, $0x1;
	s13 =	sadd.s32 s6, s5  }
0xf: {  	s5 =	sadd.s32 s8, s12;
	s12 =	sadd.s32 s31, s8;
	s8 =	sadd.s32 s10, s1  }
0x10: {  	s10 =	sor.u32 $0x40, s11;
	s6 =	sadd.s32 $0x10, s5;
	s9 =	sadd.s32 s9, s12  }
0x11: {  	v0 =	vimm.f32 $0.0e+00;
	s11 =	sadd.s32 $0x2A400, s13;
	s12 =	simm.s32 $0x3;
	s13 =	simm.s32 $0x80  }
.LBB2_1:
0x12: {  	[tilespmem:$0x8200] =	vst v0  }
0x13: {  	[tilespmem:$0x8210] =	vst v0  }
0x14: {  	[tilespmem:$0x8220] =	vst v0  }
0x15: {  	[tilespmem:$0x8230] =	vst v0  }
0x16: {  	[tilespmem:$0x8240] =	vst v0  }
0x17: {  	[tilespmem:$0x8250] =	vst v0  }
0x18: {  	[tilespmem:$0x8260] =	vst v0  }
0x19: {  	[tilespmem:$0x8270] =	vst v0  }
0x1a: {  	[tilespmem:$0x8280] =	vst v0  }
0x1b: {  	[tilespmem:$0x8290] =	vst v0  }
0x1c: {  	[tilespmem:$0x82A0] =	vst v0  }
0x1d: {  	[tilespmem:$0x82B0] =	vst v0  }
0x1e: {  	[tilespmem:$0x82C0] =	vst v0  }
0x1f: {  	[tilespmem:$0x82D0] =	vst v0  }
0x20: {  	[tilespmem:$0x82E0] =	vst v0  }
0x21: {  	[tilespmem:$0x82F0] =	vst v0  }
0x22: {  	[tilespmem:$0x8300] =	vst v0  }
0x23: {  	[tilespmem:$0x8310] =	vst v0  }
0x24: {  	[tilespmem:$0x8320] =	vst v0  }
0x25: {  	[tilespmem:$0x8330] =	vst v0  }
0x26: {  	[tilespmem:$0x8340] =	vst v0  }
0x27: {  	[tilespmem:$0x8350] =	vst v0  }
0x28: {  	[tilespmem:$0x8360] =	vst v0  }
0x29: {  	[tilespmem:$0x8370] =	vst v0  }
0x2a: {  	[tilespmem:$0x8380] =	vst v0  }
0x2b: {  	[tilespmem:$0x8390] =	vst v0  }
0x2c: {  	[tilespmem:$0x83A0] =	vst v0  }
0x2d: {  	[tilespmem:$0x83B0] =	vst v0  }
0x2e: {  	[tilespmem:$0x83C0] =	vst v0  }
0x2f: {  	[tilespmem:$0x83D0] =	vst v0  }
0x30: {  	[tilespmem:$0x83E0] =	vst v0  }
0x31: {  	[tilespmem:$0x83F0] =	vst v0  }
0x32: {  	[tilespmem:$0x8400] =	vst v0  }
0x33: {  	[tilespmem:$0x8410] =	vst v0  }
0x34: {  	[tilespmem:$0x8420] =	vst v0  }
0x35: {  	[tilespmem:$0x8430] =	vst v0  }
0x36: {  	[tilespmem:$0x8440] =	vst v0  }
0x37: {  	[tilespmem:$0x8450] =	vst v0  }
0x38: {  	[tilespmem:$0x8460] =	vst v0  }
0x39: {  	[tilespmem:$0x8470] =	vst v0  }
0x3a: {  	[tilespmem:$0x8480] =	vst v0  }
0x3b: {  	[tilespmem:$0x8490] =	vst v0  }
0x3c: {  	[tilespmem:$0x84A0] =	vst v0  }
0x3d: {  	[tilespmem:$0x84B0] =	vst v0  }
0x3e: {  	[tilespmem:$0x84C0] =	vst v0  }
0x3f: {  	[tilespmem:$0x84D0] =	vst v0  }
0x40: {  	[tilespmem:$0x84E0] =	vst v0  }
0x41: {  	[tilespmem:$0x84F0] =	vst v0  }
0x42: {  	[tilespmem:$0x8500] =	vst v0  }
0x43: {  	[tilespmem:$0x8510] =	vst v0  }
0x44: {  	[tilespmem:$0x8520] =	vst v0  }
0x45: {  	[tilespmem:$0x8530] =	vst v0  }
0x46: {  	[tilespmem:$0x8540] =	vst v0  }
0x47: {  	[tilespmem:$0x8550] =	vst v0  }
0x48: {  	[tilespmem:$0x8560] =	vst v0  }
0x49: {  	[tilespmem:$0x8570] =	vst v0  }
0x4a: {  	[tilespmem:$0x8580] =	vst v0  }
0x4b: {  	[tilespmem:$0x8590] =	vst v0  }
0x4c: {  	[tilespmem:$0x85A0] =	vst v0  }
0x4d: {  	[tilespmem:$0x85B0] =	vst v0  }
0x4e: {  	[tilespmem:$0x85C0] =	vst v0  }
0x4f: {  	[tilespmem:$0x85D0] =	vst v0;
	s22 =	sadd.s32 $0x0, s2  }
0x50: {  	[tilespmem:$0x85E0] =	vst v0;
	p1 =	sgt.u32 s22, $0x4E1  }
0x51: {  	[tilespmem:$0x85F0] =	vst v0;
	s22 =	simm.s32 @!p1 $0x8200;
	s25 =	simm.s32 @!p1 $0x3  }
0x52: {  	[spmem:s8] =	stream.linear.scatter @!p1 [tilespmem:s22], [sflag:$0x3], $0x400, $0x38;
	[tilespmem:$0x1BE80] =	vst v63  }
0x53: {  	s23 =	simm.s32 $0x10;
	_ =	swait.ge @!p1 [sflag:s25], $0x400  }
0x54: {  	s24 =	simm.s32 $0x20;
	s22 =	sadd.s32 $0x4000, s8;
	[sflag:s25] =	ssyncset.done @!p1 $0x0  }
.LBB2_2:
0x55: {  	s26 =	sadd.s32 s23, s2;
	s23 =	smov.u32 s24;
	s24 =	sadd.s32 $0x10, s24  }
0x56: {  	[sflag:s25] =	ssyncadd.s32 @!p1 $0xFFFFFC00;
	p2 =	sne.s32 s24, $0x4F0  }
.Ltmp0:
0x57: {  	p1 =	sgt.u32 s26, $0x4E1;
	(pc) =	sbr.rel @p2 .LBB2_2-.Ltmp0, $4  }
0x58: {  	s26 =	simm.s32 @!p1 $0x8200;
	s25 =	simm.s32 @!p1 $0x3  }
0x59: {  	[spmem:s22] =	stream.linear.scatter @!p1 [tilespmem:s26], [sflag:$0x3], $0x400, $0x38;
	[tilespmem:$0x1BE80] =	vst v63  }
0x5a: {  	_ =	swait.ge @!p1 [sflag:s25], $0x400  }
0x5b: {  	s22 =	sadd.s32 $0x4000, s22;
	[sflag:s25] =	ssyncset.done @!p1 $0x0  }
0x5c: {  	s23 =	sadd.s32 s23, s2  }
0x5d: {  	p2 =	sgt.u32 s23, $0x4E1  }
0x5e: {  	[sflag:s25] =	ssyncadd.s32 @!p1 $0xFFFFFC00;
	s23 =	simm.s32 @!p2 $0x8200;
	s24 =	simm.s32 @!p2 $0x3  }
0x5f: {  	[spmem:s22] =	stream.linear.scatter @!p2 [tilespmem:s23], [sflag:$0x3], $0x400, $0x38;
	[tilespmem:$0x1BE80] =	vst v63  }
0x60: {  	_ =	swait.ge @!p2 [sflag:s24], $0x400  }
0x61: {  	[sflag:s24] =	ssyncset.done @!p2 $0x0  }
0x62: {  	[sflag:s24] =	ssyncadd.s32 @!p2 $0xFFFFFC00  }
0x63: {  	s29 =	simm.s32 $0x0;
	[bflag:$0x0] =	sbarrier.arrive $0xFFFF  }
0x64: {  	[tilespmem:s29], [sflag:$0x3] =	stream.linear.gather [hbm4b:s5+s29], $0x80, $0x38;
	[tilespmem:$0x1BE80] =	vst v63  }
0x65: {  	_ =	swait.ge [sflag:s12], $0x80  }
0x66: {  	[sflag:s12] =	ssyncset.done $0x0  }
0x67: {  	[sflag:s12] =	ssyncadd.s32 $0xFFFFFF80  }
0x68: {  	[tilespmem:s13], [sflag:$0x3] =	stream.linear.gather [hbm4b:s6+s29], $0x80, $0x38;
	[tilespmem:$0x1BE80] =	vst v63  }
0x69: {  	_ =	swait.ge [sflag:s12], $0x80  }
0x6a: {  	[sflag:s12] =	ssyncset.done $0x0  }
0x6b: {  	s30 =	sadd.s32 $0x0, s9;
	[sflag:s12] =	ssyncadd.s32 $0xFFFFFF80  }
0x6c: {  	[tilespmem:s14], [sflag:$0x1] =	stream.indirect.gather [hbm4b:s4+s13], $0x80, s29, s13, $0xb8;
	[tilespmem:$0x1BE80] =	vst v63  }
0x6d: {  	s31 =	sadd.s32 $0x400, s30  }
0x6e: {  	[tilespmem:s15], [sflag:$0x4] =	stream.linear.gather [hbm4b:s31+s3], $0x80, $0x38;
	[tilespmem:$0x1BE80] =	vst v63  }
0x6f: {  	_ =	swait.ge [sflag:s16], $0x80  }
0x70: {  	[sflag:s16] =	ssyncset.done $0x0  }
0x71: {  	s22 =	sadd.s32 $0x410, s30;
	[sflag:s16] =	ssyncadd.s32 $0xFFFFFF80  }
0x72: {  	[tilespmem:s17], [sflag:$0x4] =	stream.linear.gather [hbm4b:s22+s3], $0x80, $0x38;
	[tilespmem:$0x1BE80] =	vst v63  }
0x73: {  	_ =	swait.ge [sflag:s16], $0x80  }
0x74: {  	[sflag:s16] =	ssyncset.done $0x0  }
0x75: {  	[sflag:s16] =	ssyncadd.s32 $0xFFFFFF80  }
0x76: {  	[tilespmem:s18], [sflag:$0x2] =	stream.indirect.gather [hbm4b:s4+s13], $0x80, s15, s13, $0xb8;
	[tilespmem:$0x1BE80] =	vst v63  }
0x77: {  	_ =	swait.ge [sflag:s19], $0x4000  }
0x78: {  	[sflag:s19] =	ssyncset.done $0x0  }
0x79: {  	[sflag:s19] =	ssyncadd.s32 $0xFFFFC000  }
0x7a: {  	[spmem:s1] =	stream.indirect.scatter.add.f32 [tilespmem:s14], [sflag:$0x4], $0x80, s13, s13, $0xb8;
	[tilespmem:$0x1BE80] =	vst v63  }
0x7b: {  	p1 =	sgt.u32 s10, $0x9C3;
	_ =	swait.ge [sflag:s16], $0x4000  }
0x7c: {  	s25 =	simm.s32 @!p1 $0x0;
	s22 =	sadd.s32 @!p1 $0x0, s9;
	[sflag:s16] =	ssyncset.done $0x0  }
0x7d: {  	s23 =	simm.s32 @!p1 $0x4;
	s24 =	sadd.s32 @!p1 $0x800, s22;
	[sflag:s16] =	ssyncadd.s32 $0xFFFFC000  }
0x7e: {  	[tilespmem:s25], [sflag:$0x4] =	stream.linear.gather @!p1 [hbm4b:s24+s25], $0x80, $0x38;
	[tilespmem:$0x1BE80] =	vst v63  }
0x7f: {  	_ =	swait.ge @!p1 [sflag:s23], $0x80  }
0x80: {  	[sflag:s23] =	ssyncset.done @!p1 $0x0  }
0x81: {  	s22 =	sadd.s32 @!p1 $0x810, s22;
	s24 =	simm.s32 @!p1 $0x80;
	[sflag:s23] =	ssyncadd.s32 @!p1 $0xFFFFFF80  }
0x82: {  	[tilespmem:s24], [sflag:$0x4] =	stream.linear.gather @!p1 [hbm4b:s22+s25], $0x80, $0x38;
	[tilespmem:$0x1BE80] =	vst v63  }
0x83: {  	_ =	swait.ge @!p1 [sflag:s23], $0x80  }
0x84: {  	[sflag:s23] =	ssyncset.done @!p1 $0x0  }
0x85: {  	s22 =	simm.s32 @!p1 $0x100;
	[sflag:s23] =	ssyncadd.s32 @!p1 $0xFFFFFF80  }
0x86: {  	[tilespmem:s22], [sflag:$0x1] =	stream.indirect.gather @!p1 [hbm4b:s4+s24], $0x80, s25, s24, $0xb8;
	[tilespmem:$0x1BE80] =	vst v63  }
0x87: {  	_ =	swait.ge [sflag:s20], $0x4000  }
0x88: {  	[sflag:s20] =	ssyncset.done $0x0  }
0x89: {  	[sflag:s20] =	ssyncadd.s32 $0xFFFFC000  }
0x8a: {  	[spmem:s1] =	stream.indirect.scatter.add.f32 [tilespmem:s18], [sflag:$0x3], $0x80, s17, s13, $0xb8;
	[tilespmem:$0x1BE80] =	vst v63  }
0x8b: {  	s23 =	simm.s32 $0x800;
	s24 =	simm.s32 $0x1000;
	_ =	swait.ge [sflag:s12], $0x4000  }
0x8c: {  	s25 =	sadd.s32 $0x800, s9;
	s22 =	sadd.s32 $0x40, s10;
	[sflag:s12] =	ssyncset.done $0x0  }
.LBB2_4:
0x8d: {  	s26 =	sadd.s32 $0x400, s25  }
0x8e: {  	[sflag:s12] =	ssyncadd.s32 $0xFFFFC000;
	s28 =	smov.u32 s24;
	s24 =	sadd.s32 $0x800, s24  }
0x8f: {  	[tilespmem:s15], [sflag:$0x4] =	stream.linear.gather [hbm4b:s26+s3], $0x80, $0x38;
	[tilespmem:$0x1BE80] =	vst v63  }
0x90: {  	p1 =	sne.s32 s24, $0x13800;
	_ =	swait.ge [sflag:s16], $0x80  }
0x91: {  	[sflag:s16] =	ssyncset.done $0x0  }
0x92: {  	s25 =	sadd.s32 $0x410, s25;
	[sflag:s16] =	ssyncadd.s32 $0xFFFFFF80  }
0x93: {  	[tilespmem:s17], [sflag:$0x4] =	stream.linear.gather [hbm4b:s25+s3], $0x80, $0x38;
	[tilespmem:$0x1BE80] =	vst v63  }
0x94: {  	_ =	swait.ge [sflag:s16], $0x80  }
0x95: {  	[sflag:s16] =	ssyncset.done $0x0  }
0x96: {  	[sflag:s16] =	ssyncadd.s32 $0xFFFFFF80  }
0x97: {  	[tilespmem:s18], [sflag:$0x2] =	stream.indirect.gather [hbm4b:s4+s13], $0x80, s15, s13, $0xb8;
	[tilespmem:$0x1BE80] =	vst v63  }
0x98: {  	_ =	swait.ge [sflag:s19], $0x4000  }
0x99: {  	[sflag:s19] =	ssyncset.done $0x0  }
0x9a: {  	[sflag:s19] =	ssyncadd.s32 $0xFFFFC000  }
0x9b: {  	[spmem:s1] =	stream.indirect.scatter.add.f32 [tilespmem:s14], [sflag:$0x4], $0x80, s13, s13, $0xb8;
	[tilespmem:$0x1BE80] =	vst v63  }
0x9c: {  	p2 =	sgt.u32 s22, $0x9C3;
	_ =	swait.ge [sflag:s16], $0x4000  }
0x9d: {  	s23 =	sadd.s32 @!p2 s23, s9;
	s25 =	simm.s32 @!p2 $0x4;
	[sflag:s16] =	ssyncset.done $0x0  }
0x9e: {  	s29 =	simm.s32 @!p2 $0x0;
	s26 =	sadd.s32 @!p2 $0x800, s23;
	[sflag:s16] =	ssyncadd.s32 $0xFFFFC000  }
0x9f: {  	[tilespmem:s29], [sflag:$0x4] =	stream.linear.gather @!p2 [hbm4b:s26+s29], $0x80, $0x38;
	[tilespmem:$0x1BE80] =	vst v63  }
0xa0: {  	s26 =	sadd.s32 @!p2 $0x810, s23;
	s23 =	smov.u32 s28;
	_ =	swait.ge @!p2 [sflag:s25], $0x80  }
0xa1: {  	[sflag:s25] =	ssyncset.done @!p2 $0x0  }
0xa2: {  	s28 =	simm.s32 @!p2 $0x80;
	[sflag:s25] =	ssyncadd.s32 @!p2 $0xFFFFFF80  }
0xa3: {  	[tilespmem:s28], [sflag:$0x4] =	stream.linear.gather @!p2 [hbm4b:s26+s29], $0x80, $0x38;
	[tilespmem:$0x1BE80] =	vst v63  }
0xa4: {  	_ =	swait.ge @!p2 [sflag:s25], $0x80  }
0xa5: {  	[sflag:s25] =	ssyncset.done @!p2 $0x0  }
0xa6: {  	[sflag:s25] =	ssyncadd.s32 @!p2 $0xFFFFFF80;
	s25 =	simm.s32 @!p2 $0x100  }
0xa7: {  	[tilespmem:s25], [sflag:$0x1] =	stream.indirect.gather @!p2 [hbm4b:s4+s28], $0x80, s29, s28, $0xb8;
	[tilespmem:$0x1BE80] =	vst v63  }
0xa8: {  	_ =	swait.ge [sflag:s20], $0x4000  }
.Ltmp1:
0xa9: {  	[sflag:s20] =	ssyncset.done $0x0;
	(pc) =	sbr.rel @p1 .LBB2_4-.Ltmp1, $4  }
0xaa: {  	[sflag:s20] =	ssyncadd.s32 $0xFFFFC000  }
0xab: {  	[spmem:s1] =	stream.indirect.scatter.add.f32 [tilespmem:s18], [sflag:$0x3], $0x80, s17, s13, $0xb8;
	[tilespmem:$0x1BE80] =	vst v63  }
0xac: {  	_ =	swait.ge [sflag:s12], $0x4000  }
0xad: {  	s22 =	sadd.s32 $0x40, s22;
	s25 =	sadd.s32 s23, s9;
	[sflag:s12] =	ssyncset.done $0x0  }
0xae: {  	s24 =	sadd.s32 $0x400, s25;
	[sflag:s12] =	ssyncadd.s32 $0xFFFFC000  }
0xaf: {  	[tilespmem:s15], [sflag:$0x4] =	stream.linear.gather [hbm4b:s24+s3], $0x80, $0x38;
	[tilespmem:$0x1BE80] =	vst v63  }
0xb0: {  	_ =	swait.ge [sflag:s16], $0x80  }
0xb1: {  	[sflag:s16] =	ssyncset.done $0x0  }
0xb2: {  	s30 =	sadd.s32 $0x410, s25;
	[sflag:s16] =	ssyncadd.s32 $0xFFFFFF80  }
0xb3: {  	[tilespmem:s17], [sflag:$0x4] =	stream.linear.gather [hbm4b:s30+s3], $0x80, $0x38;
	[tilespmem:$0x1BE80] =	vst v63  }
0xb4: {  	_ =	swait.ge [sflag:s16], $0x80  }
0xb5: {  	[sflag:s16] =	ssyncset.done $0x0  }
0xb6: {  	[sflag:s16] =	ssyncadd.s32 $0xFFFFFF80  }
0xb7: {  	[tilespmem:s18], [sflag:$0x2] =	stream.indirect.gather [hbm4b:s4+s13], $0x80, s15, s13, $0xb8;
	[tilespmem:$0x1BE80] =	vst v63  }
0xb8: {  	_ =	swait.ge [sflag:s19], $0x4000  }
0xb9: {  	[sflag:s19] =	ssyncset.done $0x0  }
0xba: {  	[sflag:s19] =	ssyncadd.s32 $0xFFFFC000  }
0xbb: {  	[spmem:s1] =	stream.indirect.scatter.add.f32 [tilespmem:s14], [sflag:$0x4], $0x80, s13, s13, $0xb8;
	[tilespmem:$0x1BE80] =	vst v63  }
0xbc: {  	p1 =	sgt.u32 s22, $0x9C3;
	_ =	swait.ge [sflag:s16], $0x4000  }
0xbd: {  	s22 =	sadd.s32 @!p1 s23, s9;
	s23 =	simm.s32 @!p1 $0x4;
	[sflag:s16] =	ssyncset.done $0x0  }
0xbe: {  	s25 =	simm.s32 @!p1 $0x0;
	s24 =	sadd.s32 @!p1 $0x800, s22;
	[sflag:s16] =	ssyncadd.s32 $0xFFFFC000  }
0xbf: {  	[tilespmem:s25], [sflag:$0x4] =	stream.linear.gather @!p1 [hbm4b:s24+s25], $0x80, $0x38;
	[tilespmem:$0x1BE80] =	vst v63  }
0xc0: {  	_ =	swait.ge @!p1 [sflag:s23], $0x80  }
0xc1: {  	[sflag:s23] =	ssyncset.done @!p1 $0x0  }
0xc2: {  	s22 =	sadd.s32 @!p1 $0x810, s22;
	s24 =	simm.s32 @!p1 $0x80;
	[sflag:s23] =	ssyncadd.s32 @!p1 $0xFFFFFF80  }
0xc3: {  	[tilespmem:s24], [sflag:$0x4] =	stream.linear.gather @!p1 [hbm4b:s22+s25], $0x80, $0x38;
	[tilespmem:$0x1BE80] =	vst v63  }
0xc4: {  	_ =	swait.ge @!p1 [sflag:s23], $0x80  }
0xc5: {  	[sflag:s23] =	ssyncset.done @!p1 $0x0  }
0xc6: {  	s22 =	simm.s32 @!p1 $0x100;
	[sflag:s23] =	ssyncadd.s32 @!p1 $0xFFFFFF80  }
0xc7: {  	[tilespmem:s22], [sflag:$0x1] =	stream.indirect.gather @!p1 [hbm4b:s4+s24], $0x80, s25, s24, $0xb8;
	[tilespmem:$0x1BE80] =	vst v63  }
0xc8: {  	_ =	swait.ge [sflag:s20], $0x4000  }
0xc9: {  	[sflag:s20] =	ssyncset.done $0x0  }
0xca: {  	[sflag:s20] =	ssyncadd.s32 $0xFFFFC000  }
0xcb: {  	[spmem:s1] =	stream.indirect.scatter.add.f32 [tilespmem:s18], [sflag:$0x3], $0x80, s17, s13, $0xb8;
	[tilespmem:$0x1BE80] =	vst v63  }
0xcc: {  	_ =	swait.ge [sflag:s12], $0x4000  }
0xcd: {  	[sflag:s12] =	ssyncset.done $0x0  }
0xce: {  	s22 =	simm.s32 @!p0 $0x1;
	[sflag:s12] =	ssyncadd.s32 $0xFFFFC000  }
0xcf: {  	_ =	swait.ge @!p0 [sflag:s22], $0x4000  }
0xd0: {  	[sflag:s22] =	ssyncset.done @!p0 $0x0  }
0xd1: {  	s23 =	simm.s32 @!p0 $0x100;
	[sflag:s22] =	ssyncadd.s32 @!p0 $0xFFFFC000;
	s22 =	simm.s32 @!p0 $0x80  }
0xd2: {  	[spmem:s1] =	stream.indirect.scatter.add.f32 @!p0 [tilespmem:s23], [sflag:$0x4], $0x80, s22, s22, $0xb8;
	[tilespmem:$0x1BE80] =	vst v63  }
0xd3: {  	s22 =	simm.s32 @!p0 $0x4  }
0xd4: {  	s31 =	sadd.s32 $0x0, s2;
	_ =	swait.ge @!p0 [sflag:s22], $0x4000  }
0xd5: {  	p1 =	sgt.u32 s31, $0x4E1;
	[sflag:s22] =	ssyncset.done @!p0 $0x0  }
0xd6: {  	s25 =	simm.s32 @!p1 $0x3;
	[sflag:s22] =	ssyncadd.s32 @!p0 $0xFFFFC000;
	s22 =	sshll.u32 @!p1 s2, $0x6  }
0xd7: {  	s23 =	sshrl.u32 @!p1 s8, $0x3;
	[bflag:$0x0] =	sbarrier.arrive $0xFFFF;
	s22 =	sor.u32 @!p1 $0x1C03, s22  }
0xd8: {  	[hbm:s11], [sflag:s22] =	dma.local @!p1 [spmem:s23], $0x80  }
0xd9: {  	s26 =	sadd.s32 $0x10, s2;
	s24 =	simm.s32 $0x20;
	_ =	swait.ge @!p1 [sflag:s25], $0x80  }
0xda: {  	s22 =	sadd.s32 $0x4000, s8;
	s23 =	sadd.s32 $0x800, s11;
	[sflag:s25] =	ssyncset.done @!p1 $0x0  }
.LBB2_6:
0xdb: {  	[sflag:s25] =	ssyncadd.s32 @!p1 $0xFFFFFF80  }
0xdc: {  	p1 =	sgt.u32 s26, $0x4E1;
	s26 =	smov.u32 s24;
	s24 =	sadd.s32 $0x10, s24  }
0xdd: {  	p2 =	sne.s32 s24, $0x4F0  }
.Ltmp2:
0xde: {  	s25 =	sshll.u32 @!p1 s2, $0x6;
	s28 =	sshrl.u32 @!p1 s22, $0x3;
	(pc) =	sbr.rel @p2 .LBB2_6-.Ltmp2, $4  }
0xdf: {  	s29 =	sor.u32 @!p1 $0x1C03, s25;
	s25 =	simm.s32 @!p1 $0x3  }
0xe0: {  	[hbm:s23], [sflag:s29] =	dma.local @!p1 [spmem:s28], $0x80  }
0xe1: {  	s22 =	sadd.s32 $0x4000, s22;
	_ =	swait.ge @!p1 [sflag:s25], $0x80  }
0xe2: {  	s26 =	sadd.s32 s26, s2;
	s23 =	sadd.s32 $0x800, s23;
	[sflag:s25] =	ssyncset.done @!p1 $0x0  }
0xe3: {  	p2 =	sgt.u32 s26, $0x4E1;
	[sflag:s25] =	ssyncadd.s32 @!p1 $0xFFFFFF80;
	s21 =	sadd.s32 $0x1, s21  }
0xe4: {  	s24 =	sshll.u32 @!p2 s2, $0x6;
	s22 =	sshrl.u32 @!p2 s22, $0x3;
	p1 =	sne.s32 s21, s7  }
.Ltmp3:
0xe5: {  	s25 =	simm.s32 @!p2 $0x3;
	s24 =	sor.u32 @!p2 $0x1C03, s24;
	(pc) =	sbr.rel @p1 .LBB2_1-.Ltmp3, $4  }
0xe6: {  	[hbm:s23], [sflag:s24] =	dma.local @!p2 [spmem:s22], $0x80  }
0xe7: {  	_ =	swait.ge @!p2 [sflag:s25], $0x80  }
0xe8: {  	[sflag:s25] =	ssyncset.done @!p2 $0x0  }
0xe9: {  	[sflag:s25] =	ssyncadd.s32 @!p2 $0xFFFFFF80  }
0xea: {  	_ =	sfence.sel $0x180000  }
0xeb: {  	[bflag:$0x0] =	sbarrier.arrive $0xFFFF  }
0xec: {  	p0 =	sne.s32 s2, $0x0;
	_ =	strace $0x90000047  }
0xed: {  	s0 =	sadd.s32 @!p0 $0x100000, s0;
	[bflag:$0x2] =	sbarrier.arrive $0xFFFF  }
0xee: {  	[sflag:s0] =	ssyncadd.tile.s32 @!p0 $0x1;
	_ =	shalt  }
.Lfunc_end2:
_tile_overlayer_lowered:
.L_overlay_start_2:
0xef: {  	(tag) =	ssettag $0x2  }
0xf0: {  	s0 =	rddreg [dreg:$0x0];
	s2 =	stileid.u32  }
0xf1: {  	s1 =	rddreg [dreg:$0x1];
	p0 =	sne.s32 s2, $0x0  }
0xf2: {  	s3 =	rddreg [dreg:$0x2];
	[bflag:$0x3] =	sbarrier.arrive $0xFFFF;
	s2 =	simm.s32 @!p0 $0x1C03  }
0xf3: {  	[timem:s3], [sflag:s2] =	dma.local @!p0 [hbm:s0], s1  }
0xf4: {  	s0 =	simm.s32 @!p0 $0x3  }
0xf5: {  	_ =	swait.ge @!p0 [sflag:s0], s1  }
0xf6: {  	s1 =	ssub.s32 @!p0 $0x0, s1;
	[sflag:s0] =	ssyncset.done @!p0 $0x0  }
0xf7: {  	[sflag:s0] =	ssyncadd.s32 @!p0 s1  }
0xf8: {  	[bflag:$0x3] =	sbarrier.arrive $0xFFFF  }
0xf9: {  	_ =	shalt  }

// kernel: kernel.16.cloned.1.call-start
scs
__scs_entry_jumppad:
0x0: {  	(pc) =	sbr.rel $0x88, $3  }
0x1: {  	(tag) =	ssettag $0x0;
	lr =	simm.s32 $0x1  }
0x2: {  	[smem:$0x3F98] =	sst lr;
	_ =	strace $0xD0000000  }
0x3: {  	_ = 	snop  }
0x4: {  	_ = 	snop  }
0x5: {  	_ = 	snop  }
0x6: {  	_ = 	snop  }
0x7: {  	_ = 	snop  }
__scs_overlays_trampoline_lowered:
0x8: {  	[smem:$0x3FA7] =	sst s0  }
0x9: {  	[smem:$0x3FA8] =	sst s1  }
0xa: {  	[smem:$0x3FA9] =	sst s2  }
0xb: {  	[smem:$0x3FAA] =	sst s3  }
0xc: {  	[smem:$0x3FAB] =	sst s4  }
0xd: {  	[smem:$0x3FAC] =	sst s5  }
0xe: {  	[smem:$0x3FAD] =	sst s6  }
0xf: {  	[smem:$0x3FAE] =	sst s7  }
0x10: {  	[smem:$0x3FAF] =	sst s8  }
0x11: {  	[smem:$0x3FB0] =	sst s9;
	s0 =	simm.s32 @!p0 $0x0  }
0x12: {  	s1 =	sld [smem:$0x3F96];
	s0 =	simm.s32 @p0 $0x1  }
0x13: {  	[smem:$0x3FB1] =	sst s0;
	s0 =	simm.s32 @!p1 $0x0  }
0x14: {  	s2 =	sld [smem:$0x3F95];
	s0 =	simm.s32 @p1 $0x1  }
0x15: {  	[smem:$0x3FB2] =	sst s0;
	s0 =	simm.s32 @!p2 $0x0  }
0x16: {  	s3 =	sld [smem:$0x3FDB];
	s0 =	simm.s32 @p2 $0x1  }
0x17: {  	s4 =	simm.s32 $0x1BF5;
	[smem:$0x3FB4] =	sst s0  }
0x18: {  	s0 =	sld [smem:$0x3F97];
	_ =	swait.ge [sflag:s4], $0x0  }
0x19: {  	s7 =	sld [smem:$0x3F98]  }
0x1a: {  	s8 =	sadd.s32 $0xFFFFE003, lr  }
0x1b: {  	s9 =	sadd.s32 $0xFFFFFEF7, lr;
	s5 =	simm.s32 $0xFFFFFFFF;
	p2 =	slt.u32 s8, $0xFFFFF086  }
0x1c: {  	p1 =	slt.u32 s9, $0xF7A;
	s5 =	simm.s32 @!p2 $0x0  }
0x1d: {  	s5 =	simm.s32 @p1 $0x1;
	p0 =	seq.s32 s7, s2  }
0x1e: {  	s7 =	smul.u32 @!p0 $0xF7A, s2;
	p2 =	seq.s32 @!p0 s5, $0x0  }
0x1f: {  	s9 =	smul.u32 $0xF7A, s1;
	s8 =	simm.s32 @!p0 $0x1BF5;
	p2 =	por !p2, p0  }
0x20: {  	[sflag:s8] =	ssyncset.s32 @!p0 $0xFFFFF086;
	s6 =	sadd.s32 @!p0 s3, s7;
	s7 =	simm.s32 @!p0 $0x108  }
0x21: {  	s3 =	sadd.s32 s3, s9;
	s6 =	sadd.s32 @!p0 $0x88, s6;
	s7 =	simm.s32 @p2 $0x1082  }
0x22: {  	[simem:s7], [sflag:s8] =	dma.local @!p0 [hbm:s6], $0xF7A  }
0x23: {  	s9 =	sor.u32 $0xD0000000, s2;
	s6 =	simm.s32 $0x108;
	_ =	swait.ge @!p0 [sflag:s8], $0x0  }
0x24: {  	s3 =	sadd.s32 $0x88, s3;
	s6 =	simm.s32 @!p1 $0x1082;
	[sflag:s4] =	ssyncset.s32 $0xFFFFF086  }
0x25: {  	[simem:s6], [sflag:s4] =	dma.local [hbm:s3], $0xF7A  }
0x26: {  	[smem:$0x3F98] =	sst s1;
	(tag) =	ssettag s2;
	_ =	strace s9  }
0x27: {  	s1 =	sld [smem:$0x3FA8]  }
0x28: {  	s2 =	sld [smem:$0x3FA9]  }
0x29: {  	s4 =	sld [smem:$0x3FAB]  }
0x2a: {  	p0 =	seq.s32 s5, $0x0;
	s5 =	sld [smem:$0x3FAC]  }
0x2b: {  	s6 =	sld [smem:$0x3FAD]  }
0x2c: {  	s7 =	sld [smem:$0x3FAE]  }
0x2d: {  	s3 =	simm.s32 $0x108;
	s8 =	sld [smem:$0x3FAF]  }
0x2e: {  	s3 =	simm.s32 @!p0 $0x1082;
	s9 =	sld [smem:$0x3FB0]  }
0x2f: {  	lr =	sadd.s32 s0, s3;
	s0 =	sld [smem:$0x3FA7]  }
0x30: {  	s3 =	sld [smem:$0x3FAA]  }
0x31: {  	[smem:$0x3FB3] =	sst s10  }
0x32: {  	s10 =	sld [smem:$0x3FB1];
	_ =	sdelay $0x3  }
0x33: {  	p0 =	seq.s32 s10, $0x1;
	s10 =	sld [smem:$0x3FB3];
	_ =	sdelay $0x3  }
0x34: {  	[smem:$0x3FB3] =	sst s10  }
0x35: {  	s10 =	sld [smem:$0x3FB2];
	_ =	sdelay $0x3  }
0x36: {  	p1 =	seq.s32 s10, $0x1;
	s10 =	sld [smem:$0x3FB3];
	_ =	sdelay $0x3  }
0x37: {  	[smem:$0x3FB3] =	sst s10  }
0x38: {  	s10 =	sld [smem:$0x3FB4]  }
0x39: {  	_ = 	snop;
	(pc) =	sbr.ind lr, $3  }
0x3a: {  	_ = 	snop  }
0x3b: {  	_ = 	snop  }
0x3c: {  	p2 =	seq.s32 s10, $0x1;
	s10 =	sld [smem:$0x3FB3]  }
0x3d: {  	_ =	shalt  }
0x3e: {  	_ =	shalt  }
0x3f: {  	_ =	shalt  }
0x40: {  	_ =	shalt  }
0x41: {  	_ =	shalt  }
0x42: {  	_ =	shalt  }
0x43: {  	_ =	shalt  }
0x44: {  	_ =	shalt  }
0x45: {  	_ =	shalt  }
0x46: {  	_ =	shalt  }
0x47: {  	_ =	shalt  }
0x48: {  	_ =	shalt  }
0x49: {  	_ =	shalt  }
0x4a: {  	_ =	shalt  }
0x4b: {  	_ =	shalt  }
0x4c: {  	_ =	shalt  }
0x4d: {  	_ =	shalt  }
0x4e: {  	_ =	shalt  }
0x4f: {  	_ =	shalt  }
0x50: {  	_ =	shalt  }
0x51: {  	_ =	shalt  }
0x52: {  	_ =	shalt  }
0x53: {  	_ =	shalt  }
0x54: {  	_ =	shalt  }
0x55: {  	_ =	shalt  }
0x56: {  	_ =	shalt  }
0x57: {  	_ =	shalt  }
0x58: {  	_ =	shalt  }
0x59: {  	_ =	shalt  }
0x5a: {  	_ =	shalt  }
0x5b: {  	_ =	shalt  }
0x5c: {  	_ =	shalt  }
0x5d: {  	_ =	shalt  }
0x5e: {  	_ =	shalt  }
0x5f: {  	_ =	shalt  }
0x60: {  	_ =	shalt  }
0x61: {  	_ =	shalt  }
0x62: {  	_ =	shalt  }
0x63: {  	_ =	shalt  }
0x64: {  	_ =	shalt  }
0x65: {  	_ =	shalt  }
0x66: {  	_ =	shalt  }
0x67: {  	_ =	shalt  }
0x68: {  	_ =	shalt  }
0x69: {  	_ =	shalt  }
0x6a: {  	_ =	shalt  }
0x6b: {  	_ =	shalt  }
0x6c: {  	_ =	shalt  }
0x6d: {  	_ =	shalt  }
0x6e: {  	_ =	shalt  }
0x6f: {  	_ =	shalt  }
0x70: {  	_ =	shalt  }
0x71: {  	_ =	shalt  }
0x72: {  	_ =	shalt  }
0x73: {  	_ =	shalt  }
0x74: {  	_ =	shalt  }
0x75: {  	_ =	shalt  }
0x76: {  	_ =	shalt  }
0x77: {  	_ =	shalt  }
0x78: {  	_ =	shalt  }
0x79: {  	_ =	shalt  }
0x7a: {  	_ =	shalt  }
0x7b: {  	_ =	shalt  }
0x7c: {  	_ =	shalt  }
0x7d: {  	_ =	shalt  }
0x7e: {  	_ =	shalt  }
0x7f: {  	_ =	shalt  }
0x80: {  	_ =	shalt  }
0x81: {  	_ =	shalt  }
0x82: {  	_ =	shalt  }
0x83: {  	_ =	shalt  }
0x84: {  	_ =	shalt  }
0x85: {  	_ =	shalt  }
0x86: {  	_ =	shalt  }
0x87: {  	_ =	shalt  }
.Lfunc_end0:
.L_simem_size_0:
called_computation.2_lowered:
.L_overlay_start_0:
0x88: {  	s2 =	sld [smem:$0x3FD9]  }
0x89: {  	s3 =	sld [smem:$0x3FFE];
	_ =	sdelay $0x1  }
0x8a: {  	s1 =	srdreg.scid  }
0x8b: {  	s0 =	sand.u32 $0x1, s1  }
0x8c: {  	s17 =	sshll.u32 s0, $0xA;
	s2 =	sadd.s32 s3, s2  }
0x8d: {  	s2 =	sadd.s32 s2, s17  }
0x8e: {  	[smem:$0x3FBF] =	sst s2  }
0x8f: {  	_ = 	snop  }
0x90: {  	s2 =	sld [smem:$0x3FC8];
	(tm) =	ssettm $0x1  }
0x91: {  	s18 =	sld [smem:$0x3FFB];
	_ =	sdelay $0x3  }
0x92: {  	_ =	strace s18  }
0x93: {  	s3 =	sld [smem:$0x3FFC];
	_ =	sdelay $0x3  }
0x94: {  	_ =	strace s3  }
0x95: {  	s3 =	sld [smem:$0x3FFD];
	_ =	sdelay $0x3  }
0x96: {  	_ =	strace s3  }
0x97: {  	_ =	strace $0x8FFFFFFF  }
0x98: {  	s19 =	sld [smem:$0x3FDB];
	_ =	sdelay $0x1  }
0x99: {  	s4 =	simm.s32 $_scs_section_size  }
0x9a: {  	s5 =	simm.s32 $_size__tile_overlayer_lowered;
	s6 =	simm.s32 $_tile_overlayer_lowered  }
0x9b: {  	s22 =	simm.s32 $0x1BFF;
	s21 =	sshll.u32 s6, $0x1;
	s3 =	sadd.s32 s4, s19  }
0x9c: {  	s7 =	simm.s32 $0x0;
	s20 =	sshll.u32 s5, $0x1;
	s5 =	sadd.s32 s21, s3  }
0x9d: {  	[timem:s7], [sflag:s22] =	dma.local [hbm:s5], s20  }
0x9e: {  	_ =	swait.ge [sflag:s22], s20  }
0x9f: {  	s4 =	ssub.s32 $0x0, s20;
	[sflag:s22] =	ssyncset.done $0x0  }
0xa0: {  	[sflag:s22] =	ssyncadd.s32 s4;
	_ =	sdelay $0x1  }
0xa1: {  	s23 =	simm.s32 $0x1B8B  }
0xa2: {  	_ =	swait.ge [sflag:s23], $0x1  }
0xa3: {  	[sflag:s23] =	ssyncset.done $0x0  }
0xa4: {  	s25 =	simm.s32 $0x1B8E;
	s24 =	sld [smem:$0x3FFE];
	[sflag:s23] =	ssyncadd.s32 $0xFFFFFFFF  }
0xa5: {  	s26 =	simm.s32 $execute0_lowered;
	[smem:$0x3FD2] =	sst s25  }
0xa6: {  	s5 =	sshll.u32 s26, $0x1;
	_ =	strace $0x8000004C;
	[dreg:$0x1] =	wrdreg $0xFFFFFFFF  }
0xa7: {  	s28 =	simm.s32 $_size_execute0_lowered;
	s3 =	sadd.s32 s3, s5;
	[dreg:$0x0] =	wrdreg $0x0  }
0xa8: {  	s5 =	sshll.u32 s28, $0x1;
	[dreg:$0x2] =	wrdreg s3  }
0xa9: {  	[dreg:$0x3] =	wrdreg s5  }
0xaa: {  	[dreg:$0x4] =	wrdreg $0xC0  }
0xab: {  	_ =	task [dreg:s7], $0x5FFFF  }
0xac: {  	[dreg:$0x1] =	wrdreg $0xFFFFFFFF  }
0xad: {  	[dreg:$0x0] =	wrdreg $0x60  }
0xae: {  	[dreg:$0x2] =	wrdreg s24  }
0xaf: {  	[dreg:$0x3] =	wrdreg s2  }
0xb0: {  	[dreg:$0x4] =	wrdreg $0x86000  }
0xb1: {  	[dreg:$0x5] =	wrdreg $0x9  }
0xb2: {  	_ =	task.clear_ibuf [dreg:s7], $0x6FFFF;
	_ =	strace $0x9000004C  }
0xb3: {  	s29 =	simm.s32 $0x9;
	_ =	strace $0x8000004E  }
0xb4: {  	_ =	swait.ge [sflag:s29], $0x1  }
0xb5: {  	[sflag:s29] =	ssyncadd.s32 $0xFFFFFFFF  }
0xb6: {  	_ =	strace $0x9000004E  }
0xb7: {  	_ =	sfence  }
0xb8: {  	s30 =	sld [smem:$0x0];
	_ =	sdelay $0x2  }
0xb9: {  	s31 =	sshll.u32 s1, $0xD;
	s1 =	sshrl.u32 s1, $0x2  }
0xba: {  	s3 =	sand.u32 $0x4000, s31;
	s1 =	sadd.s32 s1, s30  }
0xbb: {  	s0 =	sor.u32 s3, s0;
	s1 =	sshll.u32 s1, $0x11  }
0xbc: {  	s0 =	sor.u32 s1, s0  }
0xbd: {  	s0 =	sadd.s32 $0x8F2B, s0  }
0xbe: {  	[sflag:s0] =	ssyncadd.remote.s32 $0x1  }
0xbf: {  	_ =	sfence.sel $0xFFFF  }
0xc0: {  	[dreg:$0x0] =	wrdreg $0xFFFFFFFF;
	(pc) =	sbr.abs _section_cstart, $3  }
0xc1: {  	[dreg:$0x1] =	wrdreg $0xFFFFFFFF  }
0xc2: {  	_ =	task.clear_ibuf [dreg:s7], $0x2FFFF;
	_ =	strace $0x9FFFFFFF  }
0xc3: {  	(tm) =	ssettm $0x7FFFFFFF  }
tec
execute0_lowered:
.L_overlay_start_1:
0x0: {  	(tag) =	ssettag $0x1  }
0x1: {  	s5 =	rddreg [dreg:$0x0]  }
0x2: {  	s8 =	rddreg [dreg:$0x1]  }
0x3: {  	s1 =	rddreg [dreg:$0x2]  }
0x4: {  	s0 =	rddreg [dreg:$0x3]  }
0x5: {  	s3 =	simm.s32 $0x0;
	s2 =	srdreg.scid;
	s14 =	simm.s32 $0x100  }
0x6: {  	s15 =	simm.s32 $0x4100;
	s16 =	simm.s32 $0x4;
	s17 =	simm.s32 $0x4180  }
0x7: {  	s18 =	simm.s32 $0x4200;
	s19 =	simm.s32 $0x1;
	s20 =	simm.s32 $0x2  }
0x8: {  	s21 =	simm.s32 $0x0;
	[smem:$0x7FF] =	sst s3;
	s9 =	sand.u32 $0x1, s2  }
0x9: {  	s2 =	stileid.u32;
	s4 =	sadd.s32 $0x3200, s5;
	s6 =	smul.u32 $0x138800, s9  }
0xa: {  	_ =	strace $0x8000004D;
	s10 =	sshll.u32 s2, $0xA;
	s7 =	sshll.u32 s2, $0x1  }
0xb: {  	s29 =	ssub.s32 $0x2, s9;
	s31 =	sshll.u32 s2, $0x6;
	p0 =	sgt.u32 s2, $0x1  }
0xc: {  	s11 =	sor.u32 s9, s7;
	s30 =	sshrl.u32 s29, $0x1;
	s6 =	sadd.s32 s10, s6  }
0xd: {  	s9 =	sshll.u32 s9, $0x5;
	s7 =	ssub.s32 s29, s30;
	s6 =	sshrl.u32 s6, $0x3  }
0xe: {  	s12 =	sshll.u32 s11, $0x5;
	s7 =	smax.u32 s7, $0x1;
	s13 =	sadd.s32 s6, s5  }
0xf: {  	s5 =	sadd.s32 s8, s12;
	s12 =	sadd.s32 s31, s8;
	s8 =	sadd.s32 s10, s1  }
0x10: {  	s10 =	sor.u32 $0x40, s11;
	s6 =	sadd.s32 $0x10, s5;
	s9 =	sadd.s32 s9, s12  }
0x11: {  	v0 =	vimm.f32 $0.0e+00;
	s11 =	sadd.s32 $0x2A400, s13;
	s12 =	simm.s32 $0x3;
	s13 =	simm.s32 $0x80  }
.LBB2_1:
0x12: {  	[tilespmem:$0x8200] =	vst v0  }
0x13: {  	[tilespmem:$0x8210] =	vst v0  }
0x14: {  	[tilespmem:$0x8220] =	vst v0  }
0x15: {  	[tilespmem:$0x8230] =	vst v0  }
0x16: {  	[tilespmem:$0x8240] =	vst v0  }
0x17: {  	[tilespmem:$0x8250] =	vst v0  }
0x18: {  	[tilespmem:$0x8260] =	vst v0  }
0x19: {  	[tilespmem:$0x8270] =	vst v0  }
0x1a: {  	[tilespmem:$0x8280] =	vst v0  }
0x1b: {  	[tilespmem:$0x8290] =	vst v0  }
0x1c: {  	[tilespmem:$0x82A0] =	vst v0  }
0x1d: {  	[tilespmem:$0x82B0] =	vst v0  }
0x1e: {  	[tilespmem:$0x82C0] =	vst v0  }
0x1f: {  	[tilespmem:$0x82D0] =	vst v0  }
0x20: {  	[tilespmem:$0x82E0] =	vst v0  }
0x21: {  	[tilespmem:$0x82F0] =	vst v0  }
0x22: {  	[tilespmem:$0x8300] =	vst v0  }
0x23: {  	[tilespmem:$0x8310] =	vst v0  }
0x24: {  	[tilespmem:$0x8320] =	vst v0  }
0x25: {  	[tilespmem:$0x8330] =	vst v0  }
0x26: {  	[tilespmem:$0x8340] =	vst v0  }
0x27: {  	[tilespmem:$0x8350] =	vst v0  }
0x28: {  	[tilespmem:$0x8360] =	vst v0  }
0x29: {  	[tilespmem:$0x8370] =	vst v0  }
0x2a: {  	[tilespmem:$0x8380] =	vst v0  }
0x2b: {  	[tilespmem:$0x8390] =	vst v0  }
0x2c: {  	[tilespmem:$0x83A0] =	vst v0  }
0x2d: {  	[tilespmem:$0x83B0] =	vst v0  }
0x2e: {  	[tilespmem:$0x83C0] =	vst v0  }
0x2f: {  	[tilespmem:$0x83D0] =	vst v0  }
0x30: {  	[tilespmem:$0x83E0] =	vst v0  }
0x31: {  	[tilespmem:$0x83F0] =	vst v0  }
0x32: {  	[tilespmem:$0x8400] =	vst v0  }
0x33: {  	[tilespmem:$0x8410] =	vst v0  }
0x34: {  	[tilespmem:$0x8420] =	vst v0  }
0x35: {  	[tilespmem:$0x8430] =	vst v0  }
0x36: {  	[tilespmem:$0x8440] =	vst v0  }
0x37: {  	[tilespmem:$0x8450] =	vst v0  }
0x38: {  	[tilespmem:$0x8460] =	vst v0  }
0x39: {  	[tilespmem:$0x8470] =	vst v0  }
0x3a: {  	[tilespmem:$0x8480] =	vst v0  }
0x3b: {  	[tilespmem:$0x8490] =	vst v0  }
0x3c: {  	[tilespmem:$0x84A0] =	vst v0  }
0x3d: {  	[tilespmem:$0x84B0] =	vst v0  }
0x3e: {  	[tilespmem:$0x84C0] =	vst v0  }
0x3f: {  	[tilespmem:$0x84D0] =	vst v0  }
0x40: {  	[tilespmem:$0x84E0] =	vst v0  }
0x41: {  	[tilespmem:$0x84F0] =	vst v0  }
0x42: {  	[tilespmem:$0x8500] =	vst v0  }
0x43: {  	[tilespmem:$0x8510] =	vst v0  }
0x44: {  	[tilespmem:$0x8520] =	vst v0  }
0x45: {  	[tilespmem:$0x8530] =	vst v0  }
0x46: {  	[tilespmem:$0x8540] =	vst v0  }
0x47: {  	[tilespmem:$0x8550] =	vst v0  }
0x48: {  	[tilespmem:$0x8560] =	vst v0  }
0x49: {  	[tilespmem:$0x8570] =	vst v0  }
0x4a: {  	[tilespmem:$0x8580] =	vst v0  }
0x4b: {  	[tilespmem:$0x8590] =	vst v0  }
0x4c: {  	[tilespmem:$0x85A0] =	vst v0  }
0x4d: {  	[tilespmem:$0x85B0] =	vst v0  }
0x4e: {  	[tilespmem:$0x85C0] =	vst v0  }
0x4f: {  	[tilespmem:$0x85D0] =	vst v0;
	s22 =	sadd.s32 $0x0, s2  }
0x50: {  	[tilespmem:$0x85E0] =	vst v0;
	p1 =	sgt.u32 s22, $0x4E1  }
0x51: {  	[tilespmem:$0x85F0] =	vst v0;
	s22 =	simm.s32 @!p1 $0x8200;
	s25 =	simm.s32 @!p1 $0x3  }
0x52: {  	[spmem:s8] =	stream.linear.scatter @!p1 [tilespmem:s22], [sflag:$0x3], $0x400, $0x38;
	[tilespmem:$0x1BE80] =	vst v63  }
0x53: {  	s23 =	simm.s32 $0x10;
	_ =	swait.ge @!p1 [sflag:s25], $0x400  }
0x54: {  	s24 =	simm.s32 $0x20;
	s22 =	sadd.s32 $0x4000, s8;
	[sflag:s25] =	ssyncset.done @!p1 $0x0  }
.LBB2_2:
0x55: {  	s26 =	sadd.s32 s23, s2;
	s23 =	smov.u32 s24;
	s24 =	sadd.s32 $0x10, s24  }
0x56: {  	[sflag:s25] =	ssyncadd.s32 @!p1 $0xFFFFFC00;
	p2 =	sne.s32 s24, $0x4F0  }
.Ltmp0:
0x57: {  	p1 =	sgt.u32 s26, $0x4E1;
	(pc) =	sbr.rel @p2 .LBB2_2-.Ltmp0, $4  }
0x58: {  	s26 =	simm.s32 @!p1 $0x8200;
	s25 =	simm.s32 @!p1 $0x3  }
0x59: {  	[spmem:s22] =	stream.linear.scatter @!p1 [tilespmem:s26], [sflag:$0x3], $0x400, $0x38;
	[tilespmem:$0x1BE80] =	vst v63  }
0x5a: {  	_ =	swait.ge @!p1 [sflag:s25], $0x400  }
0x5b: {  	s22 =	sadd.s32 $0x4000, s22;
	[sflag:s25] =	ssyncset.done @!p1 $0x0  }
0x5c: {  	s23 =	sadd.s32 s23, s2  }
0x5d: {  	p2 =	sgt.u32 s23, $0x4E1  }
0x5e: {  	[sflag:s25] =	ssyncadd.s32 @!p1 $0xFFFFFC00;
	s23 =	simm.s32 @!p2 $0x8200;
	s24 =	simm.s32 @!p2 $0x3  }
0x5f: {  	[spmem:s22] =	stream.linear.scatter @!p2 [tilespmem:s23], [sflag:$0x3], $0x400, $0x38;
	[tilespmem:$0x1BE80] =	vst v63  }
0x60: {  	_ =	swait.ge @!p2 [sflag:s24], $0x400  }
0x61: {  	[sflag:s24] =	ssyncset.done @!p2 $0x0  }
0x62: {  	[sflag:s24] =	ssyncadd.s32 @!p2 $0xFFFFFC00  }
0x63: {  	s29 =	simm.s32 $0x0;
	[bflag:$0x0] =	sbarrier.arrive $0xFFFF  }
0x64: {  	[tilespmem:s29], [sflag:$0x3] =	stream.linear.gather [hbm4b:s5+s29], $0x80, $0x38;
	[tilespmem:$0x1BE80] =	vst v63  }
0x65: {  	_ =	swait.ge [sflag:s12], $0x80  }
0x66: {  	[sflag:s12] =	ssyncset.done $0x0  }
0x67: {  	[sflag:s12] =	ssyncadd.s32 $0xFFFFFF80  }
0x68: {  	[tilespmem:s13], [sflag:$0x3] =	stream.linear.gather [hbm4b:s6+s29], $0x80, $0x38;
	[tilespmem:$0x1BE80] =	vst v63  }
0x69: {  	_ =	swait.ge [sflag:s12], $0x80  }
0x6a: {  	[sflag:s12] =	ssyncset.done $0x0  }
0x6b: {  	s30 =	sadd.s32 $0x0, s9;
	[sflag:s12] =	ssyncadd.s32 $0xFFFFFF80  }
0x6c: {  	[tilespmem:s14], [sflag:$0x1] =	stream.indirect.gather [hbm4b:s4+s13], $0x80, s29, s13, $0xb8;
	[tilespmem:$0x1BE80] =	vst v63  }
0x6d: {  	s31 =	sadd.s32 $0x400, s30  }
0x6e: {  	[tilespmem:s15], [sflag:$0x4] =	stream.linear.gather [hbm4b:s31+s3], $0x80, $0x38;
	[tilespmem:$0x1BE80] =	vst v63  }
0x6f: {  	_ =	swait.ge [sflag:s16], $0x80  }
0x70: {  	[sflag:s16] =	ssyncset.done $0x0  }
0x71: {  	s22 =	sadd.s32 $0x410, s30;
	[sflag:s16] =	ssyncadd.s32 $0xFFFFFF80  }
0x72: {  	[tilespmem:s17], [sflag:$0x4] =	stream.linear.gather [hbm4b:s22+s3], $0x80, $0x38;
	[tilespmem:$0x1BE80] =	vst v63  }
0x73: {  	_ =	swait.ge [sflag:s16], $0x80  }
0x74: {  	[sflag:s16] =	ssyncset.done $0x0  }
0x75: {  	[sflag:s16] =	ssyncadd.s32 $0xFFFFFF80  }
0x76: {  	[tilespmem:s18], [sflag:$0x2] =	stream.indirect.gather [hbm4b:s4+s13], $0x80, s15, s13, $0xb8;
	[tilespmem:$0x1BE80] =	vst v63  }
0x77: {  	_ =	swait.ge [sflag:s19], $0x4000  }
0x78: {  	[sflag:s19] =	ssyncset.done $0x0  }
0x79: {  	[sflag:s19] =	ssyncadd.s32 $0xFFFFC000  }
0x7a: {  	[spmem:s1] =	stream.indirect.scatter.add.f32 [tilespmem:s14], [sflag:$0x4], $0x80, s13, s13, $0xb8;
	[tilespmem:$0x1BE80] =	vst v63  }
0x7b: {  	p1 =	sgt.u32 s10, $0x9C3;
	_ =	swait.ge [sflag:s16], $0x4000  }
0x7c: {  	s25 =	simm.s32 @!p1 $0x0;
	s22 =	sadd.s32 @!p1 $0x0, s9;
	[sflag:s16] =	ssyncset.done $0x0  }
0x7d: {  	s23 =	simm.s32 @!p1 $0x4;
	s24 =	sadd.s32 @!p1 $0x800, s22;
	[sflag:s16] =	ssyncadd.s32 $0xFFFFC000  }
0x7e: {  	[tilespmem:s25], [sflag:$0x4] =	stream.linear.gather @!p1 [hbm4b:s24+s25], $0x80, $0x38;
	[tilespmem:$0x1BE80] =	vst v63  }
0x7f: {  	_ =	swait.ge @!p1 [sflag:s23], $0x80  }
0x80: {  	[sflag:s23] =	ssyncset.done @!p1 $0x0  }
0x81: {  	s22 =	sadd.s32 @!p1 $0x810, s22;
	s24 =	simm.s32 @!p1 $0x80;
	[sflag:s23] =	ssyncadd.s32 @!p1 $0xFFFFFF80  }
0x82: {  	[tilespmem:s24], [sflag:$0x4] =	stream.linear.gather @!p1 [hbm4b:s22+s25], $0x80, $0x38;
	[tilespmem:$0x1BE80] =	vst v63  }
0x83: {  	_ =	swait.ge @!p1 [sflag:s23], $0x80  }
0x84: {  	[sflag:s23] =	ssyncset.done @!p1 $0x0  }
0x85: {  	s22 =	simm.s32 @!p1 $0x100;
	[sflag:s23] =	ssyncadd.s32 @!p1 $0xFFFFFF80  }
0x86: {  	[tilespmem:s22], [sflag:$0x1] =	stream.indirect.gather @!p1 [hbm4b:s4+s24], $0x80, s25, s24, $0xb8;
	[tilespmem:$0x1BE80] =	vst v63  }
0x87: {  	_ =	swait.ge [sflag:s20], $0x4000  }
0x88: {  	[sflag:s20] =	ssyncset.done $0x0  }
0x89: {  	[sflag:s20] =	ssyncadd.s32 $0xFFFFC000  }
0x8a: {  	[spmem:s1] =	stream.indirect.scatter.add.f32 [tilespmem:s18], [sflag:$0x3], $0x80, s17, s13, $0xb8;
	[tilespmem:$0x1BE80] =	vst v63  }
0x8b: {  	s23 =	simm.s32 $0x800;
	s24 =	simm.s32 $0x1000;
	_ =	swait.ge [sflag:s12], $0x4000  }
0x8c: {  	s25 =	sadd.s32 $0x800, s9;
	s22 =	sadd.s32 $0x40, s10;
	[sflag:s12] =	ssyncset.done $0x0  }
.LBB2_4:
0x8d: {  	s26 =	sadd.s32 $0x400, s25  }
0x8e: {  	[sflag:s12] =	ssyncadd.s32 $0xFFFFC000;
	s28 =	smov.u32 s24;
	s24 =	sadd.s32 $0x800, s24  }
0x8f: {  	[tilespmem:s15], [sflag:$0x4] =	stream.linear.gather [hbm4b:s26+s3], $0x80, $0x38;
	[tilespmem:$0x1BE80] =	vst v63  }
0x90: {  	p1 =	sne.s32 s24, $0x13800;
	_ =	swait.ge [sflag:s16], $0x80  }
0x91: {  	[sflag:s16] =	ssyncset.done $0x0  }
0x92: {  	s25 =	sadd.s32 $0x410, s25;
	[sflag:s16] =	ssyncadd.s32 $0xFFFFFF80  }
0x93: {  	[tilespmem:s17], [sflag:$0x4] =	stream.linear.gather [hbm4b:s25+s3], $0x80, $0x38;
	[tilespmem:$0x1BE80] =	vst v63  }
0x94: {  	_ =	swait.ge [sflag:s16], $0x80  }
0x95: {  	[sflag:s16] =	ssyncset.done $0x0  }
0x96: {  	[sflag:s16] =	ssyncadd.s32 $0xFFFFFF80  }
0x97: {  	[tilespmem:s18], [sflag:$0x2] =	stream.indirect.gather [hbm4b:s4+s13], $0x80, s15, s13, $0xb8;
	[tilespmem:$0x1BE80] =	vst v63  }
0x98: {  	_ =	swait.ge [sflag:s19], $0x4000  }
0x99: {  	[sflag:s19] =	ssyncset.done $0x0  }
0x9a: {  	[sflag:s19] =	ssyncadd.s32 $0xFFFFC000  }
0x9b: {  	[spmem:s1] =	stream.indirect.scatter.add.f32 [tilespmem:s14], [sflag:$0x4], $0x80, s13, s13, $0xb8;
	[tilespmem:$0x1BE80] =	vst v63  }
0x9c: {  	p2 =	sgt.u32 s22, $0x9C3;
	_ =	swait.ge [sflag:s16], $0x4000  }
0x9d: {  	s23 =	sadd.s32 @!p2 s23, s9;
	s25 =	simm.s32 @!p2 $0x4;
	[sflag:s16] =	ssyncset.done $0x0  }
0x9e: {  	s29 =	simm.s32 @!p2 $0x0;
	s26 =	sadd.s32 @!p2 $0x800, s23;
	[sflag:s16] =	ssyncadd.s32 $0xFFFFC000  }
0x9f: {  	[tilespmem:s29], [sflag:$0x4] =	stream.linear.gather @!p2 [hbm4b:s26+s29], $0x80, $0x38;
	[tilespmem:$0x1BE80] =	vst v63  }
0xa0: {  	s26 =	sadd.s32 @!p2 $0x810, s23;
	s23 =	smov.u32 s28;
	_ =	swait.ge @!p2 [sflag:s25], $0x80  }
0xa1: {  	[sflag:s25] =	ssyncset.done @!p2 $0x0  }
0xa2: {  	s28 =	simm.s32 @!p2 $0x80;
	[sflag:s25] =	ssyncadd.s32 @!p2 $0xFFFFFF80  }
0xa3: {  	[tilespmem:s28], [sflag:$0x4] =	stream.linear.gather @!p2 [hbm4b:s26+s29], $0x80, $0x38;
	[tilespmem:$0x1BE80] =	vst v63  }
0xa4: {  	_ =	swait.ge @!p2 [sflag:s25], $0x80  }
0xa5: {  	[sflag:s25] =	ssyncset.done @!p2 $0x0  }
0xa6: {  	[sflag:s25] =	ssyncadd.s32 @!p2 $0xFFFFFF80;
	s25 =	simm.s32 @!p2 $0x100  }
0xa7: {  	[tilespmem:s25], [sflag:$0x1] =	stream.indirect.gather @!p2 [hbm4b:s4+s28], $0x80, s29, s28, $0xb8;
	[tilespmem:$0x1BE80] =	vst v63  }
0xa8: {  	_ =	swait.ge [sflag:s20], $0x4000  }
.Ltmp1:
0xa9: {  	[sflag:s20] =	ssyncset.done $0x0;
	(pc) =	sbr.rel @p1 .LBB2_4-.Ltmp1, $4  }
0xaa: {  	[sflag:s20] =	ssyncadd.s32 $0xFFFFC000  }
0xab: {  	[spmem:s1] =	stream.indirect.scatter.add.f32 [tilespmem:s18], [sflag:$0x3], $0x80, s17, s13, $0xb8;
	[tilespmem:$0x1BE80] =	vst v63  }
0xac: {  	_ =	swait.ge [sflag:s12], $0x4000  }
0xad: {  	s22 =	sadd.s32 $0x40, s22;
	s25 =	sadd.s32 s23, s9;
	[sflag:s12] =	ssyncset.done $0x0  }
0xae: {  	s24 =	sadd.s32 $0x400, s25;
	[sflag:s12] =	ssyncadd.s32 $0xFFFFC000  }
0xaf: {  	[tilespmem:s15], [sflag:$0x4] =	stream.linear.gather [hbm4b:s24+s3], $0x80, $0x38;
	[tilespmem:$0x1BE80] =	vst v63  }
0xb0: {  	_ =	swait.ge [sflag:s16], $0x80  }
0xb1: {  	[sflag:s16] =	ssyncset.done $0x0  }
0xb2: {  	s30 =	sadd.s32 $0x410, s25;
	[sflag:s16] =	ssyncadd.s32 $0xFFFFFF80  }
0xb3: {  	[tilespmem:s17], [sflag:$0x4] =	stream.linear.gather [hbm4b:s30+s3], $0x80, $0x38;
	[tilespmem:$0x1BE80] =	vst v63  }
0xb4: {  	_ =	swait.ge [sflag:s16], $0x80  }
0xb5: {  	[sflag:s16] =	ssyncset.done $0x0  }
0xb6: {  	[sflag:s16] =	ssyncadd.s32 $0xFFFFFF80  }
0xb7: {  	[tilespmem:s18], [sflag:$0x2] =	stream.indirect.gather [hbm4b:s4+s13], $0x80, s15, s13, $0xb8;
	[tilespmem:$0x1BE80] =	vst v63  }
0xb8: {  	_ =	swait.ge [sflag:s19], $0x4000  }
0xb9: {  	[sflag:s19] =	ssyncset.done $0x0  }
0xba: {  	[sflag:s19] =	ssyncadd.s32 $0xFFFFC000  }
0xbb: {  	[spmem:s1] =	stream.indirect.scatter.add.f32 [tilespmem:s14], [sflag:$0x4], $0x80, s13, s13, $0xb8;
	[tilespmem:$0x1BE80] =	vst v63  }
0xbc: {  	p1 =	sgt.u32 s22, $0x9C3;
	_ =	swait.ge [sflag:s16], $0x4000  }
0xbd: {  	s22 =	sadd.s32 @!p1 s23, s9;
	s23 =	simm.s32 @!p1 $0x4;
	[sflag:s16] =	ssyncset.done $0x0  }
0xbe: {  	s25 =	simm.s32 @!p1 $0x0;
	s24 =	sadd.s32 @!p1 $0x800, s22;
	[sflag:s16] =	ssyncadd.s32 $0xFFFFC000  }
0xbf: {  	[tilespmem:s25], [sflag:$0x4] =	stream.linear.gather @!p1 [hbm4b:s24+s25], $0x80, $0x38;
	[tilespmem:$0x1BE80] =	vst v63  }
0xc0: {  	_ =	swait.ge @!p1 [sflag:s23], $0x80  }
0xc1: {  	[sflag:s23] =	ssyncset.done @!p1 $0x0  }
0xc2: {  	s22 =	sadd.s32 @!p1 $0x810, s22;
	s24 =	simm.s32 @!p1 $0x80;
	[sflag:s23] =	ssyncadd.s32 @!p1 $0xFFFFFF80  }
0xc3: {  	[tilespmem:s24], [sflag:$0x4] =	stream.linear.gather @!p1 [hbm4b:s22+s25], $0x80, $0x38;
	[tilespmem:$0x1BE80] =	vst v63  }
0xc4: {  	_ =	swait.ge @!p1 [sflag:s23], $0x80  }
0xc5: {  	[sflag:s23] =	ssyncset.done @!p1 $0x0  }
0xc6: {  	s22 =	simm.s32 @!p1 $0x100;
	[sflag:s23] =	ssyncadd.s32 @!p1 $0xFFFFFF80  }
0xc7: {  	[tilespmem:s22], [sflag:$0x1] =	stream.indirect.gather @!p1 [hbm4b:s4+s24], $0x80, s25, s24, $0xb8;
	[tilespmem:$0x1BE80] =	vst v63  }
0xc8: {  	_ =	swait.ge [sflag:s20], $0x4000  }
0xc9: {  	[sflag:s20] =	ssyncset.done $0x0  }
0xca: {  	[sflag:s20] =	ssyncadd.s32 $0xFFFFC000  }
0xcb: {  	[spmem:s1] =	stream.indirect.scatter.add.f32 [tilespmem:s18], [sflag:$0x3], $0x80, s17, s13, $0xb8;
	[tilespmem:$0x1BE80] =	vst v63  }
0xcc: {  	_ =	swait.ge [sflag:s12], $0x4000  }
0xcd: {  	[sflag:s12] =	ssyncset.done $0x0  }
0xce: {  	s22 =	simm.s32 @!p0 $0x1;
	[sflag:s12] =	ssyncadd.s32 $0xFFFFC000  }
0xcf: {  	_ =	swait.ge @!p0 [sflag:s22], $0x4000  }
0xd0: {  	[sflag:s22] =	ssyncset.done @!p0 $0x0  }
0xd1: {  	s23 =	simm.s32 @!p0 $0x100;
	[sflag:s22] =	ssyncadd.s32 @!p0 $0xFFFFC000;
	s22 =	simm.s32 @!p0 $0x80  }
0xd2: {  	[spmem:s1] =	stream.indirect.scatter.add.f32 @!p0 [tilespmem:s23], [sflag:$0x4], $0x80, s22, s22, $0xb8;
	[tilespmem:$0x1BE80] =	vst v63  }
0xd3: {  	s22 =	simm.s32 @!p0 $0x4  }
0xd4: {  	s31 =	sadd.s32 $0x0, s2;
	_ =	swait.ge @!p0 [sflag:s22], $0x4000  }
0xd5: {  	p1 =	sgt.u32 s31, $0x4E1;
	[sflag:s22] =	ssyncset.done @!p0 $0x0  }
0xd6: {  	s25 =	simm.s32 @!p1 $0x3;
	[sflag:s22] =	ssyncadd.s32 @!p0 $0xFFFFC000;
	s22 =	sshll.u32 @!p1 s2, $0x6  }
0xd7: {  	s23 =	sshrl.u32 @!p1 s8, $0x3;
	[bflag:$0x0] =	sbarrier.arrive $0xFFFF;
	s22 =	sor.u32 @!p1 $0x1C03, s22  }
0xd8: {  	[hbm:s11], [sflag:s22] =	dma.local @!p1 [spmem:s23], $0x80  }
0xd9: {  	s26 =	sadd.s32 $0x10, s2;
	s24 =	simm.s32 $0x20;
	_ =	swait.ge @!p1 [sflag:s25], $0x80  }
0xda: {  	s22 =	sadd.s32 $0x4000, s8;
	s23 =	sadd.s32 $0x800, s11;
	[sflag:s25] =	ssyncset.done @!p1 $0x0  }
.LBB2_6:
0xdb: {  	[sflag:s25] =	ssyncadd.s32 @!p1 $0xFFFFFF80  }
0xdc: {  	p1 =	sgt.u32 s26, $0x4E1;
	s26 =	smov.u32 s24;
	s24 =	sadd.s32 $0x10, s24  }
0xdd: {  	p2 =	sne.s32 s24, $0x4F0  }
.Ltmp2:
0xde: {  	s25 =	sshll.u32 @!p1 s2, $0x6;
	s28 =	sshrl.u32 @!p1 s22, $0x3;
	(pc) =	sbr.rel @p2 .LBB2_6-.Ltmp2, $4  }
0xdf: {  	s29 =	sor.u32 @!p1 $0x1C03, s25;
	s25 =	simm.s32 @!p1 $0x3  }
0xe0: {  	[hbm:s23], [sflag:s29] =	dma.local @!p1 [spmem:s28], $0x80  }
0xe1: {  	s22 =	sadd.s32 $0x4000, s22;
	_ =	swait.ge @!p1 [sflag:s25], $0x80  }
0xe2: {  	s26 =	sadd.s32 s26, s2;
	s23 =	sadd.s32 $0x800, s23;
	[sflag:s25] =	ssyncset.done @!p1 $0x0  }
0xe3: {  	p2 =	sgt.u32 s26, $0x4E1;
	[sflag:s25] =	ssyncadd.s32 @!p1 $0xFFFFFF80;
	s21 =	sadd.s32 $0x1, s21  }
0xe4: {  	s24 =	sshll.u32 @!p2 s2, $0x6;
	s22 =	sshrl.u32 @!p2 s22, $0x3;
	p1 =	sne.s32 s21, s7  }
.Ltmp3:
0xe5: {  	s25 =	simm.s32 @!p2 $0x3;
	s24 =	sor.u32 @!p2 $0x1C03, s24;
	(pc) =	sbr.rel @p1 .LBB2_1-.Ltmp3, $4  }
0xe6: {  	[hbm:s23], [sflag:s24] =	dma.local @!p2 [spmem:s22], $0x80  }
0xe7: {  	_ =	swait.ge @!p2 [sflag:s25], $0x80  }
0xe8: {  	[sflag:s25] =	ssyncset.done @!p2 $0x0  }
0xe9: {  	[sflag:s25] =	ssyncadd.s32 @!p2 $0xFFFFFF80  }
0xea: {  	_ =	sfence.sel $0x180000  }
0xeb: {  	[bflag:$0x0] =	sbarrier.arrive $0xFFFF  }
0xec: {  	p0 =	sne.s32 s2, $0x0;
	_ =	strace $0x9000004D  }
0xed: {  	s0 =	sadd.s32 @!p0 $0x100000, s0;
	[bflag:$0x2] =	sbarrier.arrive $0xFFFF  }
0xee: {  	[sflag:s0] =	ssyncadd.tile.s32 @!p0 $0x1;
	_ =	shalt  }
.Lfunc_end2:
_tile_overlayer_lowered:
.L_overlay_start_2:
0xef: {  	(tag) =	ssettag $0x2  }
0xf0: {  	s0 =	rddreg [dreg:$0x0];
	s2 =	stileid.u32  }
0xf1: {  	s1 =	rddreg [dreg:$0x1];
	p0 =	sne.s32 s2, $0x0  }
0xf2: {  	s3 =	rddreg [dreg:$0x2];
	[bflag:$0x3] =	sbarrier.arrive $0xFFFF;
	s2 =	simm.s32 @!p0 $0x1C03  }
0xf3: {  	[timem:s3], [sflag:s2] =	dma.local @!p0 [hbm:s0], s1  }
0xf4: {  	s0 =	simm.s32 @!p0 $0x3  }
0xf5: {  	_ =	swait.ge @!p0 [sflag:s0], s1  }
0xf6: {  	s1 =	ssub.s32 @!p0 $0x0, s1;
	[sflag:s0] =	ssyncset.done @!p0 $0x0  }
0xf7: {  	[sflag:s0] =	ssyncadd.s32 @!p0 s1  }
0xf8: {  	[bflag:$0x3] =	sbarrier.arrive $0xFFFF  }
0xf9: {  	_ =	shalt  }

// kernel: kernel.19.cloned.1.call-start
scs
__scs_entry_jumppad:
0x0: {  	(pc) =	sbr.rel $0x88, $3  }
0x1: {  	(tag) =	ssettag $0x0;
	lr =	simm.s32 $0x1  }
0x2: {  	[smem:$0x3F98] =	sst lr;
	_ =	strace $0xD0000000  }
0x3: {  	_ = 	snop  }
0x4: {  	_ = 	snop  }
0x5: {  	_ = 	snop  }
0x6: {  	_ = 	snop  }
0x7: {  	_ = 	snop  }
__scs_overlays_trampoline_lowered:
0x8: {  	[smem:$0x3FA7] =	sst s0  }
0x9: {  	[smem:$0x3FA8] =	sst s1  }
0xa: {  	[smem:$0x3FA9] =	sst s2  }
0xb: {  	[smem:$0x3FAA] =	sst s3  }
0xc: {  	[smem:$0x3FAB] =	sst s4  }
0xd: {  	[smem:$0x3FAC] =	sst s5  }
0xe: {  	[smem:$0x3FAD] =	sst s6  }
0xf: {  	[smem:$0x3FAE] =	sst s7  }
0x10: {  	[smem:$0x3FAF] =	sst s8  }
0x11: {  	[smem:$0x3FB0] =	sst s9;
	s0 =	simm.s32 @!p0 $0x0  }
0x12: {  	s1 =	sld [smem:$0x3F96];
	s0 =	simm.s32 @p0 $0x1  }
0x13: {  	[smem:$0x3FB1] =	sst s0;
	s0 =	simm.s32 @!p1 $0x0  }
0x14: {  	s2 =	sld [smem:$0x3F95];
	s0 =	simm.s32 @p1 $0x1  }
0x15: {  	[smem:$0x3FB2] =	sst s0;
	s0 =	simm.s32 @!p2 $0x0  }
0x16: {  	s3 =	sld [smem:$0x3FDB];
	s0 =	simm.s32 @p2 $0x1  }
0x17: {  	s4 =	simm.s32 $0x1BF5;
	[smem:$0x3FB4] =	sst s0  }
0x18: {  	s0 =	sld [smem:$0x3F97];
	_ =	swait.ge [sflag:s4], $0x0  }
0x19: {  	s7 =	sld [smem:$0x3F98]  }
0x1a: {  	s8 =	sadd.s32 $0xFFFFE003, lr  }
0x1b: {  	s9 =	sadd.s32 $0xFFFFFEF7, lr;
	s5 =	simm.s32 $0xFFFFFFFF;
	p2 =	slt.u32 s8, $0xFFFFF086  }
0x1c: {  	p1 =	slt.u32 s9, $0xF7A;
	s5 =	simm.s32 @!p2 $0x0  }
0x1d: {  	s5 =	simm.s32 @p1 $0x1;
	p0 =	seq.s32 s7, s2  }
0x1e: {  	s7 =	smul.u32 @!p0 $0xF7A, s2;
	p2 =	seq.s32 @!p0 s5, $0x0  }
0x1f: {  	s9 =	smul.u32 $0xF7A, s1;
	s8 =	simm.s32 @!p0 $0x1BF5;
	p2 =	por !p2, p0  }
0x20: {  	[sflag:s8] =	ssyncset.s32 @!p0 $0xFFFFF086;
	s6 =	sadd.s32 @!p0 s3, s7;
	s7 =	simm.s32 @!p0 $0x108  }
0x21: {  	s3 =	sadd.s32 s3, s9;
	s6 =	sadd.s32 @!p0 $0x88, s6;
	s7 =	simm.s32 @p2 $0x1082  }
0x22: {  	[simem:s7], [sflag:s8] =	dma.local @!p0 [hbm:s6], $0xF7A  }
0x23: {  	s9 =	sor.u32 $0xD0000000, s2;
	s6 =	simm.s32 $0x108;
	_ =	swait.ge @!p0 [sflag:s8], $0x0  }
0x24: {  	s3 =	sadd.s32 $0x88, s3;
	s6 =	simm.s32 @!p1 $0x1082;
	[sflag:s4] =	ssyncset.s32 $0xFFFFF086  }
0x25: {  	[simem:s6], [sflag:s4] =	dma.local [hbm:s3], $0xF7A  }
0x26: {  	[smem:$0x3F98] =	sst s1;
	(tag) =	ssettag s2;
	_ =	strace s9  }
0x27: {  	s1 =	sld [smem:$0x3FA8]  }
0x28: {  	s2 =	sld [smem:$0x3FA9]  }
0x29: {  	s4 =	sld [smem:$0x3FAB]  }
0x2a: {  	p0 =	seq.s32 s5, $0x0;
	s5 =	sld [smem:$0x3FAC]  }
0x2b: {  	s6 =	sld [smem:$0x3FAD]  }
0x2c: {  	s7 =	sld [smem:$0x3FAE]  }
0x2d: {  	s3 =	simm.s32 $0x108;
	s8 =	sld [smem:$0x3FAF]  }
0x2e: {  	s3 =	simm.s32 @!p0 $0x1082;
	s9 =	sld [smem:$0x3FB0]  }
0x2f: {  	lr =	sadd.s32 s0, s3;
	s0 =	sld [smem:$0x3FA7]  }
0x30: {  	s3 =	sld [smem:$0x3FAA]  }
0x31: {  	[smem:$0x3FB3] =	sst s10  }
0x32: {  	s10 =	sld [smem:$0x3FB1];
	_ =	sdelay $0x3  }
0x33: {  	p0 =	seq.s32 s10, $0x1;
	s10 =	sld [smem:$0x3FB3];
	_ =	sdelay $0x3  }
0x34: {  	[smem:$0x3FB3] =	sst s10  }
0x35: {  	s10 =	sld [smem:$0x3FB2];
	_ =	sdelay $0x3  }
0x36: {  	p1 =	seq.s32 s10, $0x1;
	s10 =	sld [smem:$0x3FB3];
	_ =	sdelay $0x3  }
0x37: {  	[smem:$0x3FB3] =	sst s10  }
0x38: {  	s10 =	sld [smem:$0x3FB4]  }
0x39: {  	_ = 	snop;
	(pc) =	sbr.ind lr, $3  }
0x3a: {  	_ = 	snop  }
0x3b: {  	_ = 	snop  }
0x3c: {  	p2 =	seq.s32 s10, $0x1;
	s10 =	sld [smem:$0x3FB3]  }
0x3d: {  	_ =	shalt  }
0x3e: {  	_ =	shalt  }
0x3f: {  	_ =	shalt  }
0x40: {  	_ =	shalt  }
0x41: {  	_ =	shalt  }
0x42: {  	_ =	shalt  }
0x43: {  	_ =	shalt  }
0x44: {  	_ =	shalt  }
0x45: {  	_ =	shalt  }
0x46: {  	_ =	shalt  }
0x47: {  	_ =	shalt  }
0x48: {  	_ =	shalt  }
0x49: {  	_ =	shalt  }
0x4a: {  	_ =	shalt  }
0x4b: {  	_ =	shalt  }
0x4c: {  	_ =	shalt  }
0x4d: {  	_ =	shalt  }
0x4e: {  	_ =	shalt  }
0x4f: {  	_ =	shalt  }
0x50: {  	_ =	shalt  }
0x51: {  	_ =	shalt  }
0x52: {  	_ =	shalt  }
0x53: {  	_ =	shalt  }
0x54: {  	_ =	shalt  }
0x55: {  	_ =	shalt  }
0x56: {  	_ =	shalt  }
0x57: {  	_ =	shalt  }
0x58: {  	_ =	shalt  }
0x59: {  	_ =	shalt  }
0x5a: {  	_ =	shalt  }
0x5b: {  	_ =	shalt  }
0x5c: {  	_ =	shalt  }
0x5d: {  	_ =	shalt  }
0x5e: {  	_ =	shalt  }
0x5f: {  	_ =	shalt  }
0x60: {  	_ =	shalt  }
0x61: {  	_ =	shalt  }
0x62: {  	_ =	shalt  }
0x63: {  	_ =	shalt  }
0x64: {  	_ =	shalt  }
0x65: {  	_ =	shalt  }
0x66: {  	_ =	shalt  }
0x67: {  	_ =	shalt  }
0x68: {  	_ =	shalt  }
0x69: {  	_ =	shalt  }
0x6a: {  	_ =	shalt  }
0x6b: {  	_ =	shalt  }
0x6c: {  	_ =	shalt  }
0x6d: {  	_ =	shalt  }
0x6e: {  	_ =	shalt  }
0x6f: {  	_ =	shalt  }
0x70: {  	_ =	shalt  }
0x71: {  	_ =	shalt  }
0x72: {  	_ =	shalt  }
0x73: {  	_ =	shalt  }
0x74: {  	_ =	shalt  }
0x75: {  	_ =	shalt  }
0x76: {  	_ =	shalt  }
0x77: {  	_ =	shalt  }
0x78: {  	_ =	shalt  }
0x79: {  	_ =	shalt  }
0x7a: {  	_ =	shalt  }
0x7b: {  	_ =	shalt  }
0x7c: {  	_ =	shalt  }
0x7d: {  	_ =	shalt  }
0x7e: {  	_ =	shalt  }
0x7f: {  	_ =	shalt  }
0x80: {  	_ =	shalt  }
0x81: {  	_ =	shalt  }
0x82: {  	_ =	shalt  }
0x83: {  	_ =	shalt  }
0x84: {  	_ =	shalt  }
0x85: {  	_ =	shalt  }
0x86: {  	_ =	shalt  }
0x87: {  	_ =	shalt  }
.Lfunc_end0:
.L_simem_size_0:
called_computation.3_lowered:
.L_overlay_start_0:
0x88: {  	s2 =	sld [smem:$0x3FD9]  }
0x89: {  	s3 =	sld [smem:$0x3FFE];
	_ =	sdelay $0x1  }
0x8a: {  	s1 =	srdreg.scid  }
0x8b: {  	s0 =	sand.u32 $0x1, s1  }
0x8c: {  	s17 =	sshll.u32 s0, $0xA;
	s2 =	sadd.s32 s3, s2  }
0x8d: {  	s2 =	sadd.s32 s2, s17  }
0x8e: {  	[smem:$0x3FBF] =	sst s2  }
0x8f: {  	_ = 	snop  }
0x90: {  	s2 =	sld [smem:$0x3FC7];
	(tm) =	ssettm $0x1  }
0x91: {  	s18 =	sld [smem:$0x3FFB];
	_ =	sdelay $0x3  }
0x92: {  	_ =	strace s18  }
0x93: {  	s3 =	sld [smem:$0x3FFC];
	_ =	sdelay $0x3  }
0x94: {  	_ =	strace s3  }
0x95: {  	s3 =	sld [smem:$0x3FFD];
	_ =	sdelay $0x3  }
0x96: {  	_ =	strace s3  }
0x97: {  	_ =	strace $0x8FFFFFFF  }
0x98: {  	s19 =	sld [smem:$0x3FDB];
	_ =	sdelay $0x1  }
0x99: {  	s4 =	simm.s32 $_scs_section_size  }
0x9a: {  	s5 =	simm.s32 $_size__tile_overlayer_lowered;
	s6 =	simm.s32 $_tile_overlayer_lowered  }
0x9b: {  	s22 =	simm.s32 $0x1BFF;
	s21 =	sshll.u32 s6, $0x1;
	s3 =	sadd.s32 s4, s19  }
0x9c: {  	s7 =	simm.s32 $0x0;
	s20 =	sshll.u32 s5, $0x1;
	s5 =	sadd.s32 s21, s3  }
0x9d: {  	[timem:s7], [sflag:s22] =	dma.local [hbm:s5], s20  }
0x9e: {  	_ =	swait.ge [sflag:s22], s20  }
0x9f: {  	s4 =	ssub.s32 $0x0, s20;
	[sflag:s22] =	ssyncset.done $0x0  }
0xa0: {  	[sflag:s22] =	ssyncadd.s32 s4;
	_ =	sdelay $0x1  }
0xa1: {  	s23 =	simm.s32 $0x1B8B  }
0xa2: {  	_ =	swait.ge [sflag:s23], $0x1  }
0xa3: {  	[sflag:s23] =	ssyncset.done $0x0  }
0xa4: {  	s25 =	simm.s32 $0x1B8E;
	s24 =	sld [smem:$0x3FFE];
	[sflag:s23] =	ssyncadd.s32 $0xFFFFFFFF  }
0xa5: {  	s26 =	simm.s32 $execute0_lowered;
	[smem:$0x3FD2] =	sst s25  }
0xa6: {  	s5 =	sshll.u32 s26, $0x1;
	_ =	strace $0x8000004F;
	[dreg:$0x1] =	wrdreg $0xFFFFFFFF  }
0xa7: {  	s28 =	simm.s32 $_size_execute0_lowered;
	s3 =	sadd.s32 s3, s5;
	[dreg:$0x0] =	wrdreg $0x0  }
0xa8: {  	s5 =	sshll.u32 s28, $0x1;
	[dreg:$0x2] =	wrdreg s3  }
0xa9: {  	[dreg:$0x3] =	wrdreg s5  }
0xaa: {  	[dreg:$0x4] =	wrdreg $0xC0  }
0xab: {  	_ =	task [dreg:s7], $0x5FFFF  }
0xac: {  	[dreg:$0x1] =	wrdreg $0xFFFFFFFF  }
0xad: {  	[dreg:$0x0] =	wrdreg $0x60  }
0xae: {  	[dreg:$0x2] =	wrdreg s24  }
0xaf: {  	[dreg:$0x3] =	wrdreg s2  }
0xb0: {  	[dreg:$0x4] =	wrdreg $0x9  }
0xb1: {  	_ =	task.clear_ibuf [dreg:s7], $0x5FFFF;
	_ =	strace $0x9000004F  }
0xb2: {  	s29 =	simm.s32 $0x9;
	_ =	strace $0x80000051  }
0xb3: {  	_ =	swait.ge [sflag:s29], $0x1  }
0xb4: {  	[sflag:s29] =	ssyncadd.s32 $0xFFFFFFFF  }
0xb5: {  	_ =	strace $0x90000051  }
0xb6: {  	_ =	sfence  }
0xb7: {  	s30 =	sld [smem:$0x0];
	_ =	sdelay $0x2  }
0xb8: {  	s31 =	sshll.u32 s1, $0xD;
	s1 =	sshrl.u32 s1, $0x2  }
0xb9: {  	s3 =	sand.u32 $0x4000, s31;
	s1 =	sadd.s32 s1, s30  }
0xba: {  	s0 =	sor.u32 s3, s0;
	s1 =	sshll.u32 s1, $0x11  }
0xbb: {  	s0 =	sor.u32 s1, s0  }
0xbc: {  	s0 =	sadd.s32 $0x8F2B, s0  }
0xbd: {  	[sflag:s0] =	ssyncadd.remote.s32 $0x1  }
0xbe: {  	_ =	sfence.sel $0xFFFF  }
0xbf: {  	[dreg:$0x0] =	wrdreg $0xFFFFFFFF;
	(pc) =	sbr.abs _section_cstart, $3  }
0xc0: {  	[dreg:$0x1] =	wrdreg $0xFFFFFFFF  }
0xc1: {  	_ =	task.clear_ibuf [dreg:s7], $0x2FFFF;
	_ =	strace $0x9FFFFFFF  }
0xc2: {  	(tm) =	ssettm $0x7FFFFFFF  }
0xc3: {  	_ =	shalt  }
tec
execute0_lowered:
.L_overlay_start_1:
0x0: {  	(tag) =	ssettag $0x1  }
0x1: {  	s1 =	srdreg.scid  }
0x2: {  	s8 =	rddreg [dreg:$0x0];
	s0 =	stileid.u32;
	s10 =	sand.u32 $0x1, s1  }
0x3: {  	s3 =	rddreg [dreg:$0x1];
	s4 =	sshll.u32 s0, $0x8;
	s5 =	sshll.u32 s10, $0x7  }
0x4: {  	s2 =	simm.s32 $0x0;
	s1 =	rddreg [dreg:$0x2];
	s9 =	sor.u32 s5, s4  }
0x5: {  	[smem:$0x7FF] =	sst s2;
	s4 =	sshrl.u32 s9, $0x2  }
0x6: {  	_ =	strace $0x80000050;
	s4 =	sadd.s32 s3, s4;
	s3 =	simm.s32 $0x2  }
0x7: {  	[tilespmem:s2], [sflag:$0x2] =	stream.linear.gather [hbm4b:s4+s2], $0x80, $0x38;
	[tilespmem:$0x4080] =	vst v63  }
0x8: {  	_ =	swait.ge [sflag:s3], $0x80  }
0x9: {  	s6 =	simm.s32 $0x80;
	[sflag:s3] =	ssyncset.done $0x0  }
0xa: {  	s7 =	simm.s32 $0x1;
	s5 =	sadd.s32 $0x3200, s8;
	[sflag:s3] =	ssyncadd.s32 $0xFFFFFF80  }
0xb: {  	[tilespmem:s6], [sflag:$0x1] =	stream.indirect.gather [hbm4b:s5+s6], $0x80, s2, s6, $0xb8;
	[tilespmem:$0x4080] =	vst v63  }
0xc: {  	s9 =	sshll.u32 s9, $0x4;
	_ =	swait.ge [sflag:s7], $0x4000  }
0xd: {  	s11 =	sadd.s32 s9, s8;
	[sflag:s7] =	ssyncset.done $0x0  }
0xe: {  	s8 =	sadd.s32 $0x2A400, s11;
	[sflag:s7] =	ssyncadd.s32 $0xFFFFC000  }
0xf: {  	[hbm4b:s8+s2] =	stream.linear.scatter [tilespmem:s6], [sflag:$0x2], $0x4000, $0x38;
	[tilespmem:$0x4080] =	vst v63  }
0x10: {  	_ =	swait.ge [sflag:s3], $0x4000  }
0x11: {  	[sflag:s3] =	ssyncset.done $0x0  }
0x12: {  	s10 =	ssub.s32 $0x2, s10;
	s9 =	sadd.s32 $0x10, s4;
	[sflag:s3] =	ssyncadd.s32 $0xFFFFC000  }
0x13: {  	[tilespmem:s2], [sflag:$0x2] =	stream.linear.gather [hbm4b:s9+s2], $0x80, $0x38;
	[tilespmem:$0x4080] =	vst v63  }
0x14: {  	s12 =	sshrl.u32 s10, $0x1;
	_ =	swait.ge [sflag:s3], $0x80  }
0x15: {  	s12 =	ssub.s32 s10, s12;
	[sflag:s3] =	ssyncset.done $0x0  }
0x16: {  	s31 =	smax.u32 s12, $0x1;
	[sflag:s3] =	ssyncadd.s32 $0xFFFFFF80  }
0x17: {  	[tilespmem:s6], [sflag:$0x1] =	stream.indirect.gather [hbm4b:s5+s6], $0x80, s2, s6, $0xb8;
	[tilespmem:$0x4080] =	vst v63  }
0x18: {  	p0 =	sne.s32 s31, $0x1;
	_ =	swait.ge [sflag:s7], $0x4000  }
.Ltmp0:
0x19: {  	[sflag:s7] =	ssyncset.done $0x0;
	(pc) =	sbr.rel @!p0 .LBB2_2-.Ltmp0, $4  }
0x1a: {  	s10 =	sadd.s32 $0x3A400, s11;
	[sflag:s7] =	ssyncadd.s32 $0xFFFFC000  }
0x1b: {  	[hbm4b:s10+s2] =	stream.linear.scatter [tilespmem:s6], [sflag:$0x2], $0x4000, $0x38;
	[tilespmem:$0x4080] =	vst v63  }
0x1c: {  	_ =	swait.ge [sflag:s3], $0x4000  }
0x1d: {  	s11 =	sadd.s32 $0xFFFFFFFF, s31;
	[sflag:s3] =	ssyncset.done $0x0  }
.LBB2_1:
0x1e: {  	p0 =	sne.s32 s11, $0x1;
	s11 =	sadd.s32 $0xFFFFFFFF, s11;
	[sflag:s3] =	ssyncadd.s32 $0xFFFFC000  }
0x1f: {  	[tilespmem:s2], [sflag:$0x2] =	stream.linear.gather [hbm4b:s4+s2], $0x80, $0x38;
	[tilespmem:$0x4080] =	vst v63  }
0x20: {  	_ =	swait.ge [sflag:s3], $0x80  }
0x21: {  	[sflag:s3] =	ssyncset.done $0x0  }
0x22: {  	[sflag:s3] =	ssyncadd.s32 $0xFFFFFF80  }
0x23: {  	[tilespmem:s6], [sflag:$0x1] =	stream.indirect.gather [hbm4b:s5+s6], $0x80, s2, s6, $0xb8;
	[tilespmem:$0x4080] =	vst v63  }
0x24: {  	_ =	swait.ge [sflag:s7], $0x4000  }
0x25: {  	[sflag:s7] =	ssyncset.done $0x0  }
0x26: {  	[sflag:s7] =	ssyncadd.s32 $0xFFFFC000  }
0x27: {  	[hbm4b:s8+s2] =	stream.linear.scatter [tilespmem:s6], [sflag:$0x2], $0x4000, $0x38;
	[tilespmem:$0x4080] =	vst v63  }
0x28: {  	_ =	swait.ge [sflag:s3], $0x4000  }
0x29: {  	[sflag:s3] =	ssyncset.done $0x0  }
0x2a: {  	[sflag:s3] =	ssyncadd.s32 $0xFFFFC000  }
0x2b: {  	[tilespmem:s2], [sflag:$0x2] =	stream.linear.gather [hbm4b:s9+s2], $0x80, $0x38;
	[tilespmem:$0x4080] =	vst v63  }
0x2c: {  	_ =	swait.ge [sflag:s3], $0x80  }
0x2d: {  	[sflag:s3] =	ssyncset.done $0x0  }
0x2e: {  	[sflag:s3] =	ssyncadd.s32 $0xFFFFFF80  }
0x2f: {  	[tilespmem:s6], [sflag:$0x1] =	stream.indirect.gather [hbm4b:s5+s6], $0x80, s2, s6, $0xb8;
	[tilespmem:$0x4080] =	vst v63  }
0x30: {  	_ =	swait.ge [sflag:s7], $0x4000  }
.Ltmp1:
0x31: {  	[sflag:s7] =	ssyncset.done $0x0;
	(pc) =	sbr.rel @p0 .LBB2_1-.Ltmp1, $4  }
0x32: {  	[sflag:s7] =	ssyncadd.s32 $0xFFFFC000  }
0x33: {  	[hbm4b:s10+s2] =	stream.linear.scatter [tilespmem:s6], [sflag:$0x2], $0x4000, $0x38;
	[tilespmem:$0x4080] =	vst v63  }
0x34: {  	_ =	swait.ge [sflag:s3], $0x4000  }
0x35: {  	[sflag:s3] =	ssyncset.done $0x0  }
.LBB2_2:
0x36: {  	[sflag:s3] =	ssyncadd.s32 $0xFFFFC000  }
0x37: {  	_ =	sfence.sel $0x180000  }
0x38: {  	[bflag:$0x0] =	sbarrier.arrive $0xFFFF  }
0x39: {  	p0 =	sne.s32 s0, $0x0;
	_ =	strace $0x90000050  }
0x3a: {  	s0 =	sadd.s32 @!p0 $0x100000, s1;
	[bflag:$0x2] =	sbarrier.arrive $0xFFFF  }
0x3b: {  	[sflag:s0] =	ssyncadd.tile.s32 @!p0 $0x1;
	_ =	shalt  }
.Lfunc_end2:
_tile_overlayer_lowered:
.L_overlay_start_2:
0x3c: {  	(tag) =	ssettag $0x2  }
0x3d: {  	s0 =	rddreg [dreg:$0x0];
	s2 =	stileid.u32  }
0x3e: {  	s1 =	rddreg [dreg:$0x1];
	p0 =	sne.s32 s2, $0x0  }
0x3f: {  	s3 =	rddreg [dreg:$0x2];
	[bflag:$0x3] =	sbarrier.arrive $0xFFFF;
	s2 =	simm.s32 @!p0 $0x1C02  }
0x40: {  	[timem:s3], [sflag:s2] =	dma.local @!p0 [hbm:s0], s1  }
0x41: {  	s0 =	simm.s32 @!p0 $0x2  }
0x42: {  	_ =	swait.ge @!p0 [sflag:s0], s1  }
0x43: {  	s1 =	ssub.s32 @!p0 $0x0, s1;
	[sflag:s0] =	ssyncset.done @!p0 $0x0  }
0x44: {  	[sflag:s0] =	ssyncadd.s32 @!p0 s1  }
0x45: {  	[bflag:$0x3] =	sbarrier.arrive $0xFFFF  }
0x46: {  	_ =	shalt  }

</sc_bundles>
